<compile_context>
chip_gen: v7x
topology: tpu7x:2x2x1
jax: 0.10.2.dev20260603
libtpu: 0.0.44.dev20260713+nightly
codegen_flags: <defaults>
</compile_context>

<pallas_src>
import functools

import jax
import jax.numpy as jnp
from jax import lax
from jax.experimental import pallas as pl
from jax.experimental.pallas import tpu as pltpu
from jax.experimental.pallas import tpu_sc as plsc

L = 16
NC = 2
NS = 16
NW = NC * NS

T = 16384
D = 128
R = 16
V = 1000
LBL = 100000

TPW = T // NW
APT = 64
ABASE_MAX = V - APT

_mesh = plsc.VectorSubcoreMesh(core_axis_name="c", subcore_axis_name="s")


@functools.partial(
    pl.kernel,
    out_type=jax.ShapeDtypeStruct((R, T), jnp.float32),
    mesh=_mesh,
    compiler_params=pltpu.CompilerParams(
        needs_layout_passes=False, use_tc_tiling_on_sc=False),
    scratch_types=[
        pltpu.VMEM((APT, 1, D), jnp.float32),
        pltpu.VMEM((D,), jnp.float32),
        pltpu.VMEM((L,), jnp.float32),
        pltpu.VMEM((TPW,), jnp.int32),
        pltpu.VMEM((TPW,), jnp.int32),
        pltpu.VMEM((R, TPW), jnp.float32),
        pltpu.VMEM((NS * APT,), jnp.float32),
        pltpu.VMEM((APT,), jnp.float32),
        pltpu.VMEM_SHARED((NS * APT,), jnp.float32),
        pltpu.SemaphoreType.DMA,
    ],
)
def _sc_score(ability_hbm, labels_hbm, w_hbm, bias_hbm, wkr_hbm, tsk_hbm,
              out_hbm, abuf, w_v, bias_v, wkr_v, tsk_v, rows_t, proj_v,
              pbuf, proj_shared, sem):
    cid = lax.axis_index("c")
    sid = lax.axis_index("s")
    wid = sid * NC + cid
    off = wid * TPW

    pltpu.sync_copy(wkr_hbm.at[pl.ds(off, TPW)], wkr_v)
    pltpu.sync_copy(tsk_hbm.at[pl.ds(off, TPW)], tsk_v)
    gathers = []
    for r in range(R):
        cp = pltpu.make_async_copy(
            labels_hbm.at[pl.ds(r * LBL, LBL)].at[tsk_v.at[pl.ds(0, TPW)]],
            rows_t.at[r, pl.ds(0, TPW)], sem)
        cp.start()
        gathers.append(cp)

    pltpu.sync_copy(w_hbm, w_v)
    pltpu.sync_copy(bias_hbm, bias_v)
    base = jnp.minimum(sid * APT, ABASE_MAX)
    pltpu.sync_copy(ability_hbm.at[pl.ds(base, APT)], abuf)
    wch = [w_v[pl.ds(c * L, L)] for c in range(D // L)]

    lane_iota = lax.iota(jnp.int32, L)

    def _dyn_gather(x, idx):
        return lax.gather(
            x, idx[:, None],
            dimension_numbers=lax.GatherDimensionNumbers(
                offset_dims=(), collapsed_slice_dims=(0,),
                start_index_map=(0,)),
            slice_sizes=(1,),
            mode=lax.GatherScatterMode.PROMISE_IN_BOUNDS)

    def _allsum(x):
        for sh in (1, 2, 4, 8):
            x = x + _dyn_gather(x, lane_iota ^ sh)
        return x

    def _proj_group(g, _):
        packed = jnp.zeros((L,), jnp.float32)
        for i in range(L):
            k = g * L + i
            acc = abuf[k, 0, pl.ds(0, L)] * wch[0]
            for c in range(1, D // L):
                acc = acc + abuf[k, 0, pl.ds(c * L, L)] * wch[c]
            packed = jnp.where(lane_iota == i, _allsum(acc), packed)
        pbuf[pl.ds(g * L, L)] = packed
        return _

    lax.fori_loop(0, APT // L, _proj_group, 0)
    pltpu.sync_copy(pbuf, proj_shared.at[pl.ds(base, APT)])
    plsc.subcore_barrier()
    pltpu.sync_copy(proj_shared, proj_v)

    bias_vec = bias_v[...]

    def _chunk(j, _):
        widx = wkr_v[pl.ds(j * L, L)]
        pv = plsc.load_gather(proj_v, [widx])
        s1 = 1.0 / (1.0 + jnp.exp(-(pv + bias_vec)))
        s2 = (1.0 - s1) * (1.0 / (R - 1))
        d = s1 - s2
        cols = [jnp.exp(rows_t[c, pl.ds(j * L, L)]) for c in range(R)]
        acc = cols
        while len(acc) > 1:
            acc = [a + b for a, b in zip(acc[::2], acc[1::2])]
        rinv = 1.0 / acc[0]
        for c in range(R):
            rows_t[c, pl.ds(j * L, L)] = s2 + d * (cols[c] * rinv)
        return _

    for cp in gathers:
        cp.wait()
    lax.fori_loop(0, TPW // L, _chunk, 0)
    pltpu.sync_copy(rows_t, out_hbm.at[:, pl.ds(off, TPW)])


def kernel(ability, labels, w_relation, bias, wkr, tsk):
    b16 = jnp.broadcast_to(bias.reshape(()), (L,))
    w1 = w_relation.reshape(D)
    ltf = jnp.transpose(labels.reshape(LBL, R)).reshape(R * LBL)
    out_t = _sc_score(ability, ltf, w1, b16, wkr, tsk)
    return jnp.transpose(out_t)[:, None, :]

# --- scband reference (transcript-rebuilt; emitter-appended) ---
"""Pipeline reference for scband-gladlink-predict-10892037063099 (READ-ONLY COPY).

The authoritative reference and input builder live on the scoring server;
editing this copy changes nothing except your own understanding.
"""

import jax, jax.numpy as jnp
import numpy as np

NUM_RELS = 16


def setup_inputs(seed: int = 0) -> dict:
    key = jax.random.key(seed)
    k1, k2, k3, k4, k5, k6 = jax.random.split(key, 6)
    ability = jax.random.normal(k1, (1000, 1, 128), dtype=jnp.float32)
    labels = jax.random.normal(k2, (100000, 1, NUM_RELS), dtype=jnp.float32)
    w_relation = jax.random.normal(k3, (128, 1), dtype=jnp.float32) * 0.1
    bias = jax.random.normal(k4, (1, 1), dtype=jnp.float32) * 0.1
    wkr = jax.random.randint(k5, (16384,), 0, 1000, dtype=jnp.int32)
    tsk = jax.random.randint(k6, (16384,), 0, 100000, dtype=jnp.int32)
    return {"ability": ability, "labels": labels, "w_relation": w_relation, "bias": bias, "wkr": wkr, "tsk": tsk}


def reference(ability, labels, w_relation, bias, wkr, tsk):
    # Faithful JAX translation of GLADLinkPredict.calc_score:
    #   nodes['labels'] = softmax(nodes['labels'], dim=2)  (applied to the full table)
    labels_sm = jax.nn.softmax(labels, axis=2)
    # embedding lookups (gather rows of the worker-ability and task-label tables)
    wkr_feature = jnp.take(ability, wkr, axis=0)      # [T, 1, 128]
    tsk_feature = jnp.take(labels_sm, tsk, axis=0)    # [T, 1, NUM_RELS]
    # score_part1 = sigmoid(wkr_feature @ w_relation + bias)  -> [T, 1, 1]
    score_part1 = jax.nn.sigmoid(jnp.matmul(wkr_feature, w_relation) + bias)
    score_part2 = (1.0 - score_part1) / (NUM_RELS - 1)
    # batched matmul: [T,1,1] @ [T,1,R] -> [T,1,R]
    score = jnp.matmul(score_part1, tsk_feature) + jnp.matmul(score_part2, 1.0 - tsk_feature)
    return score

if __name__ == "__main__":
    import jax
    _d = setup_inputs()
    print(jax.jit(kernel)(*tuple(_d.values())))

</pallas_src>

<mosaic_0001>
#map = affine_map<(d0, d1) -> (0, 0, 0)>
#map1 = affine_map<(d0, d1) -> (0)>
#map2 = affine_map<(d0, d1) -> (0, 0)>
module attributes {stable_mosaic.version = 14 : i64} {
  func.func @_sc_score(%arg0: i32, %arg1: i32, %arg2: memref<1000x1x128xf32, #tpu.memory_space<hbm>>, %arg3: memref<1600000xf32, #tpu.memory_space<hbm>>, %arg4: memref<128xf32, #tpu.memory_space<hbm>>, %arg5: memref<16xf32, #tpu.memory_space<hbm>>, %arg6: memref<16384xi32, #tpu.memory_space<hbm>>, %arg7: memref<16384xi32, #tpu.memory_space<hbm>>, %arg8: memref<16x16384xf32, #tpu.memory_space<hbm>>, %arg9: memref<64x1x128xf32, #tpu.memory_space<vmem>>, %arg10: memref<128xf32, #tpu.memory_space<vmem>>, %arg11: memref<16xf32, #tpu.memory_space<vmem>>, %arg12: memref<512xi32, #tpu.memory_space<vmem>>, %arg13: memref<512xi32, #tpu.memory_space<vmem>>, %arg14: memref<16x512xf32, #tpu.memory_space<vmem>>, %arg15: memref<1024xf32, #tpu.memory_space<vmem>>, %arg16: memref<64xf32, #tpu.memory_space<vmem>>, %arg17: memref<1024xf32, #tpu.memory_space<vmem_shared>>, %arg18: memref<!tpu.dma_semaphore, #tpu.memory_space<semaphore_mem>>) attributes {dimension_semantics = [#tpu.dimension_semantics<core_parallel>, #tpu.dimension_semantics<subcore_parallel>], iteration_bounds = array<i64: 2, 16>, scalar_prefetch = 0 : i64, scratch_operands = 10 : i64, tpu.core_type = #tpu.core_type<sc_vector_subcore>, window_params = [{transform_indices = #map}, {transform_indices = #map1}, {transform_indices = #map1}, {transform_indices = #map1}, {transform_indices = #map1}, {transform_indices = #map1}, {transform_indices = #map2}]} {
    %mul3A = arith.constant 2 : i32
    %mul3A_0 = arith.muli %arg1, %mul3A : i32
    %add3A = arith.addi %mul3A_0, %arg0 : i32
    %mul3A_1 = arith.constant 512 : i32
    %mul3A_2 = arith.muli %add3A, %mul3A_1 : i32
    "tpu.region"() ({
      %run_scoped3A = tpu.sem_alloc : memref<!tpu.dma_semaphore, #tpu.memory_space<semaphore_mem>>
      %dma_start3A_352 = tpu.memref_slice %arg6[%mul3A_2] : memref<16384xi32, #tpu.memory_space<hbm>> -> memref<512xi32, #tpu.memory_space<hbm>>
      %dma_start3A_353 = tpu.memref_slice %arg6[%mul3A_2] : memref<16384xi32, #tpu.memory_space<hbm>> -> memref<512xi32, #tpu.memory_space<hbm>>
      tpu.enqueue_dma source(%dma_start3A_353 : memref<512xi32, #tpu.memory_space<hbm>>) target(%arg12 : memref<512xi32, #tpu.memory_space<vmem>>) target_semaphore(%run_scoped3A : memref<!tpu.dma_semaphore, #tpu.memory_space<semaphore_mem>>)
      %dma_wait3A_354 = tpu.memref_slice %arg6[%mul3A_2] : memref<16384xi32, #tpu.memory_space<hbm>> -> memref<512xi32, #tpu.memory_space<hbm>>
      %dma_wait3A_355 = tpu.memref_slice %arg6[%mul3A_2] : memref<16384xi32, #tpu.memory_space<hbm>> -> memref<512xi32, #tpu.memory_space<hbm>>
      tpu.wait_dma2 semaphore(%run_scoped3A : memref<!tpu.dma_semaphore, #tpu.memory_space<semaphore_mem>>) src(%dma_wait3A_355 : memref<512xi32, #tpu.memory_space<hbm>>) dst(%arg12 : memref<512xi32, #tpu.memory_space<vmem>>)
      tpu.yield
    }) : () -> ()
    "tpu.region"() ({
      %run_scoped3A = tpu.sem_alloc : memref<!tpu.dma_semaphore, #tpu.memory_space<semaphore_mem>>
      %dma_start3A_352 = tpu.memref_slice %arg7[%mul3A_2] : memref<16384xi32, #tpu.memory_space<hbm>> -> memref<512xi32, #tpu.memory_space<hbm>>
      %dma_start3A_353 = tpu.memref_slice %arg7[%mul3A_2] : memref<16384xi32, #tpu.memory_space<hbm>> -> memref<512xi32, #tpu.memory_space<hbm>>
      tpu.enqueue_dma source(%dma_start3A_353 : memref<512xi32, #tpu.memory_space<hbm>>) target(%arg13 : memref<512xi32, #tpu.memory_space<vmem>>) target_semaphore(%run_scoped3A : memref<!tpu.dma_semaphore, #tpu.memory_space<semaphore_mem>>)
      %dma_wait3A_354 = tpu.memref_slice %arg7[%mul3A_2] : memref<16384xi32, #tpu.memory_space<hbm>> -> memref<512xi32, #tpu.memory_space<hbm>>
      %dma_wait3A_355 = tpu.memref_slice %arg7[%mul3A_2] : memref<16384xi32, #tpu.memory_space<hbm>> -> memref<512xi32, #tpu.memory_space<hbm>>
      tpu.wait_dma2 semaphore(%run_scoped3A : memref<!tpu.dma_semaphore, #tpu.memory_space<semaphore_mem>>) src(%dma_wait3A_355 : memref<512xi32, #tpu.memory_space<hbm>>) dst(%arg13 : memref<512xi32, #tpu.memory_space<vmem>>)
      tpu.yield
    }) : () -> ()
    %dma_start3A = arith.constant 0 : i32
    %dma_start3A_3 = arith.constant 0 : i32
    %dma_start3A_4 = tpu.memref_slice %arg14[%dma_start3A, %dma_start3A_3] : memref<16x512xf32, #tpu.memory_space<vmem>> -> memref<1x512xf32, #tpu.memory_space<vmem>>
    %dma_start3A_5 = tpu.memref_squeeze %dma_start3A_4 : memref<1x512xf32, #tpu.memory_space<vmem>> -> memref<512xf32, #tpu.memory_space<vmem>>
    %dma_start3A_6 = arith.constant 0 : i32
    %dma_start3A_7 = tpu.memref_slice %arg13[%dma_start3A_6] : memref<512xi32, #tpu.memory_space<vmem>> -> memref<512xi32, #tpu.memory_space<vmem>>
    %dma_start3A_8 = arith.constant 0 : i32
    %dma_start3A_9 = tpu.memref_slice %arg3[%dma_start3A_8] : memref<1600000xf32, #tpu.memory_space<hbm>> -> memref<100000xf32, #tpu.memory_space<hbm>>
    %dma_start3A_10 = arith.constant 0 : i32
    %dma_start3A_11 = tpu.memref_slice %dma_start3A_9[%dma_start3A_10] : memref<100000xf32, #tpu.memory_space<hbm>> -> memref<100000xf32, #tpu.memory_space<hbm>>
    tpu.enqueue_indirect_dma source(%dma_start3A_11 : memref<100000xf32, #tpu.memory_space<hbm>>) target(%dma_start3A_5 : memref<512xf32, #tpu.memory_space<vmem>>) offsets(%dma_start3A_7 : memref<512xi32, #tpu.memory_space<vmem>>) semaphore(%arg18 : memref<!tpu.dma_semaphore, #tpu.memory_space<semaphore_mem>>)
    %dma_start3A_12 = arith.constant 1 : i32
    %dma_start3A_13 = arith.constant 0 : i32
    %dma_start3A_14 = tpu.memref_slice %arg14[%dma_start3A_12, %dma_start3A_13] : memref<16x512xf32, #tpu.memory_space<vmem>> -> memref<1x512xf32, #tpu.memory_space<vmem>>
    %dma_start3A_15 = tpu.memref_squeeze %dma_start3A_14 : memref<1x512xf32, #tpu.memory_space<vmem>> -> memref<512xf32, #tpu.memory_space<vmem>>
    %dma_start3A_16 = arith.constant 0 : i32
    %dma_start3A_17 = tpu.memref_slice %arg13[%dma_start3A_16] : memref<512xi32, #tpu.memory_space<vmem>> -> memref<512xi32, #tpu.memory_space<vmem>>
    %dma_start3A_18 = arith.constant 100000 : i32
    %dma_start3A_19 = tpu.memref_slice %arg3[%dma_start3A_18] : memref<1600000xf32, #tpu.memory_space<hbm>> -> memref<100000xf32, #tpu.memory_space<hbm>>
    %dma_start3A_20 = arith.constant 0 : i32
    %dma_start3A_21 = tpu.memref_slice %dma_start3A_19[%dma_start3A_20] : memref<100000xf32, #tpu.memory_space<hbm>> -> memref<100000xf32, #tpu.memory_space<hbm>>
    tpu.enqueue_indirect_dma source(%dma_start3A_21 : memref<100000xf32, #tpu.memory_space<hbm>>) target(%dma_start3A_15 : memref<512xf32, #tpu.memory_space<vmem>>) offsets(%dma_start3A_17 : memref<512xi32, #tpu.memory_space<vmem>>) semaphore(%arg18 : memref<!tpu.dma_semaphore, #tpu.memory_space<semaphore_mem>>)
    %dma_start3A_22 = arith.constant 2 : i32
    %dma_start3A_23 = arith.constant 0 : i32
    %dma_start3A_24 = tpu.memref_slice %arg14[%dma_start3A_22, %dma_start3A_23] : memref<16x512xf32, #tpu.memory_space<vmem>> -> memref<1x512xf32, #tpu.memory_space<vmem>>
    %dma_start3A_25 = tpu.memref_squeeze %dma_start3A_24 : memref<1x512xf32, #tpu.memory_space<vmem>> -> memref<512xf32, #tpu.memory_space<vmem>>
    %dma_start3A_26 = arith.constant 0 : i32
    %dma_start3A_27 = tpu.memref_slice %arg13[%dma_start3A_26] : memref<512xi32, #tpu.memory_space<vmem>> -> memref<512xi32, #tpu.memory_space<vmem>>
    %dma_start3A_28 = arith.constant 200000 : i32
    %dma_start3A_29 = tpu.memref_slice %arg3[%dma_start3A_28] : memref<1600000xf32, #tpu.memory_space<hbm>> -> memref<100000xf32, #tpu.memory_space<hbm>>
    %dma_start3A_30 = arith.constant 0 : i32
    %dma_start3A_31 = tpu.memref_slice %dma_start3A_29[%dma_start3A_30] : memref<100000xf32, #tpu.memory_space<hbm>> -> memref<100000xf32, #tpu.memory_space<hbm>>
    tpu.enqueue_indirect_dma source(%dma_start3A_31 : memref<100000xf32, #tpu.memory_space<hbm>>) target(%dma_start3A_25 : memref<512xf32, #tpu.memory_space<vmem>>) offsets(%dma_start3A_27 : memref<512xi32, #tpu.memory_space<vmem>>) semaphore(%arg18 : memref<!tpu.dma_semaphore, #tpu.memory_space<semaphore_mem>>)
    %dma_start3A_32 = arith.constant 3 : i32
    %dma_start3A_33 = arith.constant 0 : i32
    %dma_start3A_34 = tpu.memref_slice %arg14[%dma_start3A_32, %dma_start3A_33] : memref<16x512xf32, #tpu.memory_space<vmem>> -> memref<1x512xf32, #tpu.memory_space<vmem>>
    %dma_start3A_35 = tpu.memref_squeeze %dma_start3A_34 : memref<1x512xf32, #tpu.memory_space<vmem>> -> memref<512xf32, #tpu.memory_space<vmem>>
    %dma_start3A_36 = arith.constant 0 : i32
    %dma_start3A_37 = tpu.memref_slice %arg13[%dma_start3A_36] : memref<512xi32, #tpu.memory_space<vmem>> -> memref<512xi32, #tpu.memory_space<vmem>>
    %dma_start3A_38 = arith.constant 300000 : i32
    %dma_start3A_39 = tpu.memref_slice %arg3[%dma_start3A_38] : memref<1600000xf32, #tpu.memory_space<hbm>> -> memref<100000xf32, #tpu.memory_space<hbm>>
    %dma_start3A_40 = arith.constant 0 : i32
    %dma_start3A_41 = tpu.memref_slice %dma_start3A_39[%dma_start3A_40] : memref<100000xf32, #tpu.memory_space<hbm>> -> memref<100000xf32, #tpu.memory_space<hbm>>
    tpu.enqueue_indirect_dma source(%dma_start3A_41 : memref<100000xf32, #tpu.memory_space<hbm>>) target(%dma_start3A_35 : memref<512xf32, #tpu.memory_space<vmem>>) offsets(%dma_start3A_37 : memref<512xi32, #tpu.memory_space<vmem>>) semaphore(%arg18 : memref<!tpu.dma_semaphore, #tpu.memory_space<semaphore_mem>>)
    %dma_start3A_42 = arith.constant 4 : i32
    %dma_start3A_43 = arith.constant 0 : i32
    %dma_start3A_44 = tpu.memref_slice %arg14[%dma_start3A_42, %dma_start3A_43] : memref<16x512xf32, #tpu.memory_space<vmem>> -> memref<1x512xf32, #tpu.memory_space<vmem>>
    %dma_start3A_45 = tpu.memref_squeeze %dma_start3A_44 : memref<1x512xf32, #tpu.memory_space<vmem>> -> memref<512xf32, #tpu.memory_space<vmem>>
    %dma_start3A_46 = arith.constant 0 : i32
    %dma_start3A_47 = tpu.memref_slice %arg13[%dma_start3A_46] : memref<512xi32, #tpu.memory_space<vmem>> -> memref<512xi32, #tpu.memory_space<vmem>>
    %dma_start3A_48 = arith.constant 400000 : i32
    %dma_start3A_49 = tpu.memref_slice %arg3[%dma_start3A_48] : memref<1600000xf32, #tpu.memory_space<hbm>> -> memref<100000xf32, #tpu.memory_space<hbm>>
    %dma_start3A_50 = arith.constant 0 : i32
    %dma_start3A_51 = tpu.memref_slice %dma_start3A_49[%dma_start3A_50] : memref<100000xf32, #tpu.memory_space<hbm>> -> memref<100000xf32, #tpu.memory_space<hbm>>
    tpu.enqueue_indirect_dma source(%dma_start3A_51 : memref<100000xf32, #tpu.memory_space<hbm>>) target(%dma_start3A_45 : memref<512xf32, #tpu.memory_space<vmem>>) offsets(%dma_start3A_47 : memref<512xi32, #tpu.memory_space<vmem>>) semaphore(%arg18 : memref<!tpu.dma_semaphore, #tpu.memory_space<semaphore_mem>>)
    %dma_start3A_52 = arith.constant 5 : i32
    %dma_start3A_53 = arith.constant 0 : i32
    %dma_start3A_54 = tpu.memref_slice %arg14[%dma_start3A_52, %dma_start3A_53] : memref<16x512xf32, #tpu.memory_space<vmem>> -> memref<1x512xf32, #tpu.memory_space<vmem>>
    %dma_start3A_55 = tpu.memref_squeeze %dma_start3A_54 : memref<1x512xf32, #tpu.memory_space<vmem>> -> memref<512xf32, #tpu.memory_space<vmem>>
    %dma_start3A_56 = arith.constant 0 : i32
    %dma_start3A_57 = tpu.memref_slice %arg13[%dma_start3A_56] : memref<512xi32, #tpu.memory_space<vmem>> -> memref<512xi32, #tpu.memory_space<vmem>>
    %dma_start3A_58 = arith.constant 500000 : i32
    %dma_start3A_59 = tpu.memref_slice %arg3[%dma_start3A_58] : memref<1600000xf32, #tpu.memory_space<hbm>> -> memref<100000xf32, #tpu.memory_space<hbm>>
    %dma_start3A_60 = arith.constant 0 : i32
    %dma_start3A_61 = tpu.memref_slice %dma_start3A_59[%dma_start3A_60] : memref<100000xf32, #tpu.memory_space<hbm>> -> memref<100000xf32, #tpu.memory_space<hbm>>
    tpu.enqueue_indirect_dma source(%dma_start3A_61 : memref<100000xf32, #tpu.memory_space<hbm>>) target(%dma_start3A_55 : memref<512xf32, #tpu.memory_space<vmem>>) offsets(%dma_start3A_57 : memref<512xi32, #tpu.memory_space<vmem>>) semaphore(%arg18 : memref<!tpu.dma_semaphore, #tpu.memory_space<semaphore_mem>>)
    %dma_start3A_62 = arith.constant 6 : i32
    %dma_start3A_63 = arith.constant 0 : i32
    %dma_start3A_64 = tpu.memref_slice %arg14[%dma_start3A_62, %dma_start3A_63] : memref<16x512xf32, #tpu.memory_space<vmem>> -> memref<1x512xf32, #tpu.memory_space<vmem>>
    %dma_start3A_65 = tpu.memref_squeeze %dma_start3A_64 : memref<1x512xf32, #tpu.memory_space<vmem>> -> memref<512xf32, #tpu.memory_space<vmem>>
    %dma_start3A_66 = arith.constant 0 : i32
    %dma_start3A_67 = tpu.memref_slice %arg13[%dma_start3A_66] : memref<512xi32, #tpu.memory_space<vmem>> -> memref<512xi32, #tpu.memory_space<vmem>>
    %dma_start3A_68 = arith.constant 600000 : i32
    %dma_start3A_69 = tpu.memref_slice %arg3[%dma_start3A_68] : memref<1600000xf32, #tpu.memory_space<hbm>> -> memref<100000xf32, #tpu.memory_space<hbm>>
    %dma_start3A_70 = arith.constant 0 : i32
    %dma_start3A_71 = tpu.memref_slice %dma_start3A_69[%dma_start3A_70] : memref<100000xf32, #tpu.memory_space<hbm>> -> memref<100000xf32, #tpu.memory_space<hbm>>
    tpu.enqueue_indirect_dma source(%dma_start3A_71 : memref<100000xf32, #tpu.memory_space<hbm>>) target(%dma_start3A_65 : memref<512xf32, #tpu.memory_space<vmem>>) offsets(%dma_start3A_67 : memref<512xi32, #tpu.memory_space<vmem>>) semaphore(%arg18 : memref<!tpu.dma_semaphore, #tpu.memory_space<semaphore_mem>>)
    %dma_start3A_72 = arith.constant 7 : i32
    %dma_start3A_73 = arith.constant 0 : i32
    %dma_start3A_74 = tpu.memref_slice %arg14[%dma_start3A_72, %dma_start3A_73] : memref<16x512xf32, #tpu.memory_space<vmem>> -> memref<1x512xf32, #tpu.memory_space<vmem>>
    %dma_start3A_75 = tpu.memref_squeeze %dma_start3A_74 : memref<1x512xf32, #tpu.memory_space<vmem>> -> memref<512xf32, #tpu.memory_space<vmem>>
    %dma_start3A_76 = arith.constant 0 : i32
    %dma_start3A_77 = tpu.memref_slice %arg13[%dma_start3A_76] : memref<512xi32, #tpu.memory_space<vmem>> -> memref<512xi32, #tpu.memory_space<vmem>>
    %dma_start3A_78 = arith.constant 700000 : i32
    %dma_start3A_79 = tpu.memref_slice %arg3[%dma_start3A_78] : memref<1600000xf32, #tpu.memory_space<hbm>> -> memref<100000xf32, #tpu.memory_space<hbm>>
    %dma_start3A_80 = arith.constant 0 : i32
    %dma_start3A_81 = tpu.memref_slice %dma_start3A_79[%dma_start3A_80] : memref<100000xf32, #tpu.memory_space<hbm>> -> memref<100000xf32, #tpu.memory_space<hbm>>
    tpu.enqueue_indirect_dma source(%dma_start3A_81 : memref<100000xf32, #tpu.memory_space<hbm>>) target(%dma_start3A_75 : memref<512xf32, #tpu.memory_space<vmem>>) offsets(%dma_start3A_77 : memref<512xi32, #tpu.memory_space<vmem>>) semaphore(%arg18 : memref<!tpu.dma_semaphore, #tpu.memory_space<semaphore_mem>>)
    %dma_start3A_82 = arith.constant 8 : i32
    %dma_start3A_83 = arith.constant 0 : i32
    %dma_start3A_84 = tpu.memref_slice %arg14[%dma_start3A_82, %dma_start3A_83] : memref<16x512xf32, #tpu.memory_space<vmem>> -> memref<1x512xf32, #tpu.memory_space<vmem>>
    %dma_start3A_85 = tpu.memref_squeeze %dma_start3A_84 : memref<1x512xf32, #tpu.memory_space<vmem>> -> memref<512xf32, #tpu.memory_space<vmem>>
    %dma_start3A_86 = arith.constant 0 : i32
    %dma_start3A_87 = tpu.memref_slice %arg13[%dma_start3A_86] : memref<512xi32, #tpu.memory_space<vmem>> -> memref<512xi32, #tpu.memory_space<vmem>>
    %dma_start3A_88 = arith.constant 800000 : i32
    %dma_start3A_89 = tpu.memref_slice %arg3[%dma_start3A_88] : memref<1600000xf32, #tpu.memory_space<hbm>> -> memref<100000xf32, #tpu.memory_space<hbm>>
    %dma_start3A_90 = arith.constant 0 : i32
    %dma_start3A_91 = tpu.memref_slice %dma_start3A_89[%dma_start3A_90] : memref<100000xf32, #tpu.memory_space<hbm>> -> memref<100000xf32, #tpu.memory_space<hbm>>
    tpu.enqueue_indirect_dma source(%dma_start3A_91 : memref<100000xf32, #tpu.memory_space<hbm>>) target(%dma_start3A_85 : memref<512xf32, #tpu.memory_space<vmem>>) offsets(%dma_start3A_87 : memref<512xi32, #tpu.memory_space<vmem>>) semaphore(%arg18 : memref<!tpu.dma_semaphore, #tpu.memory_space<semaphore_mem>>)
    %dma_start3A_92 = arith.constant 9 : i32
    %dma_start3A_93 = arith.constant 0 : i32
    %dma_start3A_94 = tpu.memref_slice %arg14[%dma_start3A_92, %dma_start3A_93] : memref<16x512xf32, #tpu.memory_space<vmem>> -> memref<1x512xf32, #tpu.memory_space<vmem>>
    %dma_start3A_95 = tpu.memref_squeeze %dma_start3A_94 : memref<1x512xf32, #tpu.memory_space<vmem>> -> memref<512xf32, #tpu.memory_space<vmem>>
    %dma_start3A_96 = arith.constant 0 : i32
    %dma_start3A_97 = tpu.memref_slice %arg13[%dma_start3A_96] : memref<512xi32, #tpu.memory_space<vmem>> -> memref<512xi32, #tpu.memory_space<vmem>>
    %dma_start3A_98 = arith.constant 900000 : i32
    %dma_start3A_99 = tpu.memref_slice %arg3[%dma_start3A_98] : memref<1600000xf32, #tpu.memory_space<hbm>> -> memref<100000xf32, #tpu.memory_space<hbm>>
    %dma_start3A_100 = arith.constant 0 : i32
    %dma_start3A_101 = tpu.memref_slice %dma_start3A_99[%dma_start3A_100] : memref<100000xf32, #tpu.memory_space<hbm>> -> memref<100000xf32, #tpu.memory_space<hbm>>
    tpu.enqueue_indirect_dma source(%dma_start3A_101 : memref<100000xf32, #tpu.memory_space<hbm>>) target(%dma_start3A_95 : memref<512xf32, #tpu.memory_space<vmem>>) offsets(%dma_start3A_97 : memref<512xi32, #tpu.memory_space<vmem>>) semaphore(%arg18 : memref<!tpu.dma_semaphore, #tpu.memory_space<semaphore_mem>>)
    %dma_start3A_102 = arith.constant 10 : i32
    %dma_start3A_103 = arith.constant 0 : i32
    %dma_start3A_104 = tpu.memref_slice %arg14[%dma_start3A_102, %dma_start3A_103] : memref<16x512xf32, #tpu.memory_space<vmem>> -> memref<1x512xf32, #tpu.memory_space<vmem>>
    %dma_start3A_105 = tpu.memref_squeeze %dma_start3A_104 : memref<1x512xf32, #tpu.memory_space<vmem>> -> memref<512xf32, #tpu.memory_space<vmem>>
    %dma_start3A_106 = arith.constant 0 : i32
    %dma_start3A_107 = tpu.memref_slice %arg13[%dma_start3A_106] : memref<512xi32, #tpu.memory_space<vmem>> -> memref<512xi32, #tpu.memory_space<vmem>>
    %dma_start3A_108 = arith.constant 1000000 : i32
    %dma_start3A_109 = tpu.memref_slice %arg3[%dma_start3A_108] : memref<1600000xf32, #tpu.memory_space<hbm>> -> memref<100000xf32, #tpu.memory_space<hbm>>
    %dma_start3A_110 = arith.constant 0 : i32
    %dma_start3A_111 = tpu.memref_slice %dma_start3A_109[%dma_start3A_110] : memref<100000xf32, #tpu.memory_space<hbm>> -> memref<100000xf32, #tpu.memory_space<hbm>>
    tpu.enqueue_indirect_dma source(%dma_start3A_111 : memref<100000xf32, #tpu.memory_space<hbm>>) target(%dma_start3A_105 : memref<512xf32, #tpu.memory_space<vmem>>) offsets(%dma_start3A_107 : memref<512xi32, #tpu.memory_space<vmem>>) semaphore(%arg18 : memref<!tpu.dma_semaphore, #tpu.memory_space<semaphore_mem>>)
    %dma_start3A_112 = arith.constant 11 : i32
    %dma_start3A_113 = arith.constant 0 : i32
    %dma_start3A_114 = tpu.memref_slice %arg14[%dma_start3A_112, %dma_start3A_113] : memref<16x512xf32, #tpu.memory_space<vmem>> -> memref<1x512xf32, #tpu.memory_space<vmem>>
    %dma_start3A_115 = tpu.memref_squeeze %dma_start3A_114 : memref<1x512xf32, #tpu.memory_space<vmem>> -> memref<512xf32, #tpu.memory_space<vmem>>
    %dma_start3A_116 = arith.constant 0 : i32
    %dma_start3A_117 = tpu.memref_slice %arg13[%dma_start3A_116] : memref<512xi32, #tpu.memory_space<vmem>> -> memref<512xi32, #tpu.memory_space<vmem>>
    %dma_start3A_118 = arith.constant 1100000 : i32
    %dma_start3A_119 = tpu.memref_slice %arg3[%dma_start3A_118] : memref<1600000xf32, #tpu.memory_space<hbm>> -> memref<100000xf32, #tpu.memory_space<hbm>>
    %dma_start3A_120 = arith.constant 0 : i32
    %dma_start3A_121 = tpu.memref_slice %dma_start3A_119[%dma_start3A_120] : memref<100000xf32, #tpu.memory_space<hbm>> -> memref<100000xf32, #tpu.memory_space<hbm>>
    tpu.enqueue_indirect_dma source(%dma_start3A_121 : memref<100000xf32, #tpu.memory_space<hbm>>) target(%dma_start3A_115 : memref<512xf32, #tpu.memory_space<vmem>>) offsets(%dma_start3A_117 : memref<512xi32, #tpu.memory_space<vmem>>) semaphore(%arg18 : memref<!tpu.dma_semaphore, #tpu.memory_space<semaphore_mem>>)
    %dma_start3A_122 = arith.constant 12 : i32
    %dma_start3A_123 = arith.constant 0 : i32
    %dma_start3A_124 = tpu.memref_slice %arg14[%dma_start3A_122, %dma_start3A_123] : memref<16x512xf32, #tpu.memory_space<vmem>> -> memref<1x512xf32, #tpu.memory_space<vmem>>
    %dma_start3A_125 = tpu.memref_squeeze %dma_start3A_124 : memref<1x512xf32, #tpu.memory_space<vmem>> -> memref<512xf32, #tpu.memory_space<vmem>>
    %dma_start3A_126 = arith.constant 0 : i32
    %dma_start3A_127 = tpu.memref_slice %arg13[%dma_start3A_126] : memref<512xi32, #tpu.memory_space<vmem>> -> memref<512xi32, #tpu.memory_space<vmem>>
    %dma_start3A_128 = arith.constant 1200000 : i32
    %dma_start3A_129 = tpu.memref_slice %arg3[%dma_start3A_128] : memref<1600000xf32, #tpu.memory_space<hbm>> -> memref<100000xf32, #tpu.memory_space<hbm>>
    %dma_start3A_130 = arith.constant 0 : i32
    %dma_start3A_131 = tpu.memref_slice %dma_start3A_129[%dma_start3A_130] : memref<100000xf32, #tpu.memory_space<hbm>> -> memref<100000xf32, #tpu.memory_space<hbm>>
    tpu.enqueue_indirect_dma source(%dma_start3A_131 : memref<100000xf32, #tpu.memory_space<hbm>>) target(%dma_start3A_125 : memref<512xf32, #tpu.memory_space<vmem>>) offsets(%dma_start3A_127 : memref<512xi32, #tpu.memory_space<vmem>>) semaphore(%arg18 : memref<!tpu.dma_semaphore, #tpu.memory_space<semaphore_mem>>)
    %dma_start3A_132 = arith.constant 13 : i32
    %dma_start3A_133 = arith.constant 0 : i32
    %dma_start3A_134 = tpu.memref_slice %arg14[%dma_start3A_132, %dma_start3A_133] : memref<16x512xf32, #tpu.memory_space<vmem>> -> memref<1x512xf32, #tpu.memory_space<vmem>>
    %dma_start3A_135 = tpu.memref_squeeze %dma_start3A_134 : memref<1x512xf32, #tpu.memory_space<vmem>> -> memref<512xf32, #tpu.memory_space<vmem>>
    %dma_start3A_136 = arith.constant 0 : i32
    %dma_start3A_137 = tpu.memref_slice %arg13[%dma_start3A_136] : memref<512xi32, #tpu.memory_space<vmem>> -> memref<512xi32, #tpu.memory_space<vmem>>
    %dma_start3A_138 = arith.constant 1300000 : i32
    %dma_start3A_139 = tpu.memref_slice %arg3[%dma_start3A_138] : memref<1600000xf32, #tpu.memory_space<hbm>> -> memref<100000xf32, #tpu.memory_space<hbm>>
    %dma_start3A_140 = arith.constant 0 : i32
    %dma_start3A_141 = tpu.memref_slice %dma_start3A_139[%dma_start3A_140] : memref<100000xf32, #tpu.memory_space<hbm>> -> memref<100000xf32, #tpu.memory_space<hbm>>
    tpu.enqueue_indirect_dma source(%dma_start3A_141 : memref<100000xf32, #tpu.memory_space<hbm>>) target(%dma_start3A_135 : memref<512xf32, #tpu.memory_space<vmem>>) offsets(%dma_start3A_137 : memref<512xi32, #tpu.memory_space<vmem>>) semaphore(%arg18 : memref<!tpu.dma_semaphore, #tpu.memory_space<semaphore_mem>>)
    %dma_start3A_142 = arith.constant 14 : i32
    %dma_start3A_143 = arith.constant 0 : i32
    %dma_start3A_144 = tpu.memref_slice %arg14[%dma_start3A_142, %dma_start3A_143] : memref<16x512xf32, #tpu.memory_space<vmem>> -> memref<1x512xf32, #tpu.memory_space<vmem>>
    %dma_start3A_145 = tpu.memref_squeeze %dma_start3A_144 : memref<1x512xf32, #tpu.memory_space<vmem>> -> memref<512xf32, #tpu.memory_space<vmem>>
    %dma_start3A_146 = arith.constant 0 : i32
    %dma_start3A_147 = tpu.memref_slice %arg13[%dma_start3A_146] : memref<512xi32, #tpu.memory_space<vmem>> -> memref<512xi32, #tpu.memory_space<vmem>>
    %dma_start3A_148 = arith.constant 1400000 : i32
    %dma_start3A_149 = tpu.memref_slice %arg3[%dma_start3A_148] : memref<1600000xf32, #tpu.memory_space<hbm>> -> memref<100000xf32, #tpu.memory_space<hbm>>
    %dma_start3A_150 = arith.constant 0 : i32
    %dma_start3A_151 = tpu.memref_slice %dma_start3A_149[%dma_start3A_150] : memref<100000xf32, #tpu.memory_space<hbm>> -> memref<100000xf32, #tpu.memory_space<hbm>>
    tpu.enqueue_indirect_dma source(%dma_start3A_151 : memref<100000xf32, #tpu.memory_space<hbm>>) target(%dma_start3A_145 : memref<512xf32, #tpu.memory_space<vmem>>) offsets(%dma_start3A_147 : memref<512xi32, #tpu.memory_space<vmem>>) semaphore(%arg18 : memref<!tpu.dma_semaphore, #tpu.memory_space<semaphore_mem>>)
    %dma_start3A_152 = arith.constant 15 : i32
    %dma_start3A_153 = arith.constant 0 : i32
    %dma_start3A_154 = tpu.memref_slice %arg14[%dma_start3A_152, %dma_start3A_153] : memref<16x512xf32, #tpu.memory_space<vmem>> -> memref<1x512xf32, #tpu.memory_space<vmem>>
    %dma_start3A_155 = tpu.memref_squeeze %dma_start3A_154 : memref<1x512xf32, #tpu.memory_space<vmem>> -> memref<512xf32, #tpu.memory_space<vmem>>
    %dma_start3A_156 = arith.constant 0 : i32
    %dma_start3A_157 = tpu.memref_slice %arg13[%dma_start3A_156] : memref<512xi32, #tpu.memory_space<vmem>> -> memref<512xi32, #tpu.memory_space<vmem>>
    %dma_start3A_158 = arith.constant 1500000 : i32
    %dma_start3A_159 = tpu.memref_slice %arg3[%dma_start3A_158] : memref<1600000xf32, #tpu.memory_space<hbm>> -> memref<100000xf32, #tpu.memory_space<hbm>>
    %dma_start3A_160 = arith.constant 0 : i32
    %dma_start3A_161 = tpu.memref_slice %dma_start3A_159[%dma_start3A_160] : memref<100000xf32, #tpu.memory_space<hbm>> -> memref<100000xf32, #tpu.memory_space<hbm>>
    tpu.enqueue_indirect_dma source(%dma_start3A_161 : memref<100000xf32, #tpu.memory_space<hbm>>) target(%dma_start3A_155 : memref<512xf32, #tpu.memory_space<vmem>>) offsets(%dma_start3A_157 : memref<512xi32, #tpu.memory_space<vmem>>) semaphore(%arg18 : memref<!tpu.dma_semaphore, #tpu.memory_space<semaphore_mem>>)
    "tpu.region"() ({
      %run_scoped3A = tpu.sem_alloc : memref<!tpu.dma_semaphore, #tpu.memory_space<semaphore_mem>>
      tpu.enqueue_dma source(%arg4 : memref<128xf32, #tpu.memory_space<hbm>>) target(%arg10 : memref<128xf32, #tpu.memory_space<vmem>>) target_semaphore(%run_scoped3A : memref<!tpu.dma_semaphore, #tpu.memory_space<semaphore_mem>>)
      tpu.wait_dma2 semaphore(%run_scoped3A : memref<!tpu.dma_semaphore, #tpu.memory_space<semaphore_mem>>) src(%arg4 : memref<128xf32, #tpu.memory_space<hbm>>) dst(%arg10 : memref<128xf32, #tpu.memory_space<vmem>>)
      tpu.yield
    }) : () -> ()
    "tpu.region"() ({
      %run_scoped3A = tpu.sem_alloc : memref<!tpu.dma_semaphore, #tpu.memory_space<semaphore_mem>>
      tpu.enqueue_dma source(%arg5 : memref<16xf32, #tpu.memory_space<hbm>>) target(%arg11 : memref<16xf32, #tpu.memory_space<vmem>>) target_semaphore(%run_scoped3A : memref<!tpu.dma_semaphore, #tpu.memory_space<semaphore_mem>>)
      tpu.wait_dma2 semaphore(%run_scoped3A : memref<!tpu.dma_semaphore, #tpu.memory_space<semaphore_mem>>) src(%arg5 : memref<16xf32, #tpu.memory_space<hbm>>) dst(%arg11 : memref<16xf32, #tpu.memory_space<vmem>>)
      tpu.yield
    }) : () -> ()
    %mul3A_162 = arith.constant 64 : i32
    %mul3A_163 = arith.muli %arg1, %mul3A_162 : i32
    %min3A = arith.constant 936 : i32
    %min3A_164 = arith.minsi %mul3A_163, %min3A : i32
    "tpu.region"() ({
      %run_scoped3A = tpu.sem_alloc : memref<!tpu.dma_semaphore, #tpu.memory_space<semaphore_mem>>
      %dma_start3A_352 = arith.constant 0 : i32
      %dma_start3A_353 = arith.constant 0 : i32
      %dma_start3A_354 = tpu.memref_slice %arg2[%min3A_164, %dma_start3A_352, %dma_start3A_353] : memref<1000x1x128xf32, #tpu.memory_space<hbm>> -> memref<64x1x128xf32, #tpu.memory_space<hbm>>
      %dma_start3A_355 = arith.constant 0 : i32
      %dma_start3A_356 = arith.constant 0 : i32
      %dma_start3A_357 = tpu.memref_slice %arg2[%min3A_164, %dma_start3A_355, %dma_start3A_356] : memref<1000x1x128xf32, #tpu.memory_space<hbm>> -> memref<64x1x128xf32, #tpu.memory_space<hbm>>
      tpu.enqueue_dma source(%dma_start3A_357 : memref<64x1x128xf32, #tpu.memory_space<hbm>>) target(%arg9 : memref<64x1x128xf32, #tpu.memory_space<vmem>>) target_semaphore(%run_scoped3A : memref<!tpu.dma_semaphore, #tpu.memory_space<semaphore_mem>>)
      %dma_wait3A_358 = arith.constant 0 : i32
      %dma_wait3A_359 = arith.constant 0 : i32
      %dma_wait3A_360 = tpu.memref_slice %arg2[%min3A_164, %dma_wait3A_358, %dma_wait3A_359] : memref<1000x1x128xf32, #tpu.memory_space<hbm>> -> memref<64x1x128xf32, #tpu.memory_space<hbm>>
      %dma_wait3A_361 = arith.constant 0 : i32
      %dma_wait3A_362 = arith.constant 0 : i32
      %dma_wait3A_363 = tpu.memref_slice %arg2[%min3A_164, %dma_wait3A_361, %dma_wait3A_362] : memref<1000x1x128xf32, #tpu.memory_space<hbm>> -> memref<64x1x128xf32, #tpu.memory_space<hbm>>
      tpu.wait_dma2 semaphore(%run_scoped3A : memref<!tpu.dma_semaphore, #tpu.memory_space<semaphore_mem>>) src(%dma_wait3A_363 : memref<64x1x128xf32, #tpu.memory_space<hbm>>) dst(%arg9 : memref<64x1x128xf32, #tpu.memory_space<vmem>>)
      tpu.yield
    }) : () -> ()
    %get3A = arith.constant 0 : index
    %get3A_165 = tpu.vector_load %arg10[%get3A] {strides = array<i32>} : memref<128xf32, #tpu.memory_space<vmem>>, vector<16xf32>,
    %get3A_166 = arith.constant 16 : index
    %get3A_167 = tpu.vector_load %arg10[%get3A_166] {strides = array<i32>} : memref<128xf32, #tpu.memory_space<vmem>>, vector<16xf32>,
    %get3A_168 = arith.constant 32 : index
    %get3A_169 = tpu.vector_load %arg10[%get3A_168] {strides = array<i32>} : memref<128xf32, #tpu.memory_space<vmem>>, vector<16xf32>,
    %get3A_170 = arith.constant 48 : index
    %get3A_171 = tpu.vector_load %arg10[%get3A_170] {strides = array<i32>} : memref<128xf32, #tpu.memory_space<vmem>>, vector<16xf32>,
    %get3A_172 = arith.constant 64 : index
    %get3A_173 = tpu.vector_load %arg10[%get3A_172] {strides = array<i32>} : memref<128xf32, #tpu.memory_space<vmem>>, vector<16xf32>,
    %get3A_174 = arith.constant 80 : index
    %get3A_175 = tpu.vector_load %arg10[%get3A_174] {strides = array<i32>} : memref<128xf32, #tpu.memory_space<vmem>>, vector<16xf32>,
    %get3A_176 = arith.constant 96 : index
    %get3A_177 = tpu.vector_load %arg10[%get3A_176] {strides = array<i32>} : memref<128xf32, #tpu.memory_space<vmem>>, vector<16xf32>,
    %get3A_178 = arith.constant 112 : index
    %get3A_179 = tpu.vector_load %arg10[%get3A_178] {strides = array<i32>} : memref<128xf32, #tpu.memory_space<vmem>>, vector<16xf32>,
    %iota3A = tpu.iota {dimensions = array<i32: 0>} : vector<16xi32>
    %scan3A = arith.constant 0 : i32
    %scan3A_180 = arith.constant 0 : i32
    %scan3A_181 = arith.constant 4 : i32
    %scan3A_182 = arith.addi %scan3A_180, %scan3A_181 : i32
    %scan3A_183 = arith.constant 1 : i32
    scf.for %scan3A_352 = %scan3A_180 to %scan3A_182 step %scan3A_183  : i32 {
      %broadcast_in_dim3A = arith.constant 0.000000e+00 : f32
      %broadcast_in_dim3A_353 = vector.broadcast %broadcast_in_dim3A : f32 to vector<16xf32>
      %mul3A_354 = arith.constant 16 : i32
      %mul3A_355 = arith.muli %scan3A_352, %mul3A_354 : i32
      %add3A_356 = arith.constant 0 : i32
      %add3A_357 = arith.addi %mul3A_355, %add3A_356 : i32
      %get3A_358 = arith.constant 0 : i32
      %get3A_359 = arith.index_cast %add3A_357 : i32 to index
      %get3A_360 = arith.index_cast %get3A_358 : i32 to index
      %get3A_361 = arith.constant 0 : index
      %get3A_362 = tpu.vector_load %arg9[%get3A_359, %get3A_360, %get3A_361] {strides = array<i32>} : memref<64x1x128xf32, #tpu.memory_space<vmem>>, vector<16xf32>,
      %mul3A_363 = arith.mulf %get3A_362, %get3A_165 : vector<16xf32>
      %get3A_364 = arith.constant 0 : i32
      %get3A_365 = arith.index_cast %add3A_357 : i32 to index
      %get3A_366 = arith.index_cast %get3A_364 : i32 to index
      %get3A_367 = arith.constant 16 : index
      %get3A_368 = tpu.vector_load %arg9[%get3A_365, %get3A_366, %get3A_367] {strides = array<i32>} : memref<64x1x128xf32, #tpu.memory_space<vmem>>, vector<16xf32>,
      %mul3A_369 = arith.mulf %get3A_368, %get3A_167 : vector<16xf32>
      %add3A_370 = arith.addf %mul3A_363, %mul3A_369 : vector<16xf32>
      %get3A_371 = arith.constant 0 : i32
      %get3A_372 = arith.index_cast %add3A_357 : i32 to index
      %get3A_373 = arith.index_cast %get3A_371 : i32 to index
      %get3A_374 = arith.constant 32 : index
      %get3A_375 = tpu.vector_load %arg9[%get3A_372, %get3A_373, %get3A_374] {strides = array<i32>} : memref<64x1x128xf32, #tpu.memory_space<vmem>>, vector<16xf32>,
      %mul3A_376 = arith.mulf %get3A_375, %get3A_169 : vector<16xf32>
      %add3A_377 = arith.addf %add3A_370, %mul3A_376 : vector<16xf32>
      %get3A_378 = arith.constant 0 : i32
      %get3A_379 = arith.index_cast %add3A_357 : i32 to index
      %get3A_380 = arith.index_cast %get3A_378 : i32 to index
      %get3A_381 = arith.constant 48 : index
      %get3A_382 = tpu.vector_load %arg9[%get3A_379, %get3A_380, %get3A_381] {strides = array<i32>} : memref<64x1x128xf32, #tpu.memory_space<vmem>>, vector<16xf32>,
      %mul3A_383 = arith.mulf %get3A_382, %get3A_171 : vector<16xf32>
      %add3A_384 = arith.addf %add3A_377, %mul3A_383 : vector<16xf32>
      %get3A_385 = arith.constant 0 : i32
      %get3A_386 = arith.index_cast %add3A_357 : i32 to index
      %get3A_387 = arith.index_cast %get3A_385 : i32 to index
      %get3A_388 = arith.constant 64 : index
      %get3A_389 = tpu.vector_load %arg9[%get3A_386, %get3A_387, %get3A_388] {strides = array<i32>} : memref<64x1x128xf32, #tpu.memory_space<vmem>>, vector<16xf32>,
      %mul3A_390 = arith.mulf %get3A_389, %get3A_173 : vector<16xf32>
      %add3A_391 = arith.addf %add3A_384, %mul3A_390 : vector<16xf32>
      %get3A_392 = arith.constant 0 : i32
      %get3A_393 = arith.index_cast %add3A_357 : i32 to index
      %get3A_394 = arith.index_cast %get3A_392 : i32 to index
      %get3A_395 = arith.constant 80 : index
      %get3A_396 = tpu.vector_load %arg9[%get3A_393, %get3A_394, %get3A_395] {strides = array<i32>} : memref<64x1x128xf32, #tpu.memory_space<vmem>>, vector<16xf32>,
      %mul3A_397 = arith.mulf %get3A_396, %get3A_175 : vector<16xf32>
      %add3A_398 = arith.addf %add3A_391, %mul3A_397 : vector<16xf32>
      %get3A_399 = arith.constant 0 : i32
      %get3A_400 = arith.index_cast %add3A_357 : i32 to index
      %get3A_401 = arith.index_cast %get3A_399 : i32 to index
      %get3A_402 = arith.constant 96 : index
      %get3A_403 = tpu.vector_load %arg9[%get3A_400, %get3A_401, %get3A_402] {strides = array<i32>} : memref<64x1x128xf32, #tpu.memory_space<vmem>>, vector<16xf32>,
      %mul3A_404 = arith.mulf %get3A_403, %get3A_177 : vector<16xf32>
      %add3A_405 = arith.addf %add3A_398, %mul3A_404 : vector<16xf32>
      %get3A_406 = arith.constant 0 : i32
      %get3A_407 = arith.index_cast %add3A_357 : i32 to index
      %get3A_408 = arith.index_cast %get3A_406 : i32 to index
      %get3A_409 = arith.constant 112 : index
      %get3A_410 = tpu.vector_load %arg9[%get3A_407, %get3A_408, %get3A_409] {strides = array<i32>} : memref<64x1x128xf32, #tpu.memory_space<vmem>>, vector<16xf32>,
      %mul3A_411 = arith.mulf %get3A_410, %get3A_179 : vector<16xf32>
      %add3A_412 = arith.addf %add3A_405, %mul3A_411 : vector<16xf32>
      %eq3A = arith.constant 0 : i32
      %eq3A_413 = vector.broadcast %eq3A : i32 to vector<16xi32>
      %eq3A_414 = arith.cmpi eq, %iota3A, %eq3A_413 : vector<16xi32>
      %xor3A = arith.constant 1 : i32
      %xor3A_415 = vector.broadcast %xor3A : i32 to vector<16xi32>
      %xor3A_416 = arith.xori %iota3A, %xor3A_415 : vector<16xi32>
      %broadcast_in_dim3A_417 = vector.shape_cast %xor3A_416 : vector<16xi32> to vector<16x1xi32>
      %gather3A = vector.shape_cast %broadcast_in_dim3A_417 : vector<16x1xi32> to vector<16xi32>
      %gather3A_418 = tpu.dynamic_gather %add3A_412[%gather3A] in [0] : vector<16xf32>, vector<16xi32> -> vector<16xf32>
      %add3A_419 = arith.addf %add3A_412, %gather3A_418 : vector<16xf32>
      %xor3A_420 = arith.constant 2 : i32
      %xor3A_421 = vector.broadcast %xor3A_420 : i32 to vector<16xi32>
      %xor3A_422 = arith.xori %iota3A, %xor3A_421 : vector<16xi32>
      %broadcast_in_dim3A_423 = vector.shape_cast %xor3A_422 : vector<16xi32> to vector<16x1xi32>
      %gather3A_424 = vector.shape_cast %broadcast_in_dim3A_423 : vector<16x1xi32> to vector<16xi32>
      %gather3A_425 = tpu.dynamic_gather %add3A_419[%gather3A_424] in [0] : vector<16xf32>, vector<16xi32> -> vector<16xf32>
      %add3A_426 = arith.addf %add3A_419, %gather3A_425 : vector<16xf32>
      %xor3A_427 = arith.constant 4 : i32
      %xor3A_428 = vector.broadcast %xor3A_427 : i32 to vector<16xi32>
      %xor3A_429 = arith.xori %iota3A, %xor3A_428 : vector<16xi32>
      %broadcast_in_dim3A_430 = vector.shape_cast %xor3A_429 : vector<16xi32> to vector<16x1xi32>
      %gather3A_431 = vector.shape_cast %broadcast_in_dim3A_430 : vector<16x1xi32> to vector<16xi32>
      %gather3A_432 = tpu.dynamic_gather %add3A_426[%gather3A_431] in [0] : vector<16xf32>, vector<16xi32> -> vector<16xf32>
      %add3A_433 = arith.addf %add3A_426, %gather3A_432 : vector<16xf32>
      %xor3A_434 = arith.constant 8 : i32
      %xor3A_435 = vector.broadcast %xor3A_434 : i32 to vector<16xi32>
      %xor3A_436 = arith.xori %iota3A, %xor3A_435 : vector<16xi32>
      %broadcast_in_dim3A_437 = vector.shape_cast %xor3A_436 : vector<16xi32> to vector<16x1xi32>
      %gather3A_438 = vector.shape_cast %broadcast_in_dim3A_437 : vector<16x1xi32> to vector<16xi32>
      %gather3A_439 = tpu.dynamic_gather %add3A_433[%gather3A_438] in [0] : vector<16xf32>, vector<16xi32> -> vector<16xf32>
      %add3A_440 = arith.addf %add3A_433, %gather3A_439 : vector<16xf32>
      %select_n3A = arith.select %eq3A_414, %add3A_440, %broadcast_in_dim3A_353 : vector<16xi1>, vector<16xf32>
      %mul3A_441 = arith.constant 16 : i32
      %mul3A_442 = arith.muli %scan3A_352, %mul3A_441 : i32
      %add3A_443 = arith.constant 1 : i32
      %add3A_444 = arith.addi %mul3A_442, %add3A_443 : i32
      %get3A_445 = arith.constant 0 : i32
      %get3A_446 = arith.index_cast %add3A_444 : i32 to index
      %get3A_447 = arith.index_cast %get3A_445 : i32 to index
      %get3A_448 = arith.constant 0 : index
      %get3A_449 = tpu.vector_load %arg9[%get3A_446, %get3A_447, %get3A_448] {strides = array<i32>} : memref<64x1x128xf32, #tpu.memory_space<vmem>>, vector<16xf32>,
      %mul3A_450 = arith.mulf %get3A_449, %get3A_165 : vector<16xf32>
      %get3A_451 = arith.constant 0 : i32
      %get3A_452 = arith.index_cast %add3A_444 : i32 to index
      %get3A_453 = arith.index_cast %get3A_451 : i32 to index
      %get3A_454 = arith.constant 16 : index
      %get3A_455 = tpu.vector_load %arg9[%get3A_452, %get3A_453, %get3A_454] {strides = array<i32>} : memref<64x1x128xf32, #tpu.memory_space<vmem>>, vector<16xf32>,
      %mul3A_456 = arith.mulf %get3A_455, %get3A_167 : vector<16xf32>
      %add3A_457 = arith.addf %mul3A_450, %mul3A_456 : vector<16xf32>
      %get3A_458 = arith.constant 0 : i32
      %get3A_459 = arith.index_cast %add3A_444 : i32 to index
      %get3A_460 = arith.index_cast %get3A_458 : i32 to index
      %get3A_461 = arith.constant 32 : index
      %get3A_462 = tpu.vector_load %arg9[%get3A_459, %get3A_460, %get3A_461] {strides = array<i32>} : memref<64x1x128xf32, #tpu.memory_space<vmem>>, vector<16xf32>,
      %mul3A_463 = arith.mulf %get3A_462, %get3A_169 : vector<16xf32>
      %add3A_464 = arith.addf %add3A_457, %mul3A_463 : vector<16xf32>
      %get3A_465 = arith.constant 0 : i32
      %get3A_466 = arith.index_cast %add3A_444 : i32 to index
      %get3A_467 = arith.index_cast %get3A_465 : i32 to index
      %get3A_468 = arith.constant 48 : index
      %get3A_469 = tpu.vector_load %arg9[%get3A_466, %get3A_467, %get3A_468] {strides = array<i32>} : memref<64x1x128xf32, #tpu.memory_space<vmem>>, vector<16xf32>,
      %mul3A_470 = arith.mulf %get3A_469, %get3A_171 : vector<16xf32>
      %add3A_471 = arith.addf %add3A_464, %mul3A_470 : vector<16xf32>
      %get3A_472 = arith.constant 0 : i32
      %get3A_473 = arith.index_cast %add3A_444 : i32 to index
      %get3A_474 = arith.index_cast %get3A_472 : i32 to index
      %get3A_475 = arith.constant 64 : index
      %get3A_476 = tpu.vector_load %arg9[%get3A_473, %get3A_474, %get3A_475] {strides = array<i32>} : memref<64x1x128xf32, #tpu.memory_space<vmem>>, vector<16xf32>,
      %mul3A_477 = arith.mulf %get3A_476, %get3A_173 : vector<16xf32>
      %add3A_478 = arith.addf %add3A_471, %mul3A_477 : vector<16xf32>
      %get3A_479 = arith.constant 0 : i32
      %get3A_480 = arith.index_cast %add3A_444 : i32 to index
      %get3A_481 = arith.index_cast %get3A_479 : i32 to index
      %get3A_482 = arith.constant 80 : index
      %get3A_483 = tpu.vector_load %arg9[%get3A_480, %get3A_481, %get3A_482] {strides = array<i32>} : memref<64x1x128xf32, #tpu.memory_space<vmem>>, vector<16xf32>,
      %mul3A_484 = arith.mulf %get3A_483, %get3A_175 : vector<16xf32>
      %add3A_485 = arith.addf %add3A_478, %mul3A_484 : vector<16xf32>
      %get3A_486 = arith.constant 0 : i32
      %get3A_487 = arith.index_cast %add3A_444 : i32 to index
      %get3A_488 = arith.index_cast %get3A_486 : i32 to index
      %get3A_489 = arith.constant 96 : index
      %get3A_490 = tpu.vector_load %arg9[%get3A_487, %get3A_488, %get3A_489] {strides = array<i32>} : memref<64x1x128xf32, #tpu.memory_space<vmem>>, vector<16xf32>,
      %mul3A_491 = arith.mulf %get3A_490, %get3A_177 : vector<16xf32>
      %add3A_492 = arith.addf %add3A_485, %mul3A_491 : vector<16xf32>
      %get3A_493 = arith.constant 0 : i32
      %get3A_494 = arith.index_cast %add3A_444 : i32 to index
      %get3A_495 = arith.index_cast %get3A_493 : i32 to index
      %get3A_496 = arith.constant 112 : index
      %get3A_497 = tpu.vector_load %arg9[%get3A_494, %get3A_495, %get3A_496] {strides = array<i32>} : memref<64x1x128xf32, #tpu.memory_space<vmem>>, vector<16xf32>,
      %mul3A_498 = arith.mulf %get3A_497, %get3A_179 : vector<16xf32>
      %add3A_499 = arith.addf %add3A_492, %mul3A_498 : vector<16xf32>
      %eq3A_500 = arith.constant 1 : i32
      %eq3A_501 = vector.broadcast %eq3A_500 : i32 to vector<16xi32>
      %eq3A_502 = arith.cmpi eq, %iota3A, %eq3A_501 : vector<16xi32>
      %xor3A_503 = arith.constant 1 : i32
      %xor3A_504 = vector.broadcast %xor3A_503 : i32 to vector<16xi32>
      %xor3A_505 = arith.xori %iota3A, %xor3A_504 : vector<16xi32>
      %broadcast_in_dim3A_506 = vector.shape_cast %xor3A_505 : vector<16xi32> to vector<16x1xi32>
      %gather3A_507 = vector.shape_cast %broadcast_in_dim3A_506 : vector<16x1xi32> to vector<16xi32>
      %gather3A_508 = tpu.dynamic_gather %add3A_499[%gather3A_507] in [0] : vector<16xf32>, vector<16xi32> -> vector<16xf32>
      %add3A_509 = arith.addf %add3A_499, %gather3A_508 : vector<16xf32>
      %xor3A_510 = arith.constant 2 : i32
      %xor3A_511 = vector.broadcast %xor3A_510 : i32 to vector<16xi32>
      %xor3A_512 = arith.xori %iota3A, %xor3A_511 : vector<16xi32>
      %broadcast_in_dim3A_513 = vector.shape_cast %xor3A_512 : vector<16xi32> to vector<16x1xi32>
      %gather3A_514 = vector.shape_cast %broadcast_in_dim3A_513 : vector<16x1xi32> to vector<16xi32>
      %gather3A_515 = tpu.dynamic_gather %add3A_509[%gather3A_514] in [0] : vector<16xf32>, vector<16xi32> -> vector<16xf32>
      %add3A_516 = arith.addf %add3A_509, %gather3A_515 : vector<16xf32>
      %xor3A_517 = arith.constant 4 : i32
      %xor3A_518 = vector.broadcast %xor3A_517 : i32 to vector<16xi32>
      %xor3A_519 = arith.xori %iota3A, %xor3A_518 : vector<16xi32>
      %broadcast_in_dim3A_520 = vector.shape_cast %xor3A_519 : vector<16xi32> to vector<16x1xi32>
      %gather3A_521 = vector.shape_cast %broadcast_in_dim3A_520 : vector<16x1xi32> to vector<16xi32>
      %gather3A_522 = tpu.dynamic_gather %add3A_516[%gather3A_521] in [0] : vector<16xf32>, vector<16xi32> -> vector<16xf32>
      %add3A_523 = arith.addf %add3A_516, %gather3A_522 : vector<16xf32>
      %xor3A_524 = arith.constant 8 : i32
      %xor3A_525 = vector.broadcast %xor3A_524 : i32 to vector<16xi32>
      %xor3A_526 = arith.xori %iota3A, %xor3A_525 : vector<16xi32>
      %broadcast_in_dim3A_527 = vector.shape_cast %xor3A_526 : vector<16xi32> to vector<16x1xi32>
      %gather3A_528 = vector.shape_cast %broadcast_in_dim3A_527 : vector<16x1xi32> to vector<16xi32>
      %gather3A_529 = tpu.dynamic_gather %add3A_523[%gather3A_528] in [0] : vector<16xf32>, vector<16xi32> -> vector<16xf32>
      %add3A_530 = arith.addf %add3A_523, %gather3A_529 : vector<16xf32>
      %select_n3A_531 = arith.select %eq3A_502, %add3A_530, %select_n3A : vector<16xi1>, vector<16xf32>
      %mul3A_532 = arith.constant 16 : i32
      %mul3A_533 = arith.muli %scan3A_352, %mul3A_532 : i32
      %add3A_534 = arith.constant 2 : i32
      %add3A_535 = arith.addi %mul3A_533, %add3A_534 : i32
      %get3A_536 = arith.constant 0 : i32
      %get3A_537 = arith.index_cast %add3A_535 : i32 to index
      %get3A_538 = arith.index_cast %get3A_536 : i32 to index
      %get3A_539 = arith.constant 0 : index
      %get3A_540 = tpu.vector_load %arg9[%get3A_537, %get3A_538, %get3A_539] {strides = array<i32>} : memref<64x1x128xf32, #tpu.memory_space<vmem>>, vector<16xf32>,
      %mul3A_541 = arith.mulf %get3A_540, %get3A_165 : vector<16xf32>
      %get3A_542 = arith.constant 0 : i32
      %get3A_543 = arith.index_cast %add3A_535 : i32 to index
      %get3A_544 = arith.index_cast %get3A_542 : i32 to index
      %get3A_545 = arith.constant 16 : index
      %get3A_546 = tpu.vector_load %arg9[%get3A_543, %get3A_544, %get3A_545] {strides = array<i32>} : memref<64x1x128xf32, #tpu.memory_space<vmem>>, vector<16xf32>,
      %mul3A_547 = arith.mulf %get3A_546, %get3A_167 : vector<16xf32>
      %add3A_548 = arith.addf %mul3A_541, %mul3A_547 : vector<16xf32>
      %get3A_549 = arith.constant 0 : i32
      %get3A_550 = arith.index_cast %add3A_535 : i32 to index
      %get3A_551 = arith.index_cast %get3A_549 : i32 to index
      %get3A_552 = arith.constant 32 : index
      %get3A_553 = tpu.vector_load %arg9[%get3A_550, %get3A_551, %get3A_552] {strides = array<i32>} : memref<64x1x128xf32, #tpu.memory_space<vmem>>, vector<16xf32>,
      %mul3A_554 = arith.mulf %get3A_553, %get3A_169 : vector<16xf32>
      %add3A_555 = arith.addf %add3A_548, %mul3A_554 : vector<16xf32>
      %get3A_556 = arith.constant 0 : i32
      %get3A_557 = arith.index_cast %add3A_535 : i32 to index
      %get3A_558 = arith.index_cast %get3A_556 : i32 to index
      %get3A_559 = arith.constant 48 : index
      %get3A_560 = tpu.vector_load %arg9[%get3A_557, %get3A_558, %get3A_559] {strides = array<i32>} : memref<64x1x128xf32, #tpu.memory_space<vmem>>, vector<16xf32>,
      %mul3A_561 = arith.mulf %get3A_560, %get3A_171 : vector<16xf32>
      %add3A_562 = arith.addf %add3A_555, %mul3A_561 : vector<16xf32>
      %get3A_563 = arith.constant 0 : i32
      %get3A_564 = arith.index_cast %add3A_535 : i32 to index
      %get3A_565 = arith.index_cast %get3A_563 : i32 to index
      %get3A_566 = arith.constant 64 : index
      %get3A_567 = tpu.vector_load %arg9[%get3A_564, %get3A_565, %get3A_566] {strides = array<i32>} : memref<64x1x128xf32, #tpu.memory_space<vmem>>, vector<16xf32>,
      %mul3A_568 = arith.mulf %get3A_567, %get3A_173 : vector<16xf32>
      %add3A_569 = arith.addf %add3A_562, %mul3A_568 : vector<16xf32>
      %get3A_570 = arith.constant 0 : i32
      %get3A_571 = arith.index_cast %add3A_535 : i32 to index
      %get3A_572 = arith.index_cast %get3A_570 : i32 to index
      %get3A_573 = arith.constant 80 : index
      %get3A_574 = tpu.vector_load %arg9[%get3A_571, %get3A_572, %get3A_573] {strides = array<i32>} : memref<64x1x128xf32, #tpu.memory_space<vmem>>, vector<16xf32>,
      %mul3A_575 = arith.mulf %get3A_574, %get3A_175 : vector<16xf32>
      %add3A_576 = arith.addf %add3A_569, %mul3A_575 : vector<16xf32>
      %get3A_577 = arith.constant 0 : i32
      %get3A_578 = arith.index_cast %add3A_535 : i32 to index
      %get3A_579 = arith.index_cast %get3A_577 : i32 to index
      %get3A_580 = arith.constant 96 : index
      %get3A_581 = tpu.vector_load %arg9[%get3A_578, %get3A_579, %get3A_580] {strides = array<i32>} : memref<64x1x128xf32, #tpu.memory_space<vmem>>, vector<16xf32>,
      %mul3A_582 = arith.mulf %get3A_581, %get3A_177 : vector<16xf32>
      %add3A_583 = arith.addf %add3A_576, %mul3A_582 : vector<16xf32>
      %get3A_584 = arith.constant 0 : i32
      %get3A_585 = arith.index_cast %add3A_535 : i32 to index
      %get3A_586 = arith.index_cast %get3A_584 : i32 to index
      %get3A_587 = arith.constant 112 : index
      %get3A_588 = tpu.vector_load %arg9[%get3A_585, %get3A_586, %get3A_587] {strides = array<i32>} : memref<64x1x128xf32, #tpu.memory_space<vmem>>, vector<16xf32>,
      %mul3A_589 = arith.mulf %get3A_588, %get3A_179 : vector<16xf32>
      %add3A_590 = arith.addf %add3A_583, %mul3A_589 : vector<16xf32>
      %eq3A_591 = arith.constant 2 : i32
      %eq3A_592 = vector.broadcast %eq3A_591 : i32 to vector<16xi32>
      %eq3A_593 = arith.cmpi eq, %iota3A, %eq3A_592 : vector<16xi32>
      %xor3A_594 = arith.constant 1 : i32
      %xor3A_595 = vector.broadcast %xor3A_594 : i32 to vector<16xi32>
      %xor3A_596 = arith.xori %iota3A, %xor3A_595 : vector<16xi32>
      %broadcast_in_dim3A_597 = vector.shape_cast %xor3A_596 : vector<16xi32> to vector<16x1xi32>
      %gather3A_598 = vector.shape_cast %broadcast_in_dim3A_597 : vector<16x1xi32> to vector<16xi32>
      %gather3A_599 = tpu.dynamic_gather %add3A_590[%gather3A_598] in [0] : vector<16xf32>, vector<16xi32> -> vector<16xf32>
      %add3A_600 = arith.addf %add3A_590, %gather3A_599 : vector<16xf32>
      %xor3A_601 = arith.constant 2 : i32
      %xor3A_602 = vector.broadcast %xor3A_601 : i32 to vector<16xi32>
      %xor3A_603 = arith.xori %iota3A, %xor3A_602 : vector<16xi32>
      %broadcast_in_dim3A_604 = vector.shape_cast %xor3A_603 : vector<16xi32> to vector<16x1xi32>
      %gather3A_605 = vector.shape_cast %broadcast_in_dim3A_604 : vector<16x1xi32> to vector<16xi32>
      %gather3A_606 = tpu.dynamic_gather %add3A_600[%gather3A_605] in [0] : vector<16xf32>, vector<16xi32> -> vector<16xf32>
      %add3A_607 = arith.addf %add3A_600, %gather3A_606 : vector<16xf32>
      %xor3A_608 = arith.constant 4 : i32
      %xor3A_609 = vector.broadcast %xor3A_608 : i32 to vector<16xi32>
      %xor3A_610 = arith.xori %iota3A, %xor3A_609 : vector<16xi32>
      %broadcast_in_dim3A_611 = vector.shape_cast %xor3A_610 : vector<16xi32> to vector<16x1xi32>
      %gather3A_612 = vector.shape_cast %broadcast_in_dim3A_611 : vector<16x1xi32> to vector<16xi32>
      %gather3A_613 = tpu.dynamic_gather %add3A_607[%gather3A_612] in [0] : vector<16xf32>, vector<16xi32> -> vector<16xf32>
      %add3A_614 = arith.addf %add3A_607, %gather3A_613 : vector<16xf32>
      %xor3A_615 = arith.constant 8 : i32
      %xor3A_616 = vector.broadcast %xor3A_615 : i32 to vector<16xi32>
      %xor3A_617 = arith.xori %iota3A, %xor3A_616 : vector<16xi32>
      %broadcast_in_dim3A_618 = vector.shape_cast %xor3A_617 : vector<16xi32> to vector<16x1xi32>
      %gather3A_619 = vector.shape_cast %broadcast_in_dim3A_618 : vector<16x1xi32> to vector<16xi32>
      %gather3A_620 = tpu.dynamic_gather %add3A_614[%gather3A_619] in [0] : vector<16xf32>, vector<16xi32> -> vector<16xf32>
      %add3A_621 = arith.addf %add3A_614, %gather3A_620 : vector<16xf32>
      %select_n3A_622 = arith.select %eq3A_593, %add3A_621, %select_n3A_531 : vector<16xi1>, vector<16xf32>
      %mul3A_623 = arith.constant 16 : i32
      %mul3A_624 = arith.muli %scan3A_352, %mul3A_623 : i32
      %add3A_625 = arith.constant 3 : i32
      %add3A_626 = arith.addi %mul3A_624, %add3A_625 : i32
      %get3A_627 = arith.constant 0 : i32
      %get3A_628 = arith.index_cast %add3A_626 : i32 to index
      %get3A_629 = arith.index_cast %get3A_627 : i32 to index
      %get3A_630 = arith.constant 0 : index
      %get3A_631 = tpu.vector_load %arg9[%get3A_628, %get3A_629, %get3A_630] {strides = array<i32>} : memref<64x1x128xf32, #tpu.memory_space<vmem>>, vector<16xf32>,
      %mul3A_632 = arith.mulf %get3A_631, %get3A_165 : vector<16xf32>
      %get3A_633 = arith.constant 0 : i32
      %get3A_634 = arith.index_cast %add3A_626 : i32 to index
      %get3A_635 = arith.index_cast %get3A_633 : i32 to index
      %get3A_636 = arith.constant 16 : index
      %get3A_637 = tpu.vector_load %arg9[%get3A_634, %get3A_635, %get3A_636] {strides = array<i32>} : memref<64x1x128xf32, #tpu.memory_space<vmem>>, vector<16xf32>,
      %mul3A_638 = arith.mulf %get3A_637, %get3A_167 : vector<16xf32>
      %add3A_639 = arith.addf %mul3A_632, %mul3A_638 : vector<16xf32>
      %get3A_640 = arith.constant 0 : i32
      %get3A_641 = arith.index_cast %add3A_626 : i32 to index
      %get3A_642 = arith.index_cast %get3A_640 : i32 to index
      %get3A_643 = arith.constant 32 : index
      %get3A_644 = tpu.vector_load %arg9[%get3A_641, %get3A_642, %get3A_643] {strides = array<i32>} : memref<64x1x128xf32, #tpu.memory_space<vmem>>, vector<16xf32>,
      %mul3A_645 = arith.mulf %get3A_644, %get3A_169 : vector<16xf32>
      %add3A_646 = arith.addf %add3A_639, %mul3A_645 : vector<16xf32>
      %get3A_647 = arith.constant 0 : i32
      %get3A_648 = arith.index_cast %add3A_626 : i32 to index
      %get3A_649 = arith.index_cast %get3A_647 : i32 to index
      %get3A_650 = arith.constant 48 : index
      %get3A_651 = tpu.vector_load %arg9[%get3A_648, %get3A_649, %get3A_650] {strides = array<i32>} : memref<64x1x128xf32, #tpu.memory_space<vmem>>, vector<16xf32>,
      %mul3A_652 = arith.mulf %get3A_651, %get3A_171 : vector<16xf32>
      %add3A_653 = arith.addf %add3A_646, %mul3A_652 : vector<16xf32>
      %get3A_654 = arith.constant 0 : i32
      %get3A_655 = arith.index_cast %add3A_626 : i32 to index
      %get3A_656 = arith.index_cast %get3A_654 : i32 to index
      %get3A_657 = arith.constant 64 : index
      %get3A_658 = tpu.vector_load %arg9[%get3A_655, %get3A_656, %get3A_657] {strides = array<i32>} : memref<64x1x128xf32, #tpu.memory_space<vmem>>, vector<16xf32>,
      %mul3A_659 = arith.mulf %get3A_658, %get3A_173 : vector<16xf32>
      %add3A_660 = arith.addf %add3A_653, %mul3A_659 : vector<16xf32>
      %get3A_661 = arith.constant 0 : i32
      %get3A_662 = arith.index_cast %add3A_626 : i32 to index
      %get3A_663 = arith.index_cast %get3A_661 : i32 to index
      %get3A_664 = arith.constant 80 : index
      %get3A_665 = tpu.vector_load %arg9[%get3A_662, %get3A_663, %get3A_664] {strides = array<i32>} : memref<64x1x128xf32, #tpu.memory_space<vmem>>, vector<16xf32>,
      %mul3A_666 = arith.mulf %get3A_665, %get3A_175 : vector<16xf32>
      %add3A_667 = arith.addf %add3A_660, %mul3A_666 : vector<16xf32>
      %get3A_668 = arith.constant 0 : i32
      %get3A_669 = arith.index_cast %add3A_626 : i32 to index
      %get3A_670 = arith.index_cast %get3A_668 : i32 to index
      %get3A_671 = arith.constant 96 : index
      %get3A_672 = tpu.vector_load %arg9[%get3A_669, %get3A_670, %get3A_671] {strides = array<i32>} : memref<64x1x128xf32, #tpu.memory_space<vmem>>, vector<16xf32>,
      %mul3A_673 = arith.mulf %get3A_672, %get3A_177 : vector<16xf32>
      %add3A_674 = arith.addf %add3A_667, %mul3A_673 : vector<16xf32>
      %get3A_675 = arith.constant 0 : i32
      %get3A_676 = arith.index_cast %add3A_626 : i32 to index
      %get3A_677 = arith.index_cast %get3A_675 : i32 to index
      %get3A_678 = arith.constant 112 : index
      %get3A_679 = tpu.vector_load %arg9[%get3A_676, %get3A_677, %get3A_678] {strides = array<i32>} : memref<64x1x128xf32, #tpu.memory_space<vmem>>, vector<16xf32>,
      %mul3A_680 = arith.mulf %get3A_679, %get3A_179 : vector<16xf32>
      %add3A_681 = arith.addf %add3A_674, %mul3A_680 : vector<16xf32>
      %eq3A_682 = arith.constant 3 : i32
      %eq3A_683 = vector.broadcast %eq3A_682 : i32 to vector<16xi32>
      %eq3A_684 = arith.cmpi eq, %iota3A, %eq3A_683 : vector<16xi32>
      %xor3A_685 = arith.constant 1 : i32
      %xor3A_686 = vector.broadcast %xor3A_685 : i32 to vector<16xi32>
      %xor3A_687 = arith.xori %iota3A, %xor3A_686 : vector<16xi32>
      %broadcast_in_dim3A_688 = vector.shape_cast %xor3A_687 : vector<16xi32> to vector<16x1xi32>
      %gather3A_689 = vector.shape_cast %broadcast_in_dim3A_688 : vector<16x1xi32> to vector<16xi32>
      %gather3A_690 = tpu.dynamic_gather %add3A_681[%gather3A_689] in [0] : vector<16xf32>, vector<16xi32> -> vector<16xf32>
      %add3A_691 = arith.addf %add3A_681, %gather3A_690 : vector<16xf32>
      %xor3A_692 = arith.constant 2 : i32
      %xor3A_693 = vector.broadcast %xor3A_692 : i32 to vector<16xi32>
      %xor3A_694 = arith.xori %iota3A, %xor3A_693 : vector<16xi32>
      %broadcast_in_dim3A_695 = vector.shape_cast %xor3A_694 : vector<16xi32> to vector<16x1xi32>
      %gather3A_696 = vector.shape_cast %broadcast_in_dim3A_695 : vector<16x1xi32> to vector<16xi32>
      %gather3A_697 = tpu.dynamic_gather %add3A_691[%gather3A_696] in [0] : vector<16xf32>, vector<16xi32> -> vector<16xf32>
      %add3A_698 = arith.addf %add3A_691, %gather3A_697 : vector<16xf32>
      %xor3A_699 = arith.constant 4 : i32
      %xor3A_700 = vector.broadcast %xor3A_699 : i32 to vector<16xi32>
      %xor3A_701 = arith.xori %iota3A, %xor3A_700 : vector<16xi32>
      %broadcast_in_dim3A_702 = vector.shape_cast %xor3A_701 : vector<16xi32> to vector<16x1xi32>
      %gather3A_703 = vector.shape_cast %broadcast_in_dim3A_702 : vector<16x1xi32> to vector<16xi32>
      %gather3A_704 = tpu.dynamic_gather %add3A_698[%gather3A_703] in [0] : vector<16xf32>, vector<16xi32> -> vector<16xf32>
      %add3A_705 = arith.addf %add3A_698, %gather3A_704 : vector<16xf32>
      %xor3A_706 = arith.constant 8 : i32
      %xor3A_707 = vector.broadcast %xor3A_706 : i32 to vector<16xi32>
      %xor3A_708 = arith.xori %iota3A, %xor3A_707 : vector<16xi32>
      %broadcast_in_dim3A_709 = vector.shape_cast %xor3A_708 : vector<16xi32> to vector<16x1xi32>
      %gather3A_710 = vector.shape_cast %broadcast_in_dim3A_709 : vector<16x1xi32> to vector<16xi32>
      %gather3A_711 = tpu.dynamic_gather %add3A_705[%gather3A_710] in [0] : vector<16xf32>, vector<16xi32> -> vector<16xf32>
      %add3A_712 = arith.addf %add3A_705, %gather3A_711 : vector<16xf32>
      %select_n3A_713 = arith.select %eq3A_684, %add3A_712, %select_n3A_622 : vector<16xi1>, vector<16xf32>
      %mul3A_714 = arith.constant 16 : i32
      %mul3A_715 = arith.muli %scan3A_352, %mul3A_714 : i32
      %add3A_716 = arith.constant 4 : i32
      %add3A_717 = arith.addi %mul3A_715, %add3A_716 : i32
      %get3A_718 = arith.constant 0 : i32
      %get3A_719 = arith.index_cast %add3A_717 : i32 to index
      %get3A_720 = arith.index_cast %get3A_718 : i32 to index
      %get3A_721 = arith.constant 0 : index
      %get3A_722 = tpu.vector_load %arg9[%get3A_719, %get3A_720, %get3A_721] {strides = array<i32>} : memref<64x1x128xf32, #tpu.memory_space<vmem>>, vector<16xf32>,
      %mul3A_723 = arith.mulf %get3A_722, %get3A_165 : vector<16xf32>
      %get3A_724 = arith.constant 0 : i32
      %get3A_725 = arith.index_cast %add3A_717 : i32 to index
      %get3A_726 = arith.index_cast %get3A_724 : i32 to index
      %get3A_727 = arith.constant 16 : index
      %get3A_728 = tpu.vector_load %arg9[%get3A_725, %get3A_726, %get3A_727] {strides = array<i32>} : memref<64x1x128xf32, #tpu.memory_space<vmem>>, vector<16xf32>,
      %mul3A_729 = arith.mulf %get3A_728, %get3A_167 : vector<16xf32>
      %add3A_730 = arith.addf %mul3A_723, %mul3A_729 : vector<16xf32>
      %get3A_731 = arith.constant 0 : i32
      %get3A_732 = arith.index_cast %add3A_717 : i32 to index
      %get3A_733 = arith.index_cast %get3A_731 : i32 to index
      %get3A_734 = arith.constant 32 : index
      %get3A_735 = tpu.vector_load %arg9[%get3A_732, %get3A_733, %get3A_734] {strides = array<i32>} : memref<64x1x128xf32, #tpu.memory_space<vmem>>, vector<16xf32>,
      %mul3A_736 = arith.mulf %get3A_735, %get3A_169 : vector<16xf32>
      %add3A_737 = arith.addf %add3A_730, %mul3A_736 : vector<16xf32>
      %get3A_738 = arith.constant 0 : i32
      %get3A_739 = arith.index_cast %add3A_717 : i32 to index
      %get3A_740 = arith.index_cast %get3A_738 : i32 to index
      %get3A_741 = arith.constant 48 : index
      %get3A_742 = tpu.vector_load %arg9[%get3A_739, %get3A_740, %get3A_741] {strides = array<i32>} : memref<64x1x128xf32, #tpu.memory_space<vmem>>, vector<16xf32>,
      %mul3A_743 = arith.mulf %get3A_742, %get3A_171 : vector<16xf32>
      %add3A_744 = arith.addf %add3A_737, %mul3A_743 : vector<16xf32>
      %get3A_745 = arith.constant 0 : i32
      %get3A_746 = arith.index_cast %add3A_717 : i32 to index
      %get3A_747 = arith.index_cast %get3A_745 : i32 to index
      %get3A_748 = arith.constant 64 : index
      %get3A_749 = tpu.vector_load %arg9[%get3A_746, %get3A_747, %get3A_748] {strides = array<i32>} : memref<64x1x128xf32, #tpu.memory_space<vmem>>, vector<16xf32>,
      %mul3A_750 = arith.mulf %get3A_749, %get3A_173 : vector<16xf32>
      %add3A_751 = arith.addf %add3A_744, %mul3A_750 : vector<16xf32>
      %get3A_752 = arith.constant 0 : i32
      %get3A_753 = arith.index_cast %add3A_717 : i32 to index
      %get3A_754 = arith.index_cast %get3A_752 : i32 to index
      %get3A_755 = arith.constant 80 : index
      %get3A_756 = tpu.vector_load %arg9[%get3A_753, %get3A_754, %get3A_755] {strides = array<i32>} : memref<64x1x128xf32, #tpu.memory_space<vmem>>, vector<16xf32>,
      %mul3A_757 = arith.mulf %get3A_756, %get3A_175 : vector<16xf32>
      %add3A_758 = arith.addf %add3A_751, %mul3A_757 : vector<16xf32>
      %get3A_759 = arith.constant 0 : i32
      %get3A_760 = arith.index_cast %add3A_717 : i32 to index
      %get3A_761 = arith.index_cast %get3A_759 : i32 to index
      %get3A_762 = arith.constant 96 : index
      %get3A_763 = tpu.vector_load %arg9[%get3A_760, %get3A_761, %get3A_762] {strides = array<i32>} : memref<64x1x128xf32, #tpu.memory_space<vmem>>, vector<16xf32>,
      %mul3A_764 = arith.mulf %get3A_763, %get3A_177 : vector<16xf32>
      %add3A_765 = arith.addf %add3A_758, %mul3A_764 : vector<16xf32>
      %get3A_766 = arith.constant 0 : i32
      %get3A_767 = arith.index_cast %add3A_717 : i32 to index
      %get3A_768 = arith.index_cast %get3A_766 : i32 to index
      %get3A_769 = arith.constant 112 : index
      %get3A_770 = tpu.vector_load %arg9[%get3A_767, %get3A_768, %get3A_769] {strides = array<i32>} : memref<64x1x128xf32, #tpu.memory_space<vmem>>, vector<16xf32>,
      %mul3A_771 = arith.mulf %get3A_770, %get3A_179 : vector<16xf32>
      %add3A_772 = arith.addf %add3A_765, %mul3A_771 : vector<16xf32>
      %eq3A_773 = arith.constant 4 : i32
      %eq3A_774 = vector.broadcast %eq3A_773 : i32 to vector<16xi32>
      %eq3A_775 = arith.cmpi eq, %iota3A, %eq3A_774 : vector<16xi32>
      %xor3A_776 = arith.constant 1 : i32
      %xor3A_777 = vector.broadcast %xor3A_776 : i32 to vector<16xi32>
      %xor3A_778 = arith.xori %iota3A, %xor3A_777 : vector<16xi32>
      %broadcast_in_dim3A_779 = vector.shape_cast %xor3A_778 : vector<16xi32> to vector<16x1xi32>
      %gather3A_780 = vector.shape_cast %broadcast_in_dim3A_779 : vector<16x1xi32> to vector<16xi32>
      %gather3A_781 = tpu.dynamic_gather %add3A_772[%gather3A_780] in [0] : vector<16xf32>, vector<16xi32> -> vector<16xf32>
      %add3A_782 = arith.addf %add3A_772, %gather3A_781 : vector<16xf32>
      %xor3A_783 = arith.constant 2 : i32
      %xor3A_784 = vector.broadcast %xor3A_783 : i32 to vector<16xi32>
      %xor3A_785 = arith.xori %iota3A, %xor3A_784 : vector<16xi32>
      %broadcast_in_dim3A_786 = vector.shape_cast %xor3A_785 : vector<16xi32> to vector<16x1xi32>
      %gather3A_787 = vector.shape_cast %broadcast_in_dim3A_786 : vector<16x1xi32> to vector<16xi32>
      %gather3A_788 = tpu.dynamic_gather %add3A_782[%gather3A_787] in [0] : vector<16xf32>, vector<16xi32> -> vector<16xf32>
      %add3A_789 = arith.addf %add3A_782, %gather3A_788 : vector<16xf32>
      %xor3A_790 = arith.constant 4 : i32
      %xor3A_791 = vector.broadcast %xor3A_790 : i32 to vector<16xi32>
      %xor3A_792 = arith.xori %iota3A, %xor3A_791 : vector<16xi32>
      %broadcast_in_dim3A_793 = vector.shape_cast %xor3A_792 : vector<16xi32> to vector<16x1xi32>
      %gather3A_794 = vector.shape_cast %broadcast_in_dim3A_793 : vector<16x1xi32> to vector<16xi32>
      %gather3A_795 = tpu.dynamic_gather %add3A_789[%gather3A_794] in [0] : vector<16xf32>, vector<16xi32> -> vector<16xf32>
      %add3A_796 = arith.addf %add3A_789, %gather3A_795 : vector<16xf32>
      %xor3A_797 = arith.constant 8 : i32
      %xor3A_798 = vector.broadcast %xor3A_797 : i32 to vector<16xi32>
      %xor3A_799 = arith.xori %iota3A, %xor3A_798 : vector<16xi32>
      %broadcast_in_dim3A_800 = vector.shape_cast %xor3A_799 : vector<16xi32> to vector<16x1xi32>
      %gather3A_801 = vector.shape_cast %broadcast_in_dim3A_800 : vector<16x1xi32> to vector<16xi32>
      %gather3A_802 = tpu.dynamic_gather %add3A_796[%gather3A_801] in [0] : vector<16xf32>, vector<16xi32> -> vector<16xf32>
      %add3A_803 = arith.addf %add3A_796, %gather3A_802 : vector<16xf32>
      %select_n3A_804 = arith.select %eq3A_775, %add3A_803, %select_n3A_713 : vector<16xi1>, vector<16xf32>
      %mul3A_805 = arith.constant 16 : i32
      %mul3A_806 = arith.muli %scan3A_352, %mul3A_805 : i32
      %add3A_807 = arith.constant 5 : i32
      %add3A_808 = arith.addi %mul3A_806, %add3A_807 : i32
      %get3A_809 = arith.constant 0 : i32
      %get3A_810 = arith.index_cast %add3A_808 : i32 to index
      %get3A_811 = arith.index_cast %get3A_809 : i32 to index
      %get3A_812 = arith.constant 0 : index
      %get3A_813 = tpu.vector_load %arg9[%get3A_810, %get3A_811, %get3A_812] {strides = array<i32>} : memref<64x1x128xf32, #tpu.memory_space<vmem>>, vector<16xf32>,
      %mul3A_814 = arith.mulf %get3A_813, %get3A_165 : vector<16xf32>
      %get3A_815 = arith.constant 0 : i32
      %get3A_816 = arith.index_cast %add3A_808 : i32 to index
      %get3A_817 = arith.index_cast %get3A_815 : i32 to index
      %get3A_818 = arith.constant 16 : index
      %get3A_819 = tpu.vector_load %arg9[%get3A_816, %get3A_817, %get3A_818] {strides = array<i32>} : memref<64x1x128xf32, #tpu.memory_space<vmem>>, vector<16xf32>,
      %mul3A_820 = arith.mulf %get3A_819, %get3A_167 : vector<16xf32>
      %add3A_821 = arith.addf %mul3A_814, %mul3A_820 : vector<16xf32>
      %get3A_822 = arith.constant 0 : i32
      %get3A_823 = arith.index_cast %add3A_808 : i32 to index
      %get3A_824 = arith.index_cast %get3A_822 : i32 to index
      %get3A_825 = arith.constant 32 : index
      %get3A_826 = tpu.vector_load %arg9[%get3A_823, %get3A_824, %get3A_825] {strides = array<i32>} : memref<64x1x128xf32, #tpu.memory_space<vmem>>, vector<16xf32>,
      %mul3A_827 = arith.mulf %get3A_826, %get3A_169 : vector<16xf32>
      %add3A_828 = arith.addf %add3A_821, %mul3A_827 : vector<16xf32>
      %get3A_829 = arith.constant 0 : i32
      %get3A_830 = arith.index_cast %add3A_808 : i32 to index
      %get3A_831 = arith.index_cast %get3A_829 : i32 to index
      %get3A_832 = arith.constant 48 : index
      %get3A_833 = tpu.vector_load %arg9[%get3A_830, %get3A_831, %get3A_832] {strides = array<i32>} : memref<64x1x128xf32, #tpu.memory_space<vmem>>, vector<16xf32>,
      %mul3A_834 = arith.mulf %get3A_833, %get3A_171 : vector<16xf32>
      %add3A_835 = arith.addf %add3A_828, %mul3A_834 : vector<16xf32>
      %get3A_836 = arith.constant 0 : i32
      %get3A_837 = arith.index_cast %add3A_808 : i32 to index
      %get3A_838 = arith.index_cast %get3A_836 : i32 to index
      %get3A_839 = arith.constant 64 : index
      %get3A_840 = tpu.vector_load %arg9[%get3A_837, %get3A_838, %get3A_839] {strides = array<i32>} : memref<64x1x128xf32, #tpu.memory_space<vmem>>, vector<16xf32>,
      %mul3A_841 = arith.mulf %get3A_840, %get3A_173 : vector<16xf32>
      %add3A_842 = arith.addf %add3A_835, %mul3A_841 : vector<16xf32>
      %get3A_843 = arith.constant 0 : i32
      %get3A_844 = arith.index_cast %add3A_808 : i32 to index
      %get3A_845 = arith.index_cast %get3A_843 : i32 to index
      %get3A_846 = arith.constant 80 : index
      %get3A_847 = tpu.vector_load %arg9[%get3A_844, %get3A_845, %get3A_846] {strides = array<i32>} : memref<64x1x128xf32, #tpu.memory_space<vmem>>, vector<16xf32>,
      %mul3A_848 = arith.mulf %get3A_847, %get3A_175 : vector<16xf32>
      %add3A_849 = arith.addf %add3A_842, %mul3A_848 : vector<16xf32>
      %get3A_850 = arith.constant 0 : i32
      %get3A_851 = arith.index_cast %add3A_808 : i32 to index
      %get3A_852 = arith.index_cast %get3A_850 : i32 to index
      %get3A_853 = arith.constant 96 : index
      %get3A_854 = tpu.vector_load %arg9[%get3A_851, %get3A_852, %get3A_853] {strides = array<i32>} : memref<64x1x128xf32, #tpu.memory_space<vmem>>, vector<16xf32>,
      %mul3A_855 = arith.mulf %get3A_854, %get3A_177 : vector<16xf32>
      %add3A_856 = arith.addf %add3A_849, %mul3A_855 : vector<16xf32>
      %get3A_857 = arith.constant 0 : i32
      %get3A_858 = arith.index_cast %add3A_808 : i32 to index
      %get3A_859 = arith.index_cast %get3A_857 : i32 to index
      %get3A_860 = arith.constant 112 : index
      %get3A_861 = tpu.vector_load %arg9[%get3A_858, %get3A_859, %get3A_860] {strides = array<i32>} : memref<64x1x128xf32, #tpu.memory_space<vmem>>, vector<16xf32>,
      %mul3A_862 = arith.mulf %get3A_861, %get3A_179 : vector<16xf32>
      %add3A_863 = arith.addf %add3A_856, %mul3A_862 : vector<16xf32>
      %eq3A_864 = arith.constant 5 : i32
      %eq3A_865 = vector.broadcast %eq3A_864 : i32 to vector<16xi32>
      %eq3A_866 = arith.cmpi eq, %iota3A, %eq3A_865 : vector<16xi32>
      %xor3A_867 = arith.constant 1 : i32
      %xor3A_868 = vector.broadcast %xor3A_867 : i32 to vector<16xi32>
      %xor3A_869 = arith.xori %iota3A, %xor3A_868 : vector<16xi32>
      %broadcast_in_dim3A_870 = vector.shape_cast %xor3A_869 : vector<16xi32> to vector<16x1xi32>
      %gather3A_871 = vector.shape_cast %broadcast_in_dim3A_870 : vector<16x1xi32> to vector<16xi32>
      %gather3A_872 = tpu.dynamic_gather %add3A_863[%gather3A_871] in [0] : vector<16xf32>, vector<16xi32> -> vector<16xf32>
      %add3A_873 = arith.addf %add3A_863, %gather3A_872 : vector<16xf32>
      %xor3A_874 = arith.constant 2 : i32
      %xor3A_875 = vector.broadcast %xor3A_874 : i32 to vector<16xi32>
      %xor3A_876 = arith.xori %iota3A, %xor3A_875 : vector<16xi32>
      %broadcast_in_dim3A_877 = vector.shape_cast %xor3A_876 : vector<16xi32> to vector<16x1xi32>
      %gather3A_878 = vector.shape_cast %broadcast_in_dim3A_877 : vector<16x1xi32> to vector<16xi32>
      %gather3A_879 = tpu.dynamic_gather %add3A_873[%gather3A_878] in [0] : vector<16xf32>, vector<16xi32> -> vector<16xf32>
      %add3A_880 = arith.addf %add3A_873, %gather3A_879 : vector<16xf32>
      %xor3A_881 = arith.constant 4 : i32
      %xor3A_882 = vector.broadcast %xor3A_881 : i32 to vector<16xi32>
      %xor3A_883 = arith.xori %iota3A, %xor3A_882 : vector<16xi32>
      %broadcast_in_dim3A_884 = vector.shape_cast %xor3A_883 : vector<16xi32> to vector<16x1xi32>
      %gather3A_885 = vector.shape_cast %broadcast_in_dim3A_884 : vector<16x1xi32> to vector<16xi32>
      %gather3A_886 = tpu.dynamic_gather %add3A_880[%gather3A_885] in [0] : vector<16xf32>, vector<16xi32> -> vector<16xf32>
      %add3A_887 = arith.addf %add3A_880, %gather3A_886 : vector<16xf32>
      %xor3A_888 = arith.constant 8 : i32
      %xor3A_889 = vector.broadcast %xor3A_888 : i32 to vector<16xi32>
      %xor3A_890 = arith.xori %iota3A, %xor3A_889 : vector<16xi32>
      %broadcast_in_dim3A_891 = vector.shape_cast %xor3A_890 : vector<16xi32> to vector<16x1xi32>
      %gather3A_892 = vector.shape_cast %broadcast_in_dim3A_891 : vector<16x1xi32> to vector<16xi32>
      %gather3A_893 = tpu.dynamic_gather %add3A_887[%gather3A_892] in [0] : vector<16xf32>, vector<16xi32> -> vector<16xf32>
      %add3A_894 = arith.addf %add3A_887, %gather3A_893 : vector<16xf32>
      %select_n3A_895 = arith.select %eq3A_866, %add3A_894, %select_n3A_804 : vector<16xi1>, vector<16xf32>
      %mul3A_896 = arith.constant 16 : i32
      %mul3A_897 = arith.muli %scan3A_352, %mul3A_896 : i32
      %add3A_898 = arith.constant 6 : i32
      %add3A_899 = arith.addi %mul3A_897, %add3A_898 : i32
      %get3A_900 = arith.constant 0 : i32
      %get3A_901 = arith.index_cast %add3A_899 : i32 to index
      %get3A_902 = arith.index_cast %get3A_900 : i32 to index
      %get3A_903 = arith.constant 0 : index
      %get3A_904 = tpu.vector_load %arg9[%get3A_901, %get3A_902, %get3A_903] {strides = array<i32>} : memref<64x1x128xf32, #tpu.memory_space<vmem>>, vector<16xf32>,
      %mul3A_905 = arith.mulf %get3A_904, %get3A_165 : vector<16xf32>
      %get3A_906 = arith.constant 0 : i32
      %get3A_907 = arith.index_cast %add3A_899 : i32 to index
      %get3A_908 = arith.index_cast %get3A_906 : i32 to index
      %get3A_909 = arith.constant 16 : index
      %get3A_910 = tpu.vector_load %arg9[%get3A_907, %get3A_908, %get3A_909] {strides = array<i32>} : memref<64x1x128xf32, #tpu.memory_space<vmem>>, vector<16xf32>,
      %mul3A_911 = arith.mulf %get3A_910, %get3A_167 : vector<16xf32>
      %add3A_912 = arith.addf %mul3A_905, %mul3A_911 : vector<16xf32>
      %get3A_913 = arith.constant 0 : i32
      %get3A_914 = arith.index_cast %add3A_899 : i32 to index
      %get3A_915 = arith.index_cast %get3A_913 : i32 to index
      %get3A_916 = arith.constant 32 : index
      %get3A_917 = tpu.vector_load %arg9[%get3A_914, %get3A_915, %get3A_916] {strides = array<i32>} : memref<64x1x128xf32, #tpu.memory_space<vmem>>, vector<16xf32>,
      %mul3A_918 = arith.mulf %get3A_917, %get3A_169 : vector<16xf32>
      %add3A_919 = arith.addf %add3A_912, %mul3A_918 : vector<16xf32>
      %get3A_920 = arith.constant 0 : i32
      %get3A_921 = arith.index_cast %add3A_899 : i32 to index
      %get3A_922 = arith.index_cast %get3A_920 : i32 to index
      %get3A_923 = arith.constant 48 : index
      %get3A_924 = tpu.vector_load %arg9[%get3A_921, %get3A_922, %get3A_923] {strides = array<i32>} : memref<64x1x128xf32, #tpu.memory_space<vmem>>, vector<16xf32>,
      %mul3A_925 = arith.mulf %get3A_924, %get3A_171 : vector<16xf32>
      %add3A_926 = arith.addf %add3A_919, %mul3A_925 : vector<16xf32>
      %get3A_927 = arith.constant 0 : i32
      %get3A_928 = arith.index_cast %add3A_899 : i32 to index
      %get3A_929 = arith.index_cast %get3A_927 : i32 to index
      %get3A_930 = arith.constant 64 : index
      %get3A_931 = tpu.vector_load %arg9[%get3A_928, %get3A_929, %get3A_930] {strides = array<i32>} : memref<64x1x128xf32, #tpu.memory_space<vmem>>, vector<16xf32>,
      %mul3A_932 = arith.mulf %get3A_931, %get3A_173 : vector<16xf32>
      %add3A_933 = arith.addf %add3A_926, %mul3A_932 : vector<16xf32>
      %get3A_934 = arith.constant 0 : i32
      %get3A_935 = arith.index_cast %add3A_899 : i32 to index
      %get3A_936 = arith.index_cast %get3A_934 : i32 to index
      %get3A_937 = arith.constant 80 : index
      %get3A_938 = tpu.vector_load %arg9[%get3A_935, %get3A_936, %get3A_937] {strides = array<i32>} : memref<64x1x128xf32, #tpu.memory_space<vmem>>, vector<16xf32>,
      %mul3A_939 = arith.mulf %get3A_938, %get3A_175 : vector<16xf32>
      %add3A_940 = arith.addf %add3A_933, %mul3A_939 : vector<16xf32>
      %get3A_941 = arith.constant 0 : i32
      %get3A_942 = arith.index_cast %add3A_899 : i32 to index
      %get3A_943 = arith.index_cast %get3A_941 : i32 to index
      %get3A_944 = arith.constant 96 : index
      %get3A_945 = tpu.vector_load %arg9[%get3A_942, %get3A_943, %get3A_944] {strides = array<i32>} : memref<64x1x128xf32, #tpu.memory_space<vmem>>, vector<16xf32>,
      %mul3A_946 = arith.mulf %get3A_945, %get3A_177 : vector<16xf32>
      %add3A_947 = arith.addf %add3A_940, %mul3A_946 : vector<16xf32>
      %get3A_948 = arith.constant 0 : i32
      %get3A_949 = arith.index_cast %add3A_899 : i32 to index
      %get3A_950 = arith.index_cast %get3A_948 : i32 to index
      %get3A_951 = arith.constant 112 : index
      %get3A_952 = tpu.vector_load %arg9[%get3A_949, %get3A_950, %get3A_951] {strides = array<i32>} : memref<64x1x128xf32, #tpu.memory_space<vmem>>, vector<16xf32>,
      %mul3A_953 = arith.mulf %get3A_952, %get3A_179 : vector<16xf32>
      %add3A_954 = arith.addf %add3A_947, %mul3A_953 : vector<16xf32>
      %eq3A_955 = arith.constant 6 : i32
      %eq3A_956 = vector.broadcast %eq3A_955 : i32 to vector<16xi32>
      %eq3A_957 = arith.cmpi eq, %iota3A, %eq3A_956 : vector<16xi32>
      %xor3A_958 = arith.constant 1 : i32
      %xor3A_959 = vector.broadcast %xor3A_958 : i32 to vector<16xi32>
      %xor3A_960 = arith.xori %iota3A, %xor3A_959 : vector<16xi32>
      %broadcast_in_dim3A_961 = vector.shape_cast %xor3A_960 : vector<16xi32> to vector<16x1xi32>
      %gather3A_962 = vector.shape_cast %broadcast_in_dim3A_961 : vector<16x1xi32> to vector<16xi32>
      %gather3A_963 = tpu.dynamic_gather %add3A_954[%gather3A_962] in [0] : vector<16xf32>, vector<16xi32> -> vector<16xf32>
      %add3A_964 = arith.addf %add3A_954, %gather3A_963 : vector<16xf32>
      %xor3A_965 = arith.constant 2 : i32
      %xor3A_966 = vector.broadcast %xor3A_965 : i32 to vector<16xi32>
      %xor3A_967 = arith.xori %iota3A, %xor3A_966 : vector<16xi32>
      %broadcast_in_dim3A_968 = vector.shape_cast %xor3A_967 : vector<16xi32> to vector<16x1xi32>
      %gather3A_969 = vector.shape_cast %broadcast_in_dim3A_968 : vector<16x1xi32> to vector<16xi32>
      %gather3A_970 = tpu.dynamic_gather %add3A_964[%gather3A_969] in [0] : vector<16xf32>, vector<16xi32> -> vector<16xf32>
      %add3A_971 = arith.addf %add3A_964, %gather3A_970 : vector<16xf32>
      %xor3A_972 = arith.constant 4 : i32
      %xor3A_973 = vector.broadcast %xor3A_972 : i32 to vector<16xi32>
      %xor3A_974 = arith.xori %iota3A, %xor3A_973 : vector<16xi32>
      %broadcast_in_dim3A_975 = vector.shape_cast %xor3A_974 : vector<16xi32> to vector<16x1xi32>
      %gather3A_976 = vector.shape_cast %broadcast_in_dim3A_975 : vector<16x1xi32> to vector<16xi32>
      %gather3A_977 = tpu.dynamic_gather %add3A_971[%gather3A_976] in [0] : vector<16xf32>, vector<16xi32> -> vector<16xf32>
      %add3A_978 = arith.addf %add3A_971, %gather3A_977 : vector<16xf32>
      %xor3A_979 = arith.constant 8 : i32
      %xor3A_980 = vector.broadcast %xor3A_979 : i32 to vector<16xi32>
      %xor3A_981 = arith.xori %iota3A, %xor3A_980 : vector<16xi32>
      %broadcast_in_dim3A_982 = vector.shape_cast %xor3A_981 : vector<16xi32> to vector<16x1xi32>
      %gather3A_983 = vector.shape_cast %broadcast_in_dim3A_982 : vector<16x1xi32> to vector<16xi32>
      %gather3A_984 = tpu.dynamic_gather %add3A_978[%gather3A_983] in [0] : vector<16xf32>, vector<16xi32> -> vector<16xf32>
      %add3A_985 = arith.addf %add3A_978, %gather3A_984 : vector<16xf32>
      %select_n3A_986 = arith.select %eq3A_957, %add3A_985, %select_n3A_895 : vector<16xi1>, vector<16xf32>
      %mul3A_987 = arith.constant 16 : i32
      %mul3A_988 = arith.muli %scan3A_352, %mul3A_987 : i32
      %add3A_989 = arith.constant 7 : i32
      %add3A_990 = arith.addi %mul3A_988, %add3A_989 : i32
      %get3A_991 = arith.constant 0 : i32
      %get3A_992 = arith.index_cast %add3A_990 : i32 to index
      %get3A_993 = arith.index_cast %get3A_991 : i32 to index
      %get3A_994 = arith.constant 0 : index
      %get3A_995 = tpu.vector_load %arg9[%get3A_992, %get3A_993, %get3A_994] {strides = array<i32>} : memref<64x1x128xf32, #tpu.memory_space<vmem>>, vector<16xf32>,
      %mul3A_996 = arith.mulf %get3A_995, %get3A_165 : vector<16xf32>
      %get3A_997 = arith.constant 0 : i32
      %get3A_998 = arith.index_cast %add3A_990 : i32 to index
      %get3A_999 = arith.index_cast %get3A_997 : i32 to index
      %get3A_1000 = arith.constant 16 : index
      %get3A_1001 = tpu.vector_load %arg9[%get3A_998, %get3A_999, %get3A_1000] {strides = array<i32>} : memref<64x1x128xf32, #tpu.memory_space<vmem>>, vector<16xf32>,
      %mul3A_1002 = arith.mulf %get3A_1001, %get3A_167 : vector<16xf32>
      %add3A_1003 = arith.addf %mul3A_996, %mul3A_1002 : vector<16xf32>
      %get3A_1004 = arith.constant 0 : i32
      %get3A_1005 = arith.index_cast %add3A_990 : i32 to index
      %get3A_1006 = arith.index_cast %get3A_1004 : i32 to index
      %get3A_1007 = arith.constant 32 : index
      %get3A_1008 = tpu.vector_load %arg9[%get3A_1005, %get3A_1006, %get3A_1007] {strides = array<i32>} : memref<64x1x128xf32, #tpu.memory_space<vmem>>, vector<16xf32>,
      %mul3A_1009 = arith.mulf %get3A_1008, %get3A_169 : vector<16xf32>
      %add3A_1010 = arith.addf %add3A_1003, %mul3A_1009 : vector<16xf32>
      %get3A_1011 = arith.constant 0 : i32
      %get3A_1012 = arith.index_cast %add3A_990 : i32 to index
      %get3A_1013 = arith.index_cast %get3A_1011 : i32 to index
      %get3A_1014 = arith.constant 48 : index
      %get3A_1015 = tpu.vector_load %arg9[%get3A_1012, %get3A_1013, %get3A_1014] {strides = array<i32>} : memref<64x1x128xf32, #tpu.memory_space<vmem>>, vector<16xf32>,
      %mul3A_1016 = arith.mulf %get3A_1015, %get3A_171 : vector<16xf32>
      %add3A_1017 = arith.addf %add3A_1010, %mul3A_1016 : vector<16xf32>
      %get3A_1018 = arith.constant 0 : i32
      %get3A_1019 = arith.index_cast %add3A_990 : i32 to index
      %get3A_1020 = arith.index_cast %get3A_1018 : i32 to index
      %get3A_1021 = arith.constant 64 : index
      %get3A_1022 = tpu.vector_load %arg9[%get3A_1019, %get3A_1020, %get3A_1021] {strides = array<i32>} : memref<64x1x128xf32, #tpu.memory_space<vmem>>, vector<16xf32>,
      %mul3A_1023 = arith.mulf %get3A_1022, %get3A_173 : vector<16xf32>
      %add3A_1024 = arith.addf %add3A_1017, %mul3A_1023 : vector<16xf32>
      %get3A_1025 = arith.constant 0 : i32
      %get3A_1026 = arith.index_cast %add3A_990 : i32 to index
      %get3A_1027 = arith.index_cast %get3A_1025 : i32 to index
      %get3A_1028 = arith.constant 80 : index
      %get3A_1029 = tpu.vector_load %arg9[%get3A_1026, %get3A_1027, %get3A_1028] {strides = array<i32>} : memref<64x1x128xf32, #tpu.memory_space<vmem>>, vector<16xf32>,
      %mul3A_1030 = arith.mulf %get3A_1029, %get3A_175 : vector<16xf32>
      %add3A_1031 = arith.addf %add3A_1024, %mul3A_1030 : vector<16xf32>
      %get3A_1032 = arith.constant 0 : i32
      %get3A_1033 = arith.index_cast %add3A_990 : i32 to index
      %get3A_1034 = arith.index_cast %get3A_1032 : i32 to index
      %get3A_1035 = arith.constant 96 : index
      %get3A_1036 = tpu.vector_load %arg9[%get3A_1033, %get3A_1034, %get3A_1035] {strides = array<i32>} : memref<64x1x128xf32, #tpu.memory_space<vmem>>, vector<16xf32>,
      %mul3A_1037 = arith.mulf %get3A_1036, %get3A_177 : vector<16xf32>
      %add3A_1038 = arith.addf %add3A_1031, %mul3A_1037 : vector<16xf32>
      %get3A_1039 = arith.constant 0 : i32
      %get3A_1040 = arith.index_cast %add3A_990 : i32 to index
      %get3A_1041 = arith.index_cast %get3A_1039 : i32 to index
      %get3A_1042 = arith.constant 112 : index
      %get3A_1043 = tpu.vector_load %arg9[%get3A_1040, %get3A_1041, %get3A_1042] {strides = array<i32>} : memref<64x1x128xf32, #tpu.memory_space<vmem>>, vector<16xf32>,
      %mul3A_1044 = arith.mulf %get3A_1043, %get3A_179 : vector<16xf32>
      %add3A_1045 = arith.addf %add3A_1038, %mul3A_1044 : vector<16xf32>
      %eq3A_1046 = arith.constant 7 : i32
      %eq3A_1047 = vector.broadcast %eq3A_1046 : i32 to vector<16xi32>
      %eq3A_1048 = arith.cmpi eq, %iota3A, %eq3A_1047 : vector<16xi32>
      %xor3A_1049 = arith.constant 1 : i32
      %xor3A_1050 = vector.broadcast %xor3A_1049 : i32 to vector<16xi32>
      %xor3A_1051 = arith.xori %iota3A, %xor3A_1050 : vector<16xi32>
      %broadcast_in_dim3A_1052 = vector.shape_cast %xor3A_1051 : vector<16xi32> to vector<16x1xi32>
      %gather3A_1053 = vector.shape_cast %broadcast_in_dim3A_1052 : vector<16x1xi32> to vector<16xi32>
      %gather3A_1054 = tpu.dynamic_gather %add3A_1045[%gather3A_1053] in [0] : vector<16xf32>, vector<16xi32> -> vector<16xf32>
      %add3A_1055 = arith.addf %add3A_1045, %gather3A_1054 : vector<16xf32>
      %xor3A_1056 = arith.constant 2 : i32
      %xor3A_1057 = vector.broadcast %xor3A_1056 : i32 to vector<16xi32>
      %xor3A_1058 = arith.xori %iota3A, %xor3A_1057 : vector<16xi32>
      %broadcast_in_dim3A_1059 = vector.shape_cast %xor3A_1058 : vector<16xi32> to vector<16x1xi32>
      %gather3A_1060 = vector.shape_cast %broadcast_in_dim3A_1059 : vector<16x1xi32> to vector<16xi32>
      %gather3A_1061 = tpu.dynamic_gather %add3A_1055[%gather3A_1060] in [0] : vector<16xf32>, vector<16xi32> -> vector<16xf32>
      %add3A_1062 = arith.addf %add3A_1055, %gather3A_1061 : vector<16xf32>
      %xor3A_1063 = arith.constant 4 : i32
      %xor3A_1064 = vector.broadcast %xor3A_1063 : i32 to vector<16xi32>
      %xor3A_1065 = arith.xori %iota3A, %xor3A_1064 : vector<16xi32>
      %broadcast_in_dim3A_1066 = vector.shape_cast %xor3A_1065 : vector<16xi32> to vector<16x1xi32>
      %gather3A_1067 = vector.shape_cast %broadcast_in_dim3A_1066 : vector<16x1xi32> to vector<16xi32>
      %gather3A_1068 = tpu.dynamic_gather %add3A_1062[%gather3A_1067] in [0] : vector<16xf32>, vector<16xi32> -> vector<16xf32>
      %add3A_1069 = arith.addf %add3A_1062, %gather3A_1068 : vector<16xf32>
      %xor3A_1070 = arith.constant 8 : i32
      %xor3A_1071 = vector.broadcast %xor3A_1070 : i32 to vector<16xi32>
      %xor3A_1072 = arith.xori %iota3A, %xor3A_1071 : vector<16xi32>
      %broadcast_in_dim3A_1073 = vector.shape_cast %xor3A_1072 : vector<16xi32> to vector<16x1xi32>
      %gather3A_1074 = vector.shape_cast %broadcast_in_dim3A_1073 : vector<16x1xi32> to vector<16xi32>
      %gather3A_1075 = tpu.dynamic_gather %add3A_1069[%gather3A_1074] in [0] : vector<16xf32>, vector<16xi32> -> vector<16xf32>
      %add3A_1076 = arith.addf %add3A_1069, %gather3A_1075 : vector<16xf32>
      %select_n3A_1077 = arith.select %eq3A_1048, %add3A_1076, %select_n3A_986 : vector<16xi1>, vector<16xf32>
      %mul3A_1078 = arith.constant 16 : i32
      %mul3A_1079 = arith.muli %scan3A_352, %mul3A_1078 : i32
      %add3A_1080 = arith.constant 8 : i32
      %add3A_1081 = arith.addi %mul3A_1079, %add3A_1080 : i32
      %get3A_1082 = arith.constant 0 : i32
      %get3A_1083 = arith.index_cast %add3A_1081 : i32 to index
      %get3A_1084 = arith.index_cast %get3A_1082 : i32 to index
      %get3A_1085 = arith.constant 0 : index
      %get3A_1086 = tpu.vector_load %arg9[%get3A_1083, %get3A_1084, %get3A_1085] {strides = array<i32>} : memref<64x1x128xf32, #tpu.memory_space<vmem>>, vector<16xf32>,
      %mul3A_1087 = arith.mulf %get3A_1086, %get3A_165 : vector<16xf32>
      %get3A_1088 = arith.constant 0 : i32
      %get3A_1089 = arith.index_cast %add3A_1081 : i32 to index
      %get3A_1090 = arith.index_cast %get3A_1088 : i32 to index
      %get3A_1091 = arith.constant 16 : index
      %get3A_1092 = tpu.vector_load %arg9[%get3A_1089, %get3A_1090, %get3A_1091] {strides = array<i32>} : memref<64x1x128xf32, #tpu.memory_space<vmem>>, vector<16xf32>,
      %mul3A_1093 = arith.mulf %get3A_1092, %get3A_167 : vector<16xf32>
      %add3A_1094 = arith.addf %mul3A_1087, %mul3A_1093 : vector<16xf32>
      %get3A_1095 = arith.constant 0 : i32
      %get3A_1096 = arith.index_cast %add3A_1081 : i32 to index
      %get3A_1097 = arith.index_cast %get3A_1095 : i32 to index
      %get3A_1098 = arith.constant 32 : index
      %get3A_1099 = tpu.vector_load %arg9[%get3A_1096, %get3A_1097, %get3A_1098] {strides = array<i32>} : memref<64x1x128xf32, #tpu.memory_space<vmem>>, vector<16xf32>,
      %mul3A_1100 = arith.mulf %get3A_1099, %get3A_169 : vector<16xf32>
      %add3A_1101 = arith.addf %add3A_1094, %mul3A_1100 : vector<16xf32>
      %get3A_1102 = arith.constant 0 : i32
      %get3A_1103 = arith.index_cast %add3A_1081 : i32 to index
      %get3A_1104 = arith.index_cast %get3A_1102 : i32 to index
      %get3A_1105 = arith.constant 48 : index
      %get3A_1106 = tpu.vector_load %arg9[%get3A_1103, %get3A_1104, %get3A_1105] {strides = array<i32>} : memref<64x1x128xf32, #tpu.memory_space<vmem>>, vector<16xf32>,
      %mul3A_1107 = arith.mulf %get3A_1106, %get3A_171 : vector<16xf32>
      %add3A_1108 = arith.addf %add3A_1101, %mul3A_1107 : vector<16xf32>
      %get3A_1109 = arith.constant 0 : i32
      %get3A_1110 = arith.index_cast %add3A_1081 : i32 to index
      %get3A_1111 = arith.index_cast %get3A_1109 : i32 to index
      %get3A_1112 = arith.constant 64 : index
      %get3A_1113 = tpu.vector_load %arg9[%get3A_1110, %get3A_1111, %get3A_1112] {strides = array<i32>} : memref<64x1x128xf32, #tpu.memory_space<vmem>>, vector<16xf32>,
      %mul3A_1114 = arith.mulf %get3A_1113, %get3A_173 : vector<16xf32>
      %add3A_1115 = arith.addf %add3A_1108, %mul3A_1114 : vector<16xf32>
      %get3A_1116 = arith.constant 0 : i32
      %get3A_1117 = arith.index_cast %add3A_1081 : i32 to index
      %get3A_1118 = arith.index_cast %get3A_1116 : i32 to index
      %get3A_1119 = arith.constant 80 : index
      %get3A_1120 = tpu.vector_load %arg9[%get3A_1117, %get3A_1118, %get3A_1119] {strides = array<i32>} : memref<64x1x128xf32, #tpu.memory_space<vmem>>, vector<16xf32>,
      %mul3A_1121 = arith.mulf %get3A_1120, %get3A_175 : vector<16xf32>
      %add3A_1122 = arith.addf %add3A_1115, %mul3A_1121 : vector<16xf32>
      %get3A_1123 = arith.constant 0 : i32
      %get3A_1124 = arith.index_cast %add3A_1081 : i32 to index
      %get3A_1125 = arith.index_cast %get3A_1123 : i32 to index
      %get3A_1126 = arith.constant 96 : index
      %get3A_1127 = tpu.vector_load %arg9[%get3A_1124, %get3A_1125, %get3A_1126] {strides = array<i32>} : memref<64x1x128xf32, #tpu.memory_space<vmem>>, vector<16xf32>,
      %mul3A_1128 = arith.mulf %get3A_1127, %get3A_177 : vector<16xf32>
      %add3A_1129 = arith.addf %add3A_1122, %mul3A_1128 : vector<16xf32>
      %get3A_1130 = arith.constant 0 : i32
      %get3A_1131 = arith.index_cast %add3A_1081 : i32 to index
      %get3A_1132 = arith.index_cast %get3A_1130 : i32 to index
      %get3A_1133 = arith.constant 112 : index
      %get3A_1134 = tpu.vector_load %arg9[%get3A_1131, %get3A_1132, %get3A_1133] {strides = array<i32>} : memref<64x1x128xf32, #tpu.memory_space<vmem>>, vector<16xf32>,
      %mul3A_1135 = arith.mulf %get3A_1134, %get3A_179 : vector<16xf32>
      %add3A_1136 = arith.addf %add3A_1129, %mul3A_1135 : vector<16xf32>
      %eq3A_1137 = arith.constant 8 : i32
      %eq3A_1138 = vector.broadcast %eq3A_1137 : i32 to vector<16xi32>
      %eq3A_1139 = arith.cmpi eq, %iota3A, %eq3A_1138 : vector<16xi32>
      %xor3A_1140 = arith.constant 1 : i32
      %xor3A_1141 = vector.broadcast %xor3A_1140 : i32 to vector<16xi32>
      %xor3A_1142 = arith.xori %iota3A, %xor3A_1141 : vector<16xi32>
      %broadcast_in_dim3A_1143 = vector.shape_cast %xor3A_1142 : vector<16xi32> to vector<16x1xi32>
      %gather3A_1144 = vector.shape_cast %broadcast_in_dim3A_1143 : vector<16x1xi32> to vector<16xi32>
      %gather3A_1145 = tpu.dynamic_gather %add3A_1136[%gather3A_1144] in [0] : vector<16xf32>, vector<16xi32> -> vector<16xf32>
      %add3A_1146 = arith.addf %add3A_1136, %gather3A_1145 : vector<16xf32>
      %xor3A_1147 = arith.constant 2 : i32
      %xor3A_1148 = vector.broadcast %xor3A_1147 : i32 to vector<16xi32>
      %xor3A_1149 = arith.xori %iota3A, %xor3A_1148 : vector<16xi32>
      %broadcast_in_dim3A_1150 = vector.shape_cast %xor3A_1149 : vector<16xi32> to vector<16x1xi32>
      %gather3A_1151 = vector.shape_cast %broadcast_in_dim3A_1150 : vector<16x1xi32> to vector<16xi32>
      %gather3A_1152 = tpu.dynamic_gather %add3A_1146[%gather3A_1151] in [0] : vector<16xf32>, vector<16xi32> -> vector<16xf32>
      %add3A_1153 = arith.addf %add3A_1146, %gather3A_1152 : vector<16xf32>
      %xor3A_1154 = arith.constant 4 : i32
      %xor3A_1155 = vector.broadcast %xor3A_1154 : i32 to vector<16xi32>
      %xor3A_1156 = arith.xori %iota3A, %xor3A_1155 : vector<16xi32>
      %broadcast_in_dim3A_1157 = vector.shape_cast %xor3A_1156 : vector<16xi32> to vector<16x1xi32>
      %gather3A_1158 = vector.shape_cast %broadcast_in_dim3A_1157 : vector<16x1xi32> to vector<16xi32>
      %gather3A_1159 = tpu.dynamic_gather %add3A_1153[%gather3A_1158] in [0] : vector<16xf32>, vector<16xi32> -> vector<16xf32>
      %add3A_1160 = arith.addf %add3A_1153, %gather3A_1159 : vector<16xf32>
      %xor3A_1161 = arith.constant 8 : i32
      %xor3A_1162 = vector.broadcast %xor3A_1161 : i32 to vector<16xi32>
      %xor3A_1163 = arith.xori %iota3A, %xor3A_1162 : vector<16xi32>
      %broadcast_in_dim3A_1164 = vector.shape_cast %xor3A_1163 : vector<16xi32> to vector<16x1xi32>
      %gather3A_1165 = vector.shape_cast %broadcast_in_dim3A_1164 : vector<16x1xi32> to vector<16xi32>
      %gather3A_1166 = tpu.dynamic_gather %add3A_1160[%gather3A_1165] in [0] : vector<16xf32>, vector<16xi32> -> vector<16xf32>
      %add3A_1167 = arith.addf %add3A_1160, %gather3A_1166 : vector<16xf32>
      %select_n3A_1168 = arith.select %eq3A_1139, %add3A_1167, %select_n3A_1077 : vector<16xi1>, vector<16xf32>
      %mul3A_1169 = arith.constant 16 : i32
      %mul3A_1170 = arith.muli %scan3A_352, %mul3A_1169 : i32
      %add3A_1171 = arith.constant 9 : i32
      %add3A_1172 = arith.addi %mul3A_1170, %add3A_1171 : i32
      %get3A_1173 = arith.constant 0 : i32
      %get3A_1174 = arith.index_cast %add3A_1172 : i32 to index
      %get3A_1175 = arith.index_cast %get3A_1173 : i32 to index
      %get3A_1176 = arith.constant 0 : index
      %get3A_1177 = tpu.vector_load %arg9[%get3A_1174, %get3A_1175, %get3A_1176] {strides = array<i32>} : memref<64x1x128xf32, #tpu.memory_space<vmem>>, vector<16xf32>,
      %mul3A_1178 = arith.mulf %get3A_1177, %get3A_165 : vector<16xf32>
      %get3A_1179 = arith.constant 0 : i32
      %get3A_1180 = arith.index_cast %add3A_1172 : i32 to index
      %get3A_1181 = arith.index_cast %get3A_1179 : i32 to index
      %get3A_1182 = arith.constant 16 : index
      %get3A_1183 = tpu.vector_load %arg9[%get3A_1180, %get3A_1181, %get3A_1182] {strides = array<i32>} : memref<64x1x128xf32, #tpu.memory_space<vmem>>, vector<16xf32>,
      %mul3A_1184 = arith.mulf %get3A_1183, %get3A_167 : vector<16xf32>
      %add3A_1185 = arith.addf %mul3A_1178, %mul3A_1184 : vector<16xf32>
      %get3A_1186 = arith.constant 0 : i32
      %get3A_1187 = arith.index_cast %add3A_1172 : i32 to index
      %get3A_1188 = arith.index_cast %get3A_1186 : i32 to index
      %get3A_1189 = arith.constant 32 : index
      %get3A_1190 = tpu.vector_load %arg9[%get3A_1187, %get3A_1188, %get3A_1189] {strides = array<i32>} : memref<64x1x128xf32, #tpu.memory_space<vmem>>, vector<16xf32>,
      %mul3A_1191 = arith.mulf %get3A_1190, %get3A_169 : vector<16xf32>
      %add3A_1192 = arith.addf %add3A_1185, %mul3A_1191 : vector<16xf32>
      %get3A_1193 = arith.constant 0 : i32
      %get3A_1194 = arith.index_cast %add3A_1172 : i32 to index
      %get3A_1195 = arith.index_cast %get3A_1193 : i32 to index
      %get3A_1196 = arith.constant 48 : index
      %get3A_1197 = tpu.vector_load %arg9[%get3A_1194, %get3A_1195, %get3A_1196] {strides = array<i32>} : memref<64x1x128xf32, #tpu.memory_space<vmem>>, vector<16xf32>,
      %mul3A_1198 = arith.mulf %get3A_1197, %get3A_171 : vector<16xf32>
      %add3A_1199 = arith.addf %add3A_1192, %mul3A_1198 : vector<16xf32>
      %get3A_1200 = arith.constant 0 : i32
      %get3A_1201 = arith.index_cast %add3A_1172 : i32 to index
      %get3A_1202 = arith.index_cast %get3A_1200 : i32 to index
      %get3A_1203 = arith.constant 64 : index
      %get3A_1204 = tpu.vector_load %arg9[%get3A_1201, %get3A_1202, %get3A_1203] {strides = array<i32>} : memref<64x1x128xf32, #tpu.memory_space<vmem>>, vector<16xf32>,
      %mul3A_1205 = arith.mulf %get3A_1204, %get3A_173 : vector<16xf32>
      %add3A_1206 = arith.addf %add3A_1199, %mul3A_1205 : vector<16xf32>
      %get3A_1207 = arith.constant 0 : i32
      %get3A_1208 = arith.index_cast %add3A_1172 : i32 to index
      %get3A_1209 = arith.index_cast %get3A_1207 : i32 to index
      %get3A_1210 = arith.constant 80 : index
      %get3A_1211 = tpu.vector_load %arg9[%get3A_1208, %get3A_1209, %get3A_1210] {strides = array<i32>} : memref<64x1x128xf32, #tpu.memory_space<vmem>>, vector<16xf32>,
      %mul3A_1212 = arith.mulf %get3A_1211, %get3A_175 : vector<16xf32>
      %add3A_1213 = arith.addf %add3A_1206, %mul3A_1212 : vector<16xf32>
      %get3A_1214 = arith.constant 0 : i32
      %get3A_1215 = arith.index_cast %add3A_1172 : i32 to index
      %get3A_1216 = arith.index_cast %get3A_1214 : i32 to index
      %get3A_1217 = arith.constant 96 : index
      %get3A_1218 = tpu.vector_load %arg9[%get3A_1215, %get3A_1216, %get3A_1217] {strides = array<i32>} : memref<64x1x128xf32, #tpu.memory_space<vmem>>, vector<16xf32>,
      %mul3A_1219 = arith.mulf %get3A_1218, %get3A_177 : vector<16xf32>
      %add3A_1220 = arith.addf %add3A_1213, %mul3A_1219 : vector<16xf32>
      %get3A_1221 = arith.constant 0 : i32
      %get3A_1222 = arith.index_cast %add3A_1172 : i32 to index
      %get3A_1223 = arith.index_cast %get3A_1221 : i32 to index
      %get3A_1224 = arith.constant 112 : index
      %get3A_1225 = tpu.vector_load %arg9[%get3A_1222, %get3A_1223, %get3A_1224] {strides = array<i32>} : memref<64x1x128xf32, #tpu.memory_space<vmem>>, vector<16xf32>,
      %mul3A_1226 = arith.mulf %get3A_1225, %get3A_179 : vector<16xf32>
      %add3A_1227 = arith.addf %add3A_1220, %mul3A_1226 : vector<16xf32>
      %eq3A_1228 = arith.constant 9 : i32
      %eq3A_1229 = vector.broadcast %eq3A_1228 : i32 to vector<16xi32>
      %eq3A_1230 = arith.cmpi eq, %iota3A, %eq3A_1229 : vector<16xi32>
      %xor3A_1231 = arith.constant 1 : i32
      %xor3A_1232 = vector.broadcast %xor3A_1231 : i32 to vector<16xi32>
      %xor3A_1233 = arith.xori %iota3A, %xor3A_1232 : vector<16xi32>
      %broadcast_in_dim3A_1234 = vector.shape_cast %xor3A_1233 : vector<16xi32> to vector<16x1xi32>
      %gather3A_1235 = vector.shape_cast %broadcast_in_dim3A_1234 : vector<16x1xi32> to vector<16xi32>
      %gather3A_1236 = tpu.dynamic_gather %add3A_1227[%gather3A_1235] in [0] : vector<16xf32>, vector<16xi32> -> vector<16xf32>
      %add3A_1237 = arith.addf %add3A_1227, %gather3A_1236 : vector<16xf32>
      %xor3A_1238 = arith.constant 2 : i32
      %xor3A_1239 = vector.broadcast %xor3A_1238 : i32 to vector<16xi32>
      %xor3A_1240 = arith.xori %iota3A, %xor3A_1239 : vector<16xi32>
      %broadcast_in_dim3A_1241 = vector.shape_cast %xor3A_1240 : vector<16xi32> to vector<16x1xi32>
      %gather3A_1242 = vector.shape_cast %broadcast_in_dim3A_1241 : vector<16x1xi32> to vector<16xi32>
      %gather3A_1243 = tpu.dynamic_gather %add3A_1237[%gather3A_1242] in [0] : vector<16xf32>, vector<16xi32> -> vector<16xf32>
      %add3A_1244 = arith.addf %add3A_1237, %gather3A_1243 : vector<16xf32>
      %xor3A_1245 = arith.constant 4 : i32
      %xor3A_1246 = vector.broadcast %xor3A_1245 : i32 to vector<16xi32>
      %xor3A_1247 = arith.xori %iota3A, %xor3A_1246 : vector<16xi32>
      %broadcast_in_dim3A_1248 = vector.shape_cast %xor3A_1247 : vector<16xi32> to vector<16x1xi32>
      %gather3A_1249 = vector.shape_cast %broadcast_in_dim3A_1248 : vector<16x1xi32> to vector<16xi32>
      %gather3A_1250 = tpu.dynamic_gather %add3A_1244[%gather3A_1249] in [0] : vector<16xf32>, vector<16xi32> -> vector<16xf32>
      %add3A_1251 = arith.addf %add3A_1244, %gather3A_1250 : vector<16xf32>
      %xor3A_1252 = arith.constant 8 : i32
      %xor3A_1253 = vector.broadcast %xor3A_1252 : i32 to vector<16xi32>
      %xor3A_1254 = arith.xori %iota3A, %xor3A_1253 : vector<16xi32>
      %broadcast_in_dim3A_1255 = vector.shape_cast %xor3A_1254 : vector<16xi32> to vector<16x1xi32>
      %gather3A_1256 = vector.shape_cast %broadcast_in_dim3A_1255 : vector<16x1xi32> to vector<16xi32>
      %gather3A_1257 = tpu.dynamic_gather %add3A_1251[%gather3A_1256] in [0] : vector<16xf32>, vector<16xi32> -> vector<16xf32>
      %add3A_1258 = arith.addf %add3A_1251, %gather3A_1257 : vector<16xf32>
      %select_n3A_1259 = arith.select %eq3A_1230, %add3A_1258, %select_n3A_1168 : vector<16xi1>, vector<16xf32>
      %mul3A_1260 = arith.constant 16 : i32
      %mul3A_1261 = arith.muli %scan3A_352, %mul3A_1260 : i32
      %add3A_1262 = arith.constant 10 : i32
      %add3A_1263 = arith.addi %mul3A_1261, %add3A_1262 : i32
      %get3A_1264 = arith.constant 0 : i32
      %get3A_1265 = arith.index_cast %add3A_1263 : i32 to index
      %get3A_1266 = arith.index_cast %get3A_1264 : i32 to index
      %get3A_1267 = arith.constant 0 : index
      %get3A_1268 = tpu.vector_load %arg9[%get3A_1265, %get3A_1266, %get3A_1267] {strides = array<i32>} : memref<64x1x128xf32, #tpu.memory_space<vmem>>, vector<16xf32>,
      %mul3A_1269 = arith.mulf %get3A_1268, %get3A_165 : vector<16xf32>
      %get3A_1270 = arith.constant 0 : i32
      %get3A_1271 = arith.index_cast %add3A_1263 : i32 to index
      %get3A_1272 = arith.index_cast %get3A_1270 : i32 to index
      %get3A_1273 = arith.constant 16 : index
      %get3A_1274 = tpu.vector_load %arg9[%get3A_1271, %get3A_1272, %get3A_1273] {strides = array<i32>} : memref<64x1x128xf32, #tpu.memory_space<vmem>>, vector<16xf32>,
      %mul3A_1275 = arith.mulf %get3A_1274, %get3A_167 : vector<16xf32>
      %add3A_1276 = arith.addf %mul3A_1269, %mul3A_1275 : vector<16xf32>
      %get3A_1277 = arith.constant 0 : i32
      %get3A_1278 = arith.index_cast %add3A_1263 : i32 to index
      %get3A_1279 = arith.index_cast %get3A_1277 : i32 to index
      %get3A_1280 = arith.constant 32 : index
      %get3A_1281 = tpu.vector_load %arg9[%get3A_1278, %get3A_1279, %get3A_1280] {strides = array<i32>} : memref<64x1x128xf32, #tpu.memory_space<vmem>>, vector<16xf32>,
      %mul3A_1282 = arith.mulf %get3A_1281, %get3A_169 : vector<16xf32>
      %add3A_1283 = arith.addf %add3A_1276, %mul3A_1282 : vector<16xf32>
      %get3A_1284 = arith.constant 0 : i32
      %get3A_1285 = arith.index_cast %add3A_1263 : i32 to index
      %get3A_1286 = arith.index_cast %get3A_1284 : i32 to index
      %get3A_1287 = arith.constant 48 : index
      %get3A_1288 = tpu.vector_load %arg9[%get3A_1285, %get3A_1286, %get3A_1287] {strides = array<i32>} : memref<64x1x128xf32, #tpu.memory_space<vmem>>, vector<16xf32>,
      %mul3A_1289 = arith.mulf %get3A_1288, %get3A_171 : vector<16xf32>
      %add3A_1290 = arith.addf %add3A_1283, %mul3A_1289 : vector<16xf32>
      %get3A_1291 = arith.constant 0 : i32
      %get3A_1292 = arith.index_cast %add3A_1263 : i32 to index
      %get3A_1293 = arith.index_cast %get3A_1291 : i32 to index
      %get3A_1294 = arith.constant 64 : index
      %get3A_1295 = tpu.vector_load %arg9[%get3A_1292, %get3A_1293, %get3A_1294] {strides = array<i32>} : memref<64x1x128xf32, #tpu.memory_space<vmem>>, vector<16xf32>,
      %mul3A_1296 = arith.mulf %get3A_1295, %get3A_173 : vector<16xf32>
      %add3A_1297 = arith.addf %add3A_1290, %mul3A_1296 : vector<16xf32>
      %get3A_1298 = arith.constant 0 : i32
      %get3A_1299 = arith.index_cast %add3A_1263 : i32 to index
      %get3A_1300 = arith.index_cast %get3A_1298 : i32 to index
      %get3A_1301 = arith.constant 80 : index
      %get3A_1302 = tpu.vector_load %arg9[%get3A_1299, %get3A_1300, %get3A_1301] {strides = array<i32>} : memref<64x1x128xf32, #tpu.memory_space<vmem>>, vector<16xf32>,
      %mul3A_1303 = arith.mulf %get3A_1302, %get3A_175 : vector<16xf32>
      %add3A_1304 = arith.addf %add3A_1297, %mul3A_1303 : vector<16xf32>
      %get3A_1305 = arith.constant 0 : i32
      %get3A_1306 = arith.index_cast %add3A_1263 : i32 to index
      %get3A_1307 = arith.index_cast %get3A_1305 : i32 to index
      %get3A_1308 = arith.constant 96 : index
      %get3A_1309 = tpu.vector_load %arg9[%get3A_1306, %get3A_1307, %get3A_1308] {strides = array<i32>} : memref<64x1x128xf32, #tpu.memory_space<vmem>>, vector<16xf32>,
      %mul3A_1310 = arith.mulf %get3A_1309, %get3A_177 : vector<16xf32>
      %add3A_1311 = arith.addf %add3A_1304, %mul3A_1310 : vector<16xf32>
      %get3A_1312 = arith.constant 0 : i32
      %get3A_1313 = arith.index_cast %add3A_1263 : i32 to index
      %get3A_1314 = arith.index_cast %get3A_1312 : i32 to index
      %get3A_1315 = arith.constant 112 : index
      %get3A_1316 = tpu.vector_load %arg9[%get3A_1313, %get3A_1314, %get3A_1315] {strides = array<i32>} : memref<64x1x128xf32, #tpu.memory_space<vmem>>, vector<16xf32>,
      %mul3A_1317 = arith.mulf %get3A_1316, %get3A_179 : vector<16xf32>
      %add3A_1318 = arith.addf %add3A_1311, %mul3A_1317 : vector<16xf32>
      %eq3A_1319 = arith.constant 10 : i32
      %eq3A_1320 = vector.broadcast %eq3A_1319 : i32 to vector<16xi32>
      %eq3A_1321 = arith.cmpi eq, %iota3A, %eq3A_1320 : vector<16xi32>
      %xor3A_1322 = arith.constant 1 : i32
      %xor3A_1323 = vector.broadcast %xor3A_1322 : i32 to vector<16xi32>
      %xor3A_1324 = arith.xori %iota3A, %xor3A_1323 : vector<16xi32>
      %broadcast_in_dim3A_1325 = vector.shape_cast %xor3A_1324 : vector<16xi32> to vector<16x1xi32>
      %gather3A_1326 = vector.shape_cast %broadcast_in_dim3A_1325 : vector<16x1xi32> to vector<16xi32>
      %gather3A_1327 = tpu.dynamic_gather %add3A_1318[%gather3A_1326] in [0] : vector<16xf32>, vector<16xi32> -> vector<16xf32>
      %add3A_1328 = arith.addf %add3A_1318, %gather3A_1327 : vector<16xf32>
      %xor3A_1329 = arith.constant 2 : i32
      %xor3A_1330 = vector.broadcast %xor3A_1329 : i32 to vector<16xi32>
      %xor3A_1331 = arith.xori %iota3A, %xor3A_1330 : vector<16xi32>
      %broadcast_in_dim3A_1332 = vector.shape_cast %xor3A_1331 : vector<16xi32> to vector<16x1xi32>
      %gather3A_1333 = vector.shape_cast %broadcast_in_dim3A_1332 : vector<16x1xi32> to vector<16xi32>
      %gather3A_1334 = tpu.dynamic_gather %add3A_1328[%gather3A_1333] in [0] : vector<16xf32>, vector<16xi32> -> vector<16xf32>
      %add3A_1335 = arith.addf %add3A_1328, %gather3A_1334 : vector<16xf32>
      %xor3A_1336 = arith.constant 4 : i32
      %xor3A_1337 = vector.broadcast %xor3A_1336 : i32 to vector<16xi32>
      %xor3A_1338 = arith.xori %iota3A, %xor3A_1337 : vector<16xi32>
      %broadcast_in_dim3A_1339 = vector.shape_cast %xor3A_1338 : vector<16xi32> to vector<16x1xi32>
      %gather3A_1340 = vector.shape_cast %broadcast_in_dim3A_1339 : vector<16x1xi32> to vector<16xi32>
      %gather3A_1341 = tpu.dynamic_gather %add3A_1335[%gather3A_1340] in [0] : vector<16xf32>, vector<16xi32> -> vector<16xf32>
      %add3A_1342 = arith.addf %add3A_1335, %gather3A_1341 : vector<16xf32>
      %xor3A_1343 = arith.constant 8 : i32
      %xor3A_1344 = vector.broadcast %xor3A_1343 : i32 to vector<16xi32>
      %xor3A_1345 = arith.xori %iota3A, %xor3A_1344 : vector<16xi32>
      %broadcast_in_dim3A_1346 = vector.shape_cast %xor3A_1345 : vector<16xi32> to vector<16x1xi32>
      %gather3A_1347 = vector.shape_cast %broadcast_in_dim3A_1346 : vector<16x1xi32> to vector<16xi32>
      %gather3A_1348 = tpu.dynamic_gather %add3A_1342[%gather3A_1347] in [0] : vector<16xf32>, vector<16xi32> -> vector<16xf32>
      %add3A_1349 = arith.addf %add3A_1342, %gather3A_1348 : vector<16xf32>
      %select_n3A_1350 = arith.select %eq3A_1321, %add3A_1349, %select_n3A_1259 : vector<16xi1>, vector<16xf32>
      %mul3A_1351 = arith.constant 16 : i32
      %mul3A_1352 = arith.muli %scan3A_352, %mul3A_1351 : i32
      %add3A_1353 = arith.constant 11 : i32
      %add3A_1354 = arith.addi %mul3A_1352, %add3A_1353 : i32
      %get3A_1355 = arith.constant 0 : i32
      %get3A_1356 = arith.index_cast %add3A_1354 : i32 to index
      %get3A_1357 = arith.index_cast %get3A_1355 : i32 to index
      %get3A_1358 = arith.constant 0 : index
      %get3A_1359 = tpu.vector_load %arg9[%get3A_1356, %get3A_1357, %get3A_1358] {strides = array<i32>} : memref<64x1x128xf32, #tpu.memory_space<vmem>>, vector<16xf32>,
      %mul3A_1360 = arith.mulf %get3A_1359, %get3A_165 : vector<16xf32>
      %get3A_1361 = arith.constant 0 : i32
      %get3A_1362 = arith.index_cast %add3A_1354 : i32 to index
      %get3A_1363 = arith.index_cast %get3A_1361 : i32 to index
      %get3A_1364 = arith.constant 16 : index
      %get3A_1365 = tpu.vector_load %arg9[%get3A_1362, %get3A_1363, %get3A_1364] {strides = array<i32>} : memref<64x1x128xf32, #tpu.memory_space<vmem>>, vector<16xf32>,
      %mul3A_1366 = arith.mulf %get3A_1365, %get3A_167 : vector<16xf32>
      %add3A_1367 = arith.addf %mul3A_1360, %mul3A_1366 : vector<16xf32>
      %get3A_1368 = arith.constant 0 : i32
      %get3A_1369 = arith.index_cast %add3A_1354 : i32 to index
      %get3A_1370 = arith.index_cast %get3A_1368 : i32 to index
      %get3A_1371 = arith.constant 32 : index
      %get3A_1372 = tpu.vector_load %arg9[%get3A_1369, %get3A_1370, %get3A_1371] {strides = array<i32>} : memref<64x1x128xf32, #tpu.memory_space<vmem>>, vector<16xf32>,
      %mul3A_1373 = arith.mulf %get3A_1372, %get3A_169 : vector<16xf32>
      %add3A_1374 = arith.addf %add3A_1367, %mul3A_1373 : vector<16xf32>
      %get3A_1375 = arith.constant 0 : i32
      %get3A_1376 = arith.index_cast %add3A_1354 : i32 to index
      %get3A_1377 = arith.index_cast %get3A_1375 : i32 to index
      %get3A_1378 = arith.constant 48 : index
      %get3A_1379 = tpu.vector_load %arg9[%get3A_1376, %get3A_1377, %get3A_1378] {strides = array<i32>} : memref<64x1x128xf32, #tpu.memory_space<vmem>>, vector<16xf32>,
      %mul3A_1380 = arith.mulf %get3A_1379, %get3A_171 : vector<16xf32>
      %add3A_1381 = arith.addf %add3A_1374, %mul3A_1380 : vector<16xf32>
      %get3A_1382 = arith.constant 0 : i32
      %get3A_1383 = arith.index_cast %add3A_1354 : i32 to index
      %get3A_1384 = arith.index_cast %get3A_1382 : i32 to index
      %get3A_1385 = arith.constant 64 : index
      %get3A_1386 = tpu.vector_load %arg9[%get3A_1383, %get3A_1384, %get3A_1385] {strides = array<i32>} : memref<64x1x128xf32, #tpu.memory_space<vmem>>, vector<16xf32>,
      %mul3A_1387 = arith.mulf %get3A_1386, %get3A_173 : vector<16xf32>
      %add3A_1388 = arith.addf %add3A_1381, %mul3A_1387 : vector<16xf32>
      %get3A_1389 = arith.constant 0 : i32
      %get3A_1390 = arith.index_cast %add3A_1354 : i32 to index
      %get3A_1391 = arith.index_cast %get3A_1389 : i32 to index
      %get3A_1392 = arith.constant 80 : index
      %get3A_1393 = tpu.vector_load %arg9[%get3A_1390, %get3A_1391, %get3A_1392] {strides = array<i32>} : memref<64x1x128xf32, #tpu.memory_space<vmem>>, vector<16xf32>,
      %mul3A_1394 = arith.mulf %get3A_1393, %get3A_175 : vector<16xf32>
      %add3A_1395 = arith.addf %add3A_1388, %mul3A_1394 : vector<16xf32>
      %get3A_1396 = arith.constant 0 : i32
      %get3A_1397 = arith.index_cast %add3A_1354 : i32 to index
      %get3A_1398 = arith.index_cast %get3A_1396 : i32 to index
      %get3A_1399 = arith.constant 96 : index
      %get3A_1400 = tpu.vector_load %arg9[%get3A_1397, %get3A_1398, %get3A_1399] {strides = array<i32>} : memref<64x1x128xf32, #tpu.memory_space<vmem>>, vector<16xf32>,
      %mul3A_1401 = arith.mulf %get3A_1400, %get3A_177 : vector<16xf32>
      %add3A_1402 = arith.addf %add3A_1395, %mul3A_1401 : vector<16xf32>
      %get3A_1403 = arith.constant 0 : i32
      %get3A_1404 = arith.index_cast %add3A_1354 : i32 to index
      %get3A_1405 = arith.index_cast %get3A_1403 : i32 to index
      %get3A_1406 = arith.constant 112 : index
      %get3A_1407 = tpu.vector_load %arg9[%get3A_1404, %get3A_1405, %get3A_1406] {strides = array<i32>} : memref<64x1x128xf32, #tpu.memory_space<vmem>>, vector<16xf32>,
      %mul3A_1408 = arith.mulf %get3A_1407, %get3A_179 : vector<16xf32>
      %add3A_1409 = arith.addf %add3A_1402, %mul3A_1408 : vector<16xf32>
      %eq3A_1410 = arith.constant 11 : i32
      %eq3A_1411 = vector.broadcast %eq3A_1410 : i32 to vector<16xi32>
      %eq3A_1412 = arith.cmpi eq, %iota3A, %eq3A_1411 : vector<16xi32>
      %xor3A_1413 = arith.constant 1 : i32
      %xor3A_1414 = vector.broadcast %xor3A_1413 : i32 to vector<16xi32>
      %xor3A_1415 = arith.xori %iota3A, %xor3A_1414 : vector<16xi32>
      %broadcast_in_dim3A_1416 = vector.shape_cast %xor3A_1415 : vector<16xi32> to vector<16x1xi32>
      %gather3A_1417 = vector.shape_cast %broadcast_in_dim3A_1416 : vector<16x1xi32> to vector<16xi32>
      %gather3A_1418 = tpu.dynamic_gather %add3A_1409[%gather3A_1417] in [0] : vector<16xf32>, vector<16xi32> -> vector<16xf32>
      %add3A_1419 = arith.addf %add3A_1409, %gather3A_1418 : vector<16xf32>
      %xor3A_1420 = arith.constant 2 : i32
      %xor3A_1421 = vector.broadcast %xor3A_1420 : i32 to vector<16xi32>
      %xor3A_1422 = arith.xori %iota3A, %xor3A_1421 : vector<16xi32>
      %broadcast_in_dim3A_1423 = vector.shape_cast %xor3A_1422 : vector<16xi32> to vector<16x1xi32>
      %gather3A_1424 = vector.shape_cast %broadcast_in_dim3A_1423 : vector<16x1xi32> to vector<16xi32>
      %gather3A_1425 = tpu.dynamic_gather %add3A_1419[%gather3A_1424] in [0] : vector<16xf32>, vector<16xi32> -> vector<16xf32>
      %add3A_1426 = arith.addf %add3A_1419, %gather3A_1425 : vector<16xf32>
      %xor3A_1427 = arith.constant 4 : i32
      %xor3A_1428 = vector.broadcast %xor3A_1427 : i32 to vector<16xi32>
      %xor3A_1429 = arith.xori %iota3A, %xor3A_1428 : vector<16xi32>
      %broadcast_in_dim3A_1430 = vector.shape_cast %xor3A_1429 : vector<16xi32> to vector<16x1xi32>
      %gather3A_1431 = vector.shape_cast %broadcast_in_dim3A_1430 : vector<16x1xi32> to vector<16xi32>
      %gather3A_1432 = tpu.dynamic_gather %add3A_1426[%gather3A_1431] in [0] : vector<16xf32>, vector<16xi32> -> vector<16xf32>
      %add3A_1433 = arith.addf %add3A_1426, %gather3A_1432 : vector<16xf32>
      %xor3A_1434 = arith.constant 8 : i32
      %xor3A_1435 = vector.broadcast %xor3A_1434 : i32 to vector<16xi32>
      %xor3A_1436 = arith.xori %iota3A, %xor3A_1435 : vector<16xi32>
      %broadcast_in_dim3A_1437 = vector.shape_cast %xor3A_1436 : vector<16xi32> to vector<16x1xi32>
      %gather3A_1438 = vector.shape_cast %broadcast_in_dim3A_1437 : vector<16x1xi32> to vector<16xi32>
      %gather3A_1439 = tpu.dynamic_gather %add3A_1433[%gather3A_1438] in [0] : vector<16xf32>, vector<16xi32> -> vector<16xf32>
      %add3A_1440 = arith.addf %add3A_1433, %gather3A_1439 : vector<16xf32>
      %select_n3A_1441 = arith.select %eq3A_1412, %add3A_1440, %select_n3A_1350 : vector<16xi1>, vector<16xf32>
      %mul3A_1442 = arith.constant 16 : i32
      %mul3A_1443 = arith.muli %scan3A_352, %mul3A_1442 : i32
      %add3A_1444 = arith.constant 12 : i32
      %add3A_1445 = arith.addi %mul3A_1443, %add3A_1444 : i32
      %get3A_1446 = arith.constant 0 : i32
      %get3A_1447 = arith.index_cast %add3A_1445 : i32 to index
      %get3A_1448 = arith.index_cast %get3A_1446 : i32 to index
      %get3A_1449 = arith.constant 0 : index
      %get3A_1450 = tpu.vector_load %arg9[%get3A_1447, %get3A_1448, %get3A_1449] {strides = array<i32>} : memref<64x1x128xf32, #tpu.memory_space<vmem>>, vector<16xf32>,
      %mul3A_1451 = arith.mulf %get3A_1450, %get3A_165 : vector<16xf32>
      %get3A_1452 = arith.constant 0 : i32
      %get3A_1453 = arith.index_cast %add3A_1445 : i32 to index
      %get3A_1454 = arith.index_cast %get3A_1452 : i32 to index
      %get3A_1455 = arith.constant 16 : index
      %get3A_1456 = tpu.vector_load %arg9[%get3A_1453, %get3A_1454, %get3A_1455] {strides = array<i32>} : memref<64x1x128xf32, #tpu.memory_space<vmem>>, vector<16xf32>,
      %mul3A_1457 = arith.mulf %get3A_1456, %get3A_167 : vector<16xf32>
      %add3A_1458 = arith.addf %mul3A_1451, %mul3A_1457 : vector<16xf32>
      %get3A_1459 = arith.constant 0 : i32
      %get3A_1460 = arith.index_cast %add3A_1445 : i32 to index
      %get3A_1461 = arith.index_cast %get3A_1459 : i32 to index
      %get3A_1462 = arith.constant 32 : index
      %get3A_1463 = tpu.vector_load %arg9[%get3A_1460, %get3A_1461, %get3A_1462] {strides = array<i32>} : memref<64x1x128xf32, #tpu.memory_space<vmem>>, vector<16xf32>,
      %mul3A_1464 = arith.mulf %get3A_1463, %get3A_169 : vector<16xf32>
      %add3A_1465 = arith.addf %add3A_1458, %mul3A_1464 : vector<16xf32>
      %get3A_1466 = arith.constant 0 : i32
      %get3A_1467 = arith.index_cast %add3A_1445 : i32 to index
      %get3A_1468 = arith.index_cast %get3A_1466 : i32 to index
      %get3A_1469 = arith.constant 48 : index
      %get3A_1470 = tpu.vector_load %arg9[%get3A_1467, %get3A_1468, %get3A_1469] {strides = array<i32>} : memref<64x1x128xf32, #tpu.memory_space<vmem>>, vector<16xf32>,
      %mul3A_1471 = arith.mulf %get3A_1470, %get3A_171 : vector<16xf32>
      %add3A_1472 = arith.addf %add3A_1465, %mul3A_1471 : vector<16xf32>
      %get3A_1473 = arith.constant 0 : i32
      %get3A_1474 = arith.index_cast %add3A_1445 : i32 to index
      %get3A_1475 = arith.index_cast %get3A_1473 : i32 to index
      %get3A_1476 = arith.constant 64 : index
      %get3A_1477 = tpu.vector_load %arg9[%get3A_1474, %get3A_1475, %get3A_1476] {strides = array<i32>} : memref<64x1x128xf32, #tpu.memory_space<vmem>>, vector<16xf32>,
      %mul3A_1478 = arith.mulf %get3A_1477, %get3A_173 : vector<16xf32>
      %add3A_1479 = arith.addf %add3A_1472, %mul3A_1478 : vector<16xf32>
      %get3A_1480 = arith.constant 0 : i32
      %get3A_1481 = arith.index_cast %add3A_1445 : i32 to index
      %get3A_1482 = arith.index_cast %get3A_1480 : i32 to index
      %get3A_1483 = arith.constant 80 : index
      %get3A_1484 = tpu.vector_load %arg9[%get3A_1481, %get3A_1482, %get3A_1483] {strides = array<i32>} : memref<64x1x128xf32, #tpu.memory_space<vmem>>, vector<16xf32>,
      %mul3A_1485 = arith.mulf %get3A_1484, %get3A_175 : vector<16xf32>
      %add3A_1486 = arith.addf %add3A_1479, %mul3A_1485 : vector<16xf32>
      %get3A_1487 = arith.constant 0 : i32
      %get3A_1488 = arith.index_cast %add3A_1445 : i32 to index
      %get3A_1489 = arith.index_cast %get3A_1487 : i32 to index
      %get3A_1490 = arith.constant 96 : index
      %get3A_1491 = tpu.vector_load %arg9[%get3A_1488, %get3A_1489, %get3A_1490] {strides = array<i32>} : memref<64x1x128xf32, #tpu.memory_space<vmem>>, vector<16xf32>,
      %mul3A_1492 = arith.mulf %get3A_1491, %get3A_177 : vector<16xf32>
      %add3A_1493 = arith.addf %add3A_1486, %mul3A_1492 : vector<16xf32>
      %get3A_1494 = arith.constant 0 : i32
      %get3A_1495 = arith.index_cast %add3A_1445 : i32 to index
      %get3A_1496 = arith.index_cast %get3A_1494 : i32 to index
      %get3A_1497 = arith.constant 112 : index
      %get3A_1498 = tpu.vector_load %arg9[%get3A_1495, %get3A_1496, %get3A_1497] {strides = array<i32>} : memref<64x1x128xf32, #tpu.memory_space<vmem>>, vector<16xf32>,
      %mul3A_1499 = arith.mulf %get3A_1498, %get3A_179 : vector<16xf32>
      %add3A_1500 = arith.addf %add3A_1493, %mul3A_1499 : vector<16xf32>
      %eq3A_1501 = arith.constant 12 : i32
      %eq3A_1502 = vector.broadcast %eq3A_1501 : i32 to vector<16xi32>
      %eq3A_1503 = arith.cmpi eq, %iota3A, %eq3A_1502 : vector<16xi32>
      %xor3A_1504 = arith.constant 1 : i32
      %xor3A_1505 = vector.broadcast %xor3A_1504 : i32 to vector<16xi32>
      %xor3A_1506 = arith.xori %iota3A, %xor3A_1505 : vector<16xi32>
      %broadcast_in_dim3A_1507 = vector.shape_cast %xor3A_1506 : vector<16xi32> to vector<16x1xi32>
      %gather3A_1508 = vector.shape_cast %broadcast_in_dim3A_1507 : vector<16x1xi32> to vector<16xi32>
      %gather3A_1509 = tpu.dynamic_gather %add3A_1500[%gather3A_1508] in [0] : vector<16xf32>, vector<16xi32> -> vector<16xf32>
      %add3A_1510 = arith.addf %add3A_1500, %gather3A_1509 : vector<16xf32>
      %xor3A_1511 = arith.constant 2 : i32
      %xor3A_1512 = vector.broadcast %xor3A_1511 : i32 to vector<16xi32>
      %xor3A_1513 = arith.xori %iota3A, %xor3A_1512 : vector<16xi32>
      %broadcast_in_dim3A_1514 = vector.shape_cast %xor3A_1513 : vector<16xi32> to vector<16x1xi32>
      %gather3A_1515 = vector.shape_cast %broadcast_in_dim3A_1514 : vector<16x1xi32> to vector<16xi32>
      %gather3A_1516 = tpu.dynamic_gather %add3A_1510[%gather3A_1515] in [0] : vector<16xf32>, vector<16xi32> -> vector<16xf32>
      %add3A_1517 = arith.addf %add3A_1510, %gather3A_1516 : vector<16xf32>
      %xor3A_1518 = arith.constant 4 : i32
      %xor3A_1519 = vector.broadcast %xor3A_1518 : i32 to vector<16xi32>
      %xor3A_1520 = arith.xori %iota3A, %xor3A_1519 : vector<16xi32>
      %broadcast_in_dim3A_1521 = vector.shape_cast %xor3A_1520 : vector<16xi32> to vector<16x1xi32>
      %gather3A_1522 = vector.shape_cast %broadcast_in_dim3A_1521 : vector<16x1xi32> to vector<16xi32>
      %gather3A_1523 = tpu.dynamic_gather %add3A_1517[%gather3A_1522] in [0] : vector<16xf32>, vector<16xi32> -> vector<16xf32>
      %add3A_1524 = arith.addf %add3A_1517, %gather3A_1523 : vector<16xf32>
      %xor3A_1525 = arith.constant 8 : i32
      %xor3A_1526 = vector.broadcast %xor3A_1525 : i32 to vector<16xi32>
      %xor3A_1527 = arith.xori %iota3A, %xor3A_1526 : vector<16xi32>
      %broadcast_in_dim3A_1528 = vector.shape_cast %xor3A_1527 : vector<16xi32> to vector<16x1xi32>
      %gather3A_1529 = vector.shape_cast %broadcast_in_dim3A_1528 : vector<16x1xi32> to vector<16xi32>
      %gather3A_1530 = tpu.dynamic_gather %add3A_1524[%gather3A_1529] in [0] : vector<16xf32>, vector<16xi32> -> vector<16xf32>
      %add3A_1531 = arith.addf %add3A_1524, %gather3A_1530 : vector<16xf32>
      %select_n3A_1532 = arith.select %eq3A_1503, %add3A_1531, %select_n3A_1441 : vector<16xi1>, vector<16xf32>
      %mul3A_1533 = arith.constant 16 : i32
      %mul3A_1534 = arith.muli %scan3A_352, %mul3A_1533 : i32
      %add3A_1535 = arith.constant 13 : i32
      %add3A_1536 = arith.addi %mul3A_1534, %add3A_1535 : i32
      %get3A_1537 = arith.constant 0 : i32
      %get3A_1538 = arith.index_cast %add3A_1536 : i32 to index
      %get3A_1539 = arith.index_cast %get3A_1537 : i32 to index
      %get3A_1540 = arith.constant 0 : index
      %get3A_1541 = tpu.vector_load %arg9[%get3A_1538, %get3A_1539, %get3A_1540] {strides = array<i32>} : memref<64x1x128xf32, #tpu.memory_space<vmem>>, vector<16xf32>,
      %mul3A_1542 = arith.mulf %get3A_1541, %get3A_165 : vector<16xf32>
      %get3A_1543 = arith.constant 0 : i32
      %get3A_1544 = arith.index_cast %add3A_1536 : i32 to index
      %get3A_1545 = arith.index_cast %get3A_1543 : i32 to index
      %get3A_1546 = arith.constant 16 : index
      %get3A_1547 = tpu.vector_load %arg9[%get3A_1544, %get3A_1545, %get3A_1546] {strides = array<i32>} : memref<64x1x128xf32, #tpu.memory_space<vmem>>, vector<16xf32>,
      %mul3A_1548 = arith.mulf %get3A_1547, %get3A_167 : vector<16xf32>
      %add3A_1549 = arith.addf %mul3A_1542, %mul3A_1548 : vector<16xf32>
      %get3A_1550 = arith.constant 0 : i32
      %get3A_1551 = arith.index_cast %add3A_1536 : i32 to index
      %get3A_1552 = arith.index_cast %get3A_1550 : i32 to index
      %get3A_1553 = arith.constant 32 : index
      %get3A_1554 = tpu.vector_load %arg9[%get3A_1551, %get3A_1552, %get3A_1553] {strides = array<i32>} : memref<64x1x128xf32, #tpu.memory_space<vmem>>, vector<16xf32>,
      %mul3A_1555 = arith.mulf %get3A_1554, %get3A_169 : vector<16xf32>
      %add3A_1556 = arith.addf %add3A_1549, %mul3A_1555 : vector<16xf32>
      %get3A_1557 = arith.constant 0 : i32
      %get3A_1558 = arith.index_cast %add3A_1536 : i32 to index
      %get3A_1559 = arith.index_cast %get3A_1557 : i32 to index
      %get3A_1560 = arith.constant 48 : index
      %get3A_1561 = tpu.vector_load %arg9[%get3A_1558, %get3A_1559, %get3A_1560] {strides = array<i32>} : memref<64x1x128xf32, #tpu.memory_space<vmem>>, vector<16xf32>,
      %mul3A_1562 = arith.mulf %get3A_1561, %get3A_171 : vector<16xf32>
      %add3A_1563 = arith.addf %add3A_1556, %mul3A_1562 : vector<16xf32>
      %get3A_1564 = arith.constant 0 : i32
      %get3A_1565 = arith.index_cast %add3A_1536 : i32 to index
      %get3A_1566 = arith.index_cast %get3A_1564 : i32 to index
      %get3A_1567 = arith.constant 64 : index
      %get3A_1568 = tpu.vector_load %arg9[%get3A_1565, %get3A_1566, %get3A_1567] {strides = array<i32>} : memref<64x1x128xf32, #tpu.memory_space<vmem>>, vector<16xf32>,
      %mul3A_1569 = arith.mulf %get3A_1568, %get3A_173 : vector<16xf32>
      %add3A_1570 = arith.addf %add3A_1563, %mul3A_1569 : vector<16xf32>
      %get3A_1571 = arith.constant 0 : i32
      %get3A_1572 = arith.index_cast %add3A_1536 : i32 to index
      %get3A_1573 = arith.index_cast %get3A_1571 : i32 to index
      %get3A_1574 = arith.constant 80 : index
      %get3A_1575 = tpu.vector_load %arg9[%get3A_1572, %get3A_1573, %get3A_1574] {strides = array<i32>} : memref<64x1x128xf32, #tpu.memory_space<vmem>>, vector<16xf32>,
      %mul3A_1576 = arith.mulf %get3A_1575, %get3A_175 : vector<16xf32>
      %add3A_1577 = arith.addf %add3A_1570, %mul3A_1576 : vector<16xf32>
      %get3A_1578 = arith.constant 0 : i32
      %get3A_1579 = arith.index_cast %add3A_1536 : i32 to index
      %get3A_1580 = arith.index_cast %get3A_1578 : i32 to index
      %get3A_1581 = arith.constant 96 : index
      %get3A_1582 = tpu.vector_load %arg9[%get3A_1579, %get3A_1580, %get3A_1581] {strides = array<i32>} : memref<64x1x128xf32, #tpu.memory_space<vmem>>, vector<16xf32>,
      %mul3A_1583 = arith.mulf %get3A_1582, %get3A_177 : vector<16xf32>
      %add3A_1584 = arith.addf %add3A_1577, %mul3A_1583 : vector<16xf32>
      %get3A_1585 = arith.constant 0 : i32
      %get3A_1586 = arith.index_cast %add3A_1536 : i32 to index
      %get3A_1587 = arith.index_cast %get3A_1585 : i32 to index
      %get3A_1588 = arith.constant 112 : index
      %get3A_1589 = tpu.vector_load %arg9[%get3A_1586, %get3A_1587, %get3A_1588] {strides = array<i32>} : memref<64x1x128xf32, #tpu.memory_space<vmem>>, vector<16xf32>,
      %mul3A_1590 = arith.mulf %get3A_1589, %get3A_179 : vector<16xf32>
      %add3A_1591 = arith.addf %add3A_1584, %mul3A_1590 : vector<16xf32>
      %eq3A_1592 = arith.constant 13 : i32
      %eq3A_1593 = vector.broadcast %eq3A_1592 : i32 to vector<16xi32>
      %eq3A_1594 = arith.cmpi eq, %iota3A, %eq3A_1593 : vector<16xi32>
      %xor3A_1595 = arith.constant 1 : i32
      %xor3A_1596 = vector.broadcast %xor3A_1595 : i32 to vector<16xi32>
      %xor3A_1597 = arith.xori %iota3A, %xor3A_1596 : vector<16xi32>
      %broadcast_in_dim3A_1598 = vector.shape_cast %xor3A_1597 : vector<16xi32> to vector<16x1xi32>
      %gather3A_1599 = vector.shape_cast %broadcast_in_dim3A_1598 : vector<16x1xi32> to vector<16xi32>
      %gather3A_1600 = tpu.dynamic_gather %add3A_1591[%gather3A_1599] in [0] : vector<16xf32>, vector<16xi32> -> vector<16xf32>
      %add3A_1601 = arith.addf %add3A_1591, %gather3A_1600 : vector<16xf32>
      %xor3A_1602 = arith.constant 2 : i32
      %xor3A_1603 = vector.broadcast %xor3A_1602 : i32 to vector<16xi32>
      %xor3A_1604 = arith.xori %iota3A, %xor3A_1603 : vector<16xi32>
      %broadcast_in_dim3A_1605 = vector.shape_cast %xor3A_1604 : vector<16xi32> to vector<16x1xi32>
      %gather3A_1606 = vector.shape_cast %broadcast_in_dim3A_1605 : vector<16x1xi32> to vector<16xi32>
      %gather3A_1607 = tpu.dynamic_gather %add3A_1601[%gather3A_1606] in [0] : vector<16xf32>, vector<16xi32> -> vector<16xf32>
      %add3A_1608 = arith.addf %add3A_1601, %gather3A_1607 : vector<16xf32>
      %xor3A_1609 = arith.constant 4 : i32
      %xor3A_1610 = vector.broadcast %xor3A_1609 : i32 to vector<16xi32>
      %xor3A_1611 = arith.xori %iota3A, %xor3A_1610 : vector<16xi32>
      %broadcast_in_dim3A_1612 = vector.shape_cast %xor3A_1611 : vector<16xi32> to vector<16x1xi32>
      %gather3A_1613 = vector.shape_cast %broadcast_in_dim3A_1612 : vector<16x1xi32> to vector<16xi32>
      %gather3A_1614 = tpu.dynamic_gather %add3A_1608[%gather3A_1613] in [0] : vector<16xf32>, vector<16xi32> -> vector<16xf32>
      %add3A_1615 = arith.addf %add3A_1608, %gather3A_1614 : vector<16xf32>
      %xor3A_1616 = arith.constant 8 : i32
      %xor3A_1617 = vector.broadcast %xor3A_1616 : i32 to vector<16xi32>
      %xor3A_1618 = arith.xori %iota3A, %xor3A_1617 : vector<16xi32>
      %broadcast_in_dim3A_1619 = vector.shape_cast %xor3A_1618 : vector<16xi32> to vector<16x1xi32>
      %gather3A_1620 = vector.shape_cast %broadcast_in_dim3A_1619 : vector<16x1xi32> to vector<16xi32>
      %gather3A_1621 = tpu.dynamic_gather %add3A_1615[%gather3A_1620] in [0] : vector<16xf32>, vector<16xi32> -> vector<16xf32>
      %add3A_1622 = arith.addf %add3A_1615, %gather3A_1621 : vector<16xf32>
      %select_n3A_1623 = arith.select %eq3A_1594, %add3A_1622, %select_n3A_1532 : vector<16xi1>, vector<16xf32>
      %mul3A_1624 = arith.constant 16 : i32
      %mul3A_1625 = arith.muli %scan3A_352, %mul3A_1624 : i32
      %add3A_1626 = arith.constant 14 : i32
      %add3A_1627 = arith.addi %mul3A_1625, %add3A_1626 : i32
      %get3A_1628 = arith.constant 0 : i32
      %get3A_1629 = arith.index_cast %add3A_1627 : i32 to index
      %get3A_1630 = arith.index_cast %get3A_1628 : i32 to index
      %get3A_1631 = arith.constant 0 : index
      %get3A_1632 = tpu.vector_load %arg9[%get3A_1629, %get3A_1630, %get3A_1631] {strides = array<i32>} : memref<64x1x128xf32, #tpu.memory_space<vmem>>, vector<16xf32>,
      %mul3A_1633 = arith.mulf %get3A_1632, %get3A_165 : vector<16xf32>
      %get3A_1634 = arith.constant 0 : i32
      %get3A_1635 = arith.index_cast %add3A_1627 : i32 to index
      %get3A_1636 = arith.index_cast %get3A_1634 : i32 to index
      %get3A_1637 = arith.constant 16 : index
      %get3A_1638 = tpu.vector_load %arg9[%get3A_1635, %get3A_1636, %get3A_1637] {strides = array<i32>} : memref<64x1x128xf32, #tpu.memory_space<vmem>>, vector<16xf32>,
      %mul3A_1639 = arith.mulf %get3A_1638, %get3A_167 : vector<16xf32>
      %add3A_1640 = arith.addf %mul3A_1633, %mul3A_1639 : vector<16xf32>
      %get3A_1641 = arith.constant 0 : i32
      %get3A_1642 = arith.index_cast %add3A_1627 : i32 to index
      %get3A_1643 = arith.index_cast %get3A_1641 : i32 to index
      %get3A_1644 = arith.constant 32 : index
      %get3A_1645 = tpu.vector_load %arg9[%get3A_1642, %get3A_1643, %get3A_1644] {strides = array<i32>} : memref<64x1x128xf32, #tpu.memory_space<vmem>>, vector<16xf32>,
      %mul3A_1646 = arith.mulf %get3A_1645, %get3A_169 : vector<16xf32>
      %add3A_1647 = arith.addf %add3A_1640, %mul3A_1646 : vector<16xf32>
      %get3A_1648 = arith.constant 0 : i32
      %get3A_1649 = arith.index_cast %add3A_1627 : i32 to index
      %get3A_1650 = arith.index_cast %get3A_1648 : i32 to index
      %get3A_1651 = arith.constant 48 : index
      %get3A_1652 = tpu.vector_load %arg9[%get3A_1649, %get3A_1650, %get3A_1651] {strides = array<i32>} : memref<64x1x128xf32, #tpu.memory_space<vmem>>, vector<16xf32>,
      %mul3A_1653 = arith.mulf %get3A_1652, %get3A_171 : vector<16xf32>
      %add3A_1654 = arith.addf %add3A_1647, %mul3A_1653 : vector<16xf32>
      %get3A_1655 = arith.constant 0 : i32
      %get3A_1656 = arith.index_cast %add3A_1627 : i32 to index
      %get3A_1657 = arith.index_cast %get3A_1655 : i32 to index
      %get3A_1658 = arith.constant 64 : index
      %get3A_1659 = tpu.vector_load %arg9[%get3A_1656, %get3A_1657, %get3A_1658] {strides = array<i32>} : memref<64x1x128xf32, #tpu.memory_space<vmem>>, vector<16xf32>,
      %mul3A_1660 = arith.mulf %get3A_1659, %get3A_173 : vector<16xf32>
      %add3A_1661 = arith.addf %add3A_1654, %mul3A_1660 : vector<16xf32>
      %get3A_1662 = arith.constant 0 : i32
      %get3A_1663 = arith.index_cast %add3A_1627 : i32 to index
      %get3A_1664 = arith.index_cast %get3A_1662 : i32 to index
      %get3A_1665 = arith.constant 80 : index
      %get3A_1666 = tpu.vector_load %arg9[%get3A_1663, %get3A_1664, %get3A_1665] {strides = array<i32>} : memref<64x1x128xf32, #tpu.memory_space<vmem>>, vector<16xf32>,
      %mul3A_1667 = arith.mulf %get3A_1666, %get3A_175 : vector<16xf32>
      %add3A_1668 = arith.addf %add3A_1661, %mul3A_1667 : vector<16xf32>
      %get3A_1669 = arith.constant 0 : i32
      %get3A_1670 = arith.index_cast %add3A_1627 : i32 to index
      %get3A_1671 = arith.index_cast %get3A_1669 : i32 to index
      %get3A_1672 = arith.constant 96 : index
      %get3A_1673 = tpu.vector_load %arg9[%get3A_1670, %get3A_1671, %get3A_1672] {strides = array<i32>} : memref<64x1x128xf32, #tpu.memory_space<vmem>>, vector<16xf32>,
      %mul3A_1674 = arith.mulf %get3A_1673, %get3A_177 : vector<16xf32>
      %add3A_1675 = arith.addf %add3A_1668, %mul3A_1674 : vector<16xf32>
      %get3A_1676 = arith.constant 0 : i32
      %get3A_1677 = arith.index_cast %add3A_1627 : i32 to index
      %get3A_1678 = arith.index_cast %get3A_1676 : i32 to index
      %get3A_1679 = arith.constant 112 : index
      %get3A_1680 = tpu.vector_load %arg9[%get3A_1677, %get3A_1678, %get3A_1679] {strides = array<i32>} : memref<64x1x128xf32, #tpu.memory_space<vmem>>, vector<16xf32>,
      %mul3A_1681 = arith.mulf %get3A_1680, %get3A_179 : vector<16xf32>
      %add3A_1682 = arith.addf %add3A_1675, %mul3A_1681 : vector<16xf32>
      %eq3A_1683 = arith.constant 14 : i32
      %eq3A_1684 = vector.broadcast %eq3A_1683 : i32 to vector<16xi32>
      %eq3A_1685 = arith.cmpi eq, %iota3A, %eq3A_1684 : vector<16xi32>
      %xor3A_1686 = arith.constant 1 : i32
      %xor3A_1687 = vector.broadcast %xor3A_1686 : i32 to vector<16xi32>
      %xor3A_1688 = arith.xori %iota3A, %xor3A_1687 : vector<16xi32>
      %broadcast_in_dim3A_1689 = vector.shape_cast %xor3A_1688 : vector<16xi32> to vector<16x1xi32>
      %gather3A_1690 = vector.shape_cast %broadcast_in_dim3A_1689 : vector<16x1xi32> to vector<16xi32>
      %gather3A_1691 = tpu.dynamic_gather %add3A_1682[%gather3A_1690] in [0] : vector<16xf32>, vector<16xi32> -> vector<16xf32>
      %add3A_1692 = arith.addf %add3A_1682, %gather3A_1691 : vector<16xf32>
      %xor3A_1693 = arith.constant 2 : i32
      %xor3A_1694 = vector.broadcast %xor3A_1693 : i32 to vector<16xi32>
      %xor3A_1695 = arith.xori %iota3A, %xor3A_1694 : vector<16xi32>
      %broadcast_in_dim3A_1696 = vector.shape_cast %xor3A_1695 : vector<16xi32> to vector<16x1xi32>
      %gather3A_1697 = vector.shape_cast %broadcast_in_dim3A_1696 : vector<16x1xi32> to vector<16xi32>
      %gather3A_1698 = tpu.dynamic_gather %add3A_1692[%gather3A_1697] in [0] : vector<16xf32>, vector<16xi32> -> vector<16xf32>
      %add3A_1699 = arith.addf %add3A_1692, %gather3A_1698 : vector<16xf32>
      %xor3A_1700 = arith.constant 4 : i32
      %xor3A_1701 = vector.broadcast %xor3A_1700 : i32 to vector<16xi32>
      %xor3A_1702 = arith.xori %iota3A, %xor3A_1701 : vector<16xi32>
      %broadcast_in_dim3A_1703 = vector.shape_cast %xor3A_1702 : vector<16xi32> to vector<16x1xi32>
      %gather3A_1704 = vector.shape_cast %broadcast_in_dim3A_1703 : vector<16x1xi32> to vector<16xi32>
      %gather3A_1705 = tpu.dynamic_gather %add3A_1699[%gather3A_1704] in [0] : vector<16xf32>, vector<16xi32> -> vector<16xf32>
      %add3A_1706 = arith.addf %add3A_1699, %gather3A_1705 : vector<16xf32>
      %xor3A_1707 = arith.constant 8 : i32
      %xor3A_1708 = vector.broadcast %xor3A_1707 : i32 to vector<16xi32>
      %xor3A_1709 = arith.xori %iota3A, %xor3A_1708 : vector<16xi32>
      %broadcast_in_dim3A_1710 = vector.shape_cast %xor3A_1709 : vector<16xi32> to vector<16x1xi32>
      %gather3A_1711 = vector.shape_cast %broadcast_in_dim3A_1710 : vector<16x1xi32> to vector<16xi32>
      %gather3A_1712 = tpu.dynamic_gather %add3A_1706[%gather3A_1711] in [0] : vector<16xf32>, vector<16xi32> -> vector<16xf32>
      %add3A_1713 = arith.addf %add3A_1706, %gather3A_1712 : vector<16xf32>
      %select_n3A_1714 = arith.select %eq3A_1685, %add3A_1713, %select_n3A_1623 : vector<16xi1>, vector<16xf32>
      %mul3A_1715 = arith.constant 16 : i32
      %mul3A_1716 = arith.muli %scan3A_352, %mul3A_1715 : i32
      %add3A_1717 = arith.constant 15 : i32
      %add3A_1718 = arith.addi %mul3A_1716, %add3A_1717 : i32
      %get3A_1719 = arith.constant 0 : i32
      %get3A_1720 = arith.index_cast %add3A_1718 : i32 to index
      %get3A_1721 = arith.index_cast %get3A_1719 : i32 to index
      %get3A_1722 = arith.constant 0 : index
      %get3A_1723 = tpu.vector_load %arg9[%get3A_1720, %get3A_1721, %get3A_1722] {strides = array<i32>} : memref<64x1x128xf32, #tpu.memory_space<vmem>>, vector<16xf32>,
      %mul3A_1724 = arith.mulf %get3A_1723, %get3A_165 : vector<16xf32>
      %get3A_1725 = arith.constant 0 : i32
      %get3A_1726 = arith.index_cast %add3A_1718 : i32 to index
      %get3A_1727 = arith.index_cast %get3A_1725 : i32 to index
      %get3A_1728 = arith.constant 16 : index
      %get3A_1729 = tpu.vector_load %arg9[%get3A_1726, %get3A_1727, %get3A_1728] {strides = array<i32>} : memref<64x1x128xf32, #tpu.memory_space<vmem>>, vector<16xf32>,
      %mul3A_1730 = arith.mulf %get3A_1729, %get3A_167 : vector<16xf32>
      %add3A_1731 = arith.addf %mul3A_1724, %mul3A_1730 : vector<16xf32>
      %get3A_1732 = arith.constant 0 : i32
      %get3A_1733 = arith.index_cast %add3A_1718 : i32 to index
      %get3A_1734 = arith.index_cast %get3A_1732 : i32 to index
      %get3A_1735 = arith.constant 32 : index
      %get3A_1736 = tpu.vector_load %arg9[%get3A_1733, %get3A_1734, %get3A_1735] {strides = array<i32>} : memref<64x1x128xf32, #tpu.memory_space<vmem>>, vector<16xf32>,
      %mul3A_1737 = arith.mulf %get3A_1736, %get3A_169 : vector<16xf32>
      %add3A_1738 = arith.addf %add3A_1731, %mul3A_1737 : vector<16xf32>
      %get3A_1739 = arith.constant 0 : i32
      %get3A_1740 = arith.index_cast %add3A_1718 : i32 to index
      %get3A_1741 = arith.index_cast %get3A_1739 : i32 to index
      %get3A_1742 = arith.constant 48 : index
      %get3A_1743 = tpu.vector_load %arg9[%get3A_1740, %get3A_1741, %get3A_1742] {strides = array<i32>} : memref<64x1x128xf32, #tpu.memory_space<vmem>>, vector<16xf32>,
      %mul3A_1744 = arith.mulf %get3A_1743, %get3A_171 : vector<16xf32>
      %add3A_1745 = arith.addf %add3A_1738, %mul3A_1744 : vector<16xf32>
      %get3A_1746 = arith.constant 0 : i32
      %get3A_1747 = arith.index_cast %add3A_1718 : i32 to index
      %get3A_1748 = arith.index_cast %get3A_1746 : i32 to index
      %get3A_1749 = arith.constant 64 : index
      %get3A_1750 = tpu.vector_load %arg9[%get3A_1747, %get3A_1748, %get3A_1749] {strides = array<i32>} : memref<64x1x128xf32, #tpu.memory_space<vmem>>, vector<16xf32>,
      %mul3A_1751 = arith.mulf %get3A_1750, %get3A_173 : vector<16xf32>
      %add3A_1752 = arith.addf %add3A_1745, %mul3A_1751 : vector<16xf32>
      %get3A_1753 = arith.constant 0 : i32
      %get3A_1754 = arith.index_cast %add3A_1718 : i32 to index
      %get3A_1755 = arith.index_cast %get3A_1753 : i32 to index
      %get3A_1756 = arith.constant 80 : index
      %get3A_1757 = tpu.vector_load %arg9[%get3A_1754, %get3A_1755, %get3A_1756] {strides = array<i32>} : memref<64x1x128xf32, #tpu.memory_space<vmem>>, vector<16xf32>,
      %mul3A_1758 = arith.mulf %get3A_1757, %get3A_175 : vector<16xf32>
      %add3A_1759 = arith.addf %add3A_1752, %mul3A_1758 : vector<16xf32>
      %get3A_1760 = arith.constant 0 : i32
      %get3A_1761 = arith.index_cast %add3A_1718 : i32 to index
      %get3A_1762 = arith.index_cast %get3A_1760 : i32 to index
      %get3A_1763 = arith.constant 96 : index
      %get3A_1764 = tpu.vector_load %arg9[%get3A_1761, %get3A_1762, %get3A_1763] {strides = array<i32>} : memref<64x1x128xf32, #tpu.memory_space<vmem>>, vector<16xf32>,
      %mul3A_1765 = arith.mulf %get3A_1764, %get3A_177 : vector<16xf32>
      %add3A_1766 = arith.addf %add3A_1759, %mul3A_1765 : vector<16xf32>
      %get3A_1767 = arith.constant 0 : i32
      %get3A_1768 = arith.index_cast %add3A_1718 : i32 to index
      %get3A_1769 = arith.index_cast %get3A_1767 : i32 to index
      %get3A_1770 = arith.constant 112 : index
      %get3A_1771 = tpu.vector_load %arg9[%get3A_1768, %get3A_1769, %get3A_1770] {strides = array<i32>} : memref<64x1x128xf32, #tpu.memory_space<vmem>>, vector<16xf32>,
      %mul3A_1772 = arith.mulf %get3A_1771, %get3A_179 : vector<16xf32>
      %add3A_1773 = arith.addf %add3A_1766, %mul3A_1772 : vector<16xf32>
      %eq3A_1774 = arith.constant 15 : i32
      %eq3A_1775 = vector.broadcast %eq3A_1774 : i32 to vector<16xi32>
      %eq3A_1776 = arith.cmpi eq, %iota3A, %eq3A_1775 : vector<16xi32>
      %xor3A_1777 = arith.constant 1 : i32
      %xor3A_1778 = vector.broadcast %xor3A_1777 : i32 to vector<16xi32>
      %xor3A_1779 = arith.xori %iota3A, %xor3A_1778 : vector<16xi32>
      %broadcast_in_dim3A_1780 = vector.shape_cast %xor3A_1779 : vector<16xi32> to vector<16x1xi32>
      %gather3A_1781 = vector.shape_cast %broadcast_in_dim3A_1780 : vector<16x1xi32> to vector<16xi32>
      %gather3A_1782 = tpu.dynamic_gather %add3A_1773[%gather3A_1781] in [0] : vector<16xf32>, vector<16xi32> -> vector<16xf32>
      %add3A_1783 = arith.addf %add3A_1773, %gather3A_1782 : vector<16xf32>
      %xor3A_1784 = arith.constant 2 : i32
      %xor3A_1785 = vector.broadcast %xor3A_1784 : i32 to vector<16xi32>
      %xor3A_1786 = arith.xori %iota3A, %xor3A_1785 : vector<16xi32>
      %broadcast_in_dim3A_1787 = vector.shape_cast %xor3A_1786 : vector<16xi32> to vector<16x1xi32>
      %gather3A_1788 = vector.shape_cast %broadcast_in_dim3A_1787 : vector<16x1xi32> to vector<16xi32>
      %gather3A_1789 = tpu.dynamic_gather %add3A_1783[%gather3A_1788] in [0] : vector<16xf32>, vector<16xi32> -> vector<16xf32>
      %add3A_1790 = arith.addf %add3A_1783, %gather3A_1789 : vector<16xf32>
      %xor3A_1791 = arith.constant 4 : i32
      %xor3A_1792 = vector.broadcast %xor3A_1791 : i32 to vector<16xi32>
      %xor3A_1793 = arith.xori %iota3A, %xor3A_1792 : vector<16xi32>
      %broadcast_in_dim3A_1794 = vector.shape_cast %xor3A_1793 : vector<16xi32> to vector<16x1xi32>
      %gather3A_1795 = vector.shape_cast %broadcast_in_dim3A_1794 : vector<16x1xi32> to vector<16xi32>
      %gather3A_1796 = tpu.dynamic_gather %add3A_1790[%gather3A_1795] in [0] : vector<16xf32>, vector<16xi32> -> vector<16xf32>
      %add3A_1797 = arith.addf %add3A_1790, %gather3A_1796 : vector<16xf32>
      %xor3A_1798 = arith.constant 8 : i32
      %xor3A_1799 = vector.broadcast %xor3A_1798 : i32 to vector<16xi32>
      %xor3A_1800 = arith.xori %iota3A, %xor3A_1799 : vector<16xi32>
      %broadcast_in_dim3A_1801 = vector.shape_cast %xor3A_1800 : vector<16xi32> to vector<16x1xi32>
      %gather3A_1802 = vector.shape_cast %broadcast_in_dim3A_1801 : vector<16x1xi32> to vector<16xi32>
      %gather3A_1803 = tpu.dynamic_gather %add3A_1797[%gather3A_1802] in [0] : vector<16xf32>, vector<16xi32> -> vector<16xf32>
      %add3A_1804 = arith.addf %add3A_1797, %gather3A_1803 : vector<16xf32>
      %select_n3A_1805 = arith.select %eq3A_1776, %add3A_1804, %select_n3A_1714 : vector<16xi1>, vector<16xf32>
      %mul3A_1806 = arith.constant 16 : i32
      %mul3A_1807 = arith.muli %scan3A_352, %mul3A_1806 : i32
      %swap3A = arith.index_cast %mul3A_1807 : i32 to index
      %swap3A_1808 = tpu.vector_load %arg16[%swap3A] {strides = array<i32>} : memref<64xf32, #tpu.memory_space<vmem>>, vector<16xf32>,
      tpu.vector_store %arg16[%swap3A], %select_n3A_1805 {strides = array<i32>} : memref<64xf32, #tpu.memory_space<vmem>>, vector<16xf32>,
    }
    %scan3A_184 = arith.constant 4 : i32
    "tpu.region"() ({
      %run_scoped3A = tpu.sem_alloc : memref<!tpu.dma_semaphore, #tpu.memory_space<semaphore_mem>>
      %dma_start3A_352 = tpu.memref_slice %arg17[%min3A_164] : memref<1024xf32, #tpu.memory_space<vmem_shared>> -> memref<64xf32, #tpu.memory_space<vmem_shared>>
      %dma_start3A_353 = tpu.memref_slice %arg17[%min3A_164] : memref<1024xf32, #tpu.memory_space<vmem_shared>> -> memref<64xf32, #tpu.memory_space<vmem_shared>>
      tpu.enqueue_dma source(%arg16 : memref<64xf32, #tpu.memory_space<vmem>>) target(%dma_start3A_353 : memref<64xf32, #tpu.memory_space<vmem_shared>>) target_semaphore(%run_scoped3A : memref<!tpu.dma_semaphore, #tpu.memory_space<semaphore_mem>>)
      %dma_wait3A_354 = tpu.memref_slice %arg17[%min3A_164] : memref<1024xf32, #tpu.memory_space<vmem_shared>> -> memref<64xf32, #tpu.memory_space<vmem_shared>>
      %dma_wait3A_355 = tpu.memref_slice %arg17[%min3A_164] : memref<1024xf32, #tpu.memory_space<vmem_shared>> -> memref<64xf32, #tpu.memory_space<vmem_shared>>
      tpu.wait_dma2 semaphore(%run_scoped3A : memref<!tpu.dma_semaphore, #tpu.memory_space<semaphore_mem>>) src(%arg16 : memref<64xf32, #tpu.memory_space<vmem>>) dst(%dma_wait3A_355 : memref<64xf32, #tpu.memory_space<vmem_shared>>)
      tpu.yield
    }) : () -> ()
    %barrier3A = arith.constant 0 : index
    tpu.barrier barrier_id(%barrier3A)
    "tpu.region"() ({
      %run_scoped3A = tpu.sem_alloc : memref<!tpu.dma_semaphore, #tpu.memory_space<semaphore_mem>>
      tpu.enqueue_dma source(%arg17 : memref<1024xf32, #tpu.memory_space<vmem_shared>>) target(%arg15 : memref<1024xf32, #tpu.memory_space<vmem>>) target_semaphore(%run_scoped3A : memref<!tpu.dma_semaphore, #tpu.memory_space<semaphore_mem>>)
      tpu.wait_dma2 semaphore(%run_scoped3A : memref<!tpu.dma_semaphore, #tpu.memory_space<semaphore_mem>>) src(%arg17 : memref<1024xf32, #tpu.memory_space<vmem_shared>>) dst(%arg15 : memref<1024xf32, #tpu.memory_space<vmem>>)
      tpu.yield
    }) : () -> ()
    %get3A_185 = arith.constant 0 : index
    %get3A_186 = tpu.vector_load %arg11[%get3A_185] {strides = array<i32>} : memref<16xf32, #tpu.memory_space<vmem>>, vector<16xf32>,
    %dma_wait3A = arith.constant 0 : i32
    %dma_wait3A_187 = arith.constant 0 : i32
    %dma_wait3A_188 = tpu.memref_slice %arg14[%dma_wait3A, %dma_wait3A_187] : memref<16x512xf32, #tpu.memory_space<vmem>> -> memref<1x512xf32, #tpu.memory_space<vmem>>
    %dma_wait3A_189 = tpu.memref_squeeze %dma_wait3A_188 : memref<1x512xf32, #tpu.memory_space<vmem>> -> memref<512xf32, #tpu.memory_space<vmem>>
    %dma_wait3A_190 = arith.constant 0 : i32
    %dma_wait3A_191 = tpu.memref_slice %arg13[%dma_wait3A_190] : memref<512xi32, #tpu.memory_space<vmem>> -> memref<512xi32, #tpu.memory_space<vmem>>
    %dma_wait3A_192 = arith.constant 0 : i32
    %dma_wait3A_193 = tpu.memref_slice %arg3[%dma_wait3A_192] : memref<1600000xf32, #tpu.memory_space<hbm>> -> memref<100000xf32, #tpu.memory_space<hbm>>
    %dma_wait3A_194 = arith.constant 0 : i32
    %dma_wait3A_195 = tpu.memref_slice %dma_wait3A_193[%dma_wait3A_194] : memref<100000xf32, #tpu.memory_space<hbm>> -> memref<100000xf32, #tpu.memory_space<hbm>>
    tpu.wait_indirect_dma semaphore(%arg18 : memref<!tpu.dma_semaphore, #tpu.memory_space<semaphore_mem>>) src(%dma_wait3A_195 : memref<100000xf32, #tpu.memory_space<hbm>>) dst(%dma_wait3A_189 : memref<512xf32, #tpu.memory_space<vmem>>)
    %dma_wait3A_196 = arith.constant 1 : i32
    %dma_wait3A_197 = arith.constant 0 : i32
    %dma_wait3A_198 = tpu.memref_slice %arg14[%dma_wait3A_196, %dma_wait3A_197] : memref<16x512xf32, #tpu.memory_space<vmem>> -> memref<1x512xf32, #tpu.memory_space<vmem>>
    %dma_wait3A_199 = tpu.memref_squeeze %dma_wait3A_198 : memref<1x512xf32, #tpu.memory_space<vmem>> -> memref<512xf32, #tpu.memory_space<vmem>>
    %dma_wait3A_200 = arith.constant 0 : i32
    %dma_wait3A_201 = tpu.memref_slice %arg13[%dma_wait3A_200] : memref<512xi32, #tpu.memory_space<vmem>> -> memref<512xi32, #tpu.memory_space<vmem>>
    %dma_wait3A_202 = arith.constant 100000 : i32
    %dma_wait3A_203 = tpu.memref_slice %arg3[%dma_wait3A_202] : memref<1600000xf32, #tpu.memory_space<hbm>> -> memref<100000xf32, #tpu.memory_space<hbm>>
    %dma_wait3A_204 = arith.constant 0 : i32
    %dma_wait3A_205 = tpu.memref_slice %dma_wait3A_203[%dma_wait3A_204] : memref<100000xf32, #tpu.memory_space<hbm>> -> memref<100000xf32, #tpu.memory_space<hbm>>
    tpu.wait_indirect_dma semaphore(%arg18 : memref<!tpu.dma_semaphore, #tpu.memory_space<semaphore_mem>>) src(%dma_wait3A_205 : memref<100000xf32, #tpu.memory_space<hbm>>) dst(%dma_wait3A_199 : memref<512xf32, #tpu.memory_space<vmem>>)
    %dma_wait3A_206 = arith.constant 2 : i32
    %dma_wait3A_207 = arith.constant 0 : i32
    %dma_wait3A_208 = tpu.memref_slice %arg14[%dma_wait3A_206, %dma_wait3A_207] : memref<16x512xf32, #tpu.memory_space<vmem>> -> memref<1x512xf32, #tpu.memory_space<vmem>>
    %dma_wait3A_209 = tpu.memref_squeeze %dma_wait3A_208 : memref<1x512xf32, #tpu.memory_space<vmem>> -> memref<512xf32, #tpu.memory_space<vmem>>
    %dma_wait3A_210 = arith.constant 0 : i32
    %dma_wait3A_211 = tpu.memref_slice %arg13[%dma_wait3A_210] : memref<512xi32, #tpu.memory_space<vmem>> -> memref<512xi32, #tpu.memory_space<vmem>>
    %dma_wait3A_212 = arith.constant 200000 : i32
    %dma_wait3A_213 = tpu.memref_slice %arg3[%dma_wait3A_212] : memref<1600000xf32, #tpu.memory_space<hbm>> -> memref<100000xf32, #tpu.memory_space<hbm>>
    %dma_wait3A_214 = arith.constant 0 : i32
    %dma_wait3A_215 = tpu.memref_slice %dma_wait3A_213[%dma_wait3A_214] : memref<100000xf32, #tpu.memory_space<hbm>> -> memref<100000xf32, #tpu.memory_space<hbm>>
    tpu.wait_indirect_dma semaphore(%arg18 : memref<!tpu.dma_semaphore, #tpu.memory_space<semaphore_mem>>) src(%dma_wait3A_215 : memref<100000xf32, #tpu.memory_space<hbm>>) dst(%dma_wait3A_209 : memref<512xf32, #tpu.memory_space<vmem>>)
    %dma_wait3A_216 = arith.constant 3 : i32
    %dma_wait3A_217 = arith.constant 0 : i32
    %dma_wait3A_218 = tpu.memref_slice %arg14[%dma_wait3A_216, %dma_wait3A_217] : memref<16x512xf32, #tpu.memory_space<vmem>> -> memref<1x512xf32, #tpu.memory_space<vmem>>
    %dma_wait3A_219 = tpu.memref_squeeze %dma_wait3A_218 : memref<1x512xf32, #tpu.memory_space<vmem>> -> memref<512xf32, #tpu.memory_space<vmem>>
    %dma_wait3A_220 = arith.constant 0 : i32
    %dma_wait3A_221 = tpu.memref_slice %arg13[%dma_wait3A_220] : memref<512xi32, #tpu.memory_space<vmem>> -> memref<512xi32, #tpu.memory_space<vmem>>
    %dma_wait3A_222 = arith.constant 300000 : i32
    %dma_wait3A_223 = tpu.memref_slice %arg3[%dma_wait3A_222] : memref<1600000xf32, #tpu.memory_space<hbm>> -> memref<100000xf32, #tpu.memory_space<hbm>>
    %dma_wait3A_224 = arith.constant 0 : i32
    %dma_wait3A_225 = tpu.memref_slice %dma_wait3A_223[%dma_wait3A_224] : memref<100000xf32, #tpu.memory_space<hbm>> -> memref<100000xf32, #tpu.memory_space<hbm>>
    tpu.wait_indirect_dma semaphore(%arg18 : memref<!tpu.dma_semaphore, #tpu.memory_space<semaphore_mem>>) src(%dma_wait3A_225 : memref<100000xf32, #tpu.memory_space<hbm>>) dst(%dma_wait3A_219 : memref<512xf32, #tpu.memory_space<vmem>>)
    %dma_wait3A_226 = arith.constant 4 : i32
    %dma_wait3A_227 = arith.constant 0 : i32
    %dma_wait3A_228 = tpu.memref_slice %arg14[%dma_wait3A_226, %dma_wait3A_227] : memref<16x512xf32, #tpu.memory_space<vmem>> -> memref<1x512xf32, #tpu.memory_space<vmem>>
    %dma_wait3A_229 = tpu.memref_squeeze %dma_wait3A_228 : memref<1x512xf32, #tpu.memory_space<vmem>> -> memref<512xf32, #tpu.memory_space<vmem>>
    %dma_wait3A_230 = arith.constant 0 : i32
    %dma_wait3A_231 = tpu.memref_slice %arg13[%dma_wait3A_230] : memref<512xi32, #tpu.memory_space<vmem>> -> memref<512xi32, #tpu.memory_space<vmem>>
    %dma_wait3A_232 = arith.constant 400000 : i32
    %dma_wait3A_233 = tpu.memref_slice %arg3[%dma_wait3A_232] : memref<1600000xf32, #tpu.memory_space<hbm>> -> memref<100000xf32, #tpu.memory_space<hbm>>
    %dma_wait3A_234 = arith.constant 0 : i32
    %dma_wait3A_235 = tpu.memref_slice %dma_wait3A_233[%dma_wait3A_234] : memref<100000xf32, #tpu.memory_space<hbm>> -> memref<100000xf32, #tpu.memory_space<hbm>>
    tpu.wait_indirect_dma semaphore(%arg18 : memref<!tpu.dma_semaphore, #tpu.memory_space<semaphore_mem>>) src(%dma_wait3A_235 : memref<100000xf32, #tpu.memory_space<hbm>>) dst(%dma_wait3A_229 : memref<512xf32, #tpu.memory_space<vmem>>)
    %dma_wait3A_236 = arith.constant 5 : i32
    %dma_wait3A_237 = arith.constant 0 : i32
    %dma_wait3A_238 = tpu.memref_slice %arg14[%dma_wait3A_236, %dma_wait3A_237] : memref<16x512xf32, #tpu.memory_space<vmem>> -> memref<1x512xf32, #tpu.memory_space<vmem>>
    %dma_wait3A_239 = tpu.memref_squeeze %dma_wait3A_238 : memref<1x512xf32, #tpu.memory_space<vmem>> -> memref<512xf32, #tpu.memory_space<vmem>>
    %dma_wait3A_240 = arith.constant 0 : i32
    %dma_wait3A_241 = tpu.memref_slice %arg13[%dma_wait3A_240] : memref<512xi32, #tpu.memory_space<vmem>> -> memref<512xi32, #tpu.memory_space<vmem>>
    %dma_wait3A_242 = arith.constant 500000 : i32
    %dma_wait3A_243 = tpu.memref_slice %arg3[%dma_wait3A_242] : memref<1600000xf32, #tpu.memory_space<hbm>> -> memref<100000xf32, #tpu.memory_space<hbm>>
    %dma_wait3A_244 = arith.constant 0 : i32
    %dma_wait3A_245 = tpu.memref_slice %dma_wait3A_243[%dma_wait3A_244] : memref<100000xf32, #tpu.memory_space<hbm>> -> memref<100000xf32, #tpu.memory_space<hbm>>
    tpu.wait_indirect_dma semaphore(%arg18 : memref<!tpu.dma_semaphore, #tpu.memory_space<semaphore_mem>>) src(%dma_wait3A_245 : memref<100000xf32, #tpu.memory_space<hbm>>) dst(%dma_wait3A_239 : memref<512xf32, #tpu.memory_space<vmem>>)
    %dma_wait3A_246 = arith.constant 6 : i32
    %dma_wait3A_247 = arith.constant 0 : i32
    %dma_wait3A_248 = tpu.memref_slice %arg14[%dma_wait3A_246, %dma_wait3A_247] : memref<16x512xf32, #tpu.memory_space<vmem>> -> memref<1x512xf32, #tpu.memory_space<vmem>>
    %dma_wait3A_249 = tpu.memref_squeeze %dma_wait3A_248 : memref<1x512xf32, #tpu.memory_space<vmem>> -> memref<512xf32, #tpu.memory_space<vmem>>
    %dma_wait3A_250 = arith.constant 0 : i32
    %dma_wait3A_251 = tpu.memref_slice %arg13[%dma_wait3A_250] : memref<512xi32, #tpu.memory_space<vmem>> -> memref<512xi32, #tpu.memory_space<vmem>>
    %dma_wait3A_252 = arith.constant 600000 : i32
    %dma_wait3A_253 = tpu.memref_slice %arg3[%dma_wait3A_252] : memref<1600000xf32, #tpu.memory_space<hbm>> -> memref<100000xf32, #tpu.memory_space<hbm>>
    %dma_wait3A_254 = arith.constant 0 : i32
    %dma_wait3A_255 = tpu.memref_slice %dma_wait3A_253[%dma_wait3A_254] : memref<100000xf32, #tpu.memory_space<hbm>> -> memref<100000xf32, #tpu.memory_space<hbm>>
    tpu.wait_indirect_dma semaphore(%arg18 : memref<!tpu.dma_semaphore, #tpu.memory_space<semaphore_mem>>) src(%dma_wait3A_255 : memref<100000xf32, #tpu.memory_space<hbm>>) dst(%dma_wait3A_249 : memref<512xf32, #tpu.memory_space<vmem>>)
    %dma_wait3A_256 = arith.constant 7 : i32
    %dma_wait3A_257 = arith.constant 0 : i32
    %dma_wait3A_258 = tpu.memref_slice %arg14[%dma_wait3A_256, %dma_wait3A_257] : memref<16x512xf32, #tpu.memory_space<vmem>> -> memref<1x512xf32, #tpu.memory_space<vmem>>
    %dma_wait3A_259 = tpu.memref_squeeze %dma_wait3A_258 : memref<1x512xf32, #tpu.memory_space<vmem>> -> memref<512xf32, #tpu.memory_space<vmem>>
    %dma_wait3A_260 = arith.constant 0 : i32
    %dma_wait3A_261 = tpu.memref_slice %arg13[%dma_wait3A_260] : memref<512xi32, #tpu.memory_space<vmem>> -> memref<512xi32, #tpu.memory_space<vmem>>
    %dma_wait3A_262 = arith.constant 700000 : i32
    %dma_wait3A_263 = tpu.memref_slice %arg3[%dma_wait3A_262] : memref<1600000xf32, #tpu.memory_space<hbm>> -> memref<100000xf32, #tpu.memory_space<hbm>>
    %dma_wait3A_264 = arith.constant 0 : i32
    %dma_wait3A_265 = tpu.memref_slice %dma_wait3A_263[%dma_wait3A_264] : memref<100000xf32, #tpu.memory_space<hbm>> -> memref<100000xf32, #tpu.memory_space<hbm>>
    tpu.wait_indirect_dma semaphore(%arg18 : memref<!tpu.dma_semaphore, #tpu.memory_space<semaphore_mem>>) src(%dma_wait3A_265 : memref<100000xf32, #tpu.memory_space<hbm>>) dst(%dma_wait3A_259 : memref<512xf32, #tpu.memory_space<vmem>>)
    %dma_wait3A_266 = arith.constant 8 : i32
    %dma_wait3A_267 = arith.constant 0 : i32
    %dma_wait3A_268 = tpu.memref_slice %arg14[%dma_wait3A_266, %dma_wait3A_267] : memref<16x512xf32, #tpu.memory_space<vmem>> -> memref<1x512xf32, #tpu.memory_space<vmem>>
    %dma_wait3A_269 = tpu.memref_squeeze %dma_wait3A_268 : memref<1x512xf32, #tpu.memory_space<vmem>> -> memref<512xf32, #tpu.memory_space<vmem>>
    %dma_wait3A_270 = arith.constant 0 : i32
    %dma_wait3A_271 = tpu.memref_slice %arg13[%dma_wait3A_270] : memref<512xi32, #tpu.memory_space<vmem>> -> memref<512xi32, #tpu.memory_space<vmem>>
    %dma_wait3A_272 = arith.constant 800000 : i32
    %dma_wait3A_273 = tpu.memref_slice %arg3[%dma_wait3A_272] : memref<1600000xf32, #tpu.memory_space<hbm>> -> memref<100000xf32, #tpu.memory_space<hbm>>
    %dma_wait3A_274 = arith.constant 0 : i32
    %dma_wait3A_275 = tpu.memref_slice %dma_wait3A_273[%dma_wait3A_274] : memref<100000xf32, #tpu.memory_space<hbm>> -> memref<100000xf32, #tpu.memory_space<hbm>>
    tpu.wait_indirect_dma semaphore(%arg18 : memref<!tpu.dma_semaphore, #tpu.memory_space<semaphore_mem>>) src(%dma_wait3A_275 : memref<100000xf32, #tpu.memory_space<hbm>>) dst(%dma_wait3A_269 : memref<512xf32, #tpu.memory_space<vmem>>)
    %dma_wait3A_276 = arith.constant 9 : i32
    %dma_wait3A_277 = arith.constant 0 : i32
    %dma_wait3A_278 = tpu.memref_slice %arg14[%dma_wait3A_276, %dma_wait3A_277] : memref<16x512xf32, #tpu.memory_space<vmem>> -> memref<1x512xf32, #tpu.memory_space<vmem>>
    %dma_wait3A_279 = tpu.memref_squeeze %dma_wait3A_278 : memref<1x512xf32, #tpu.memory_space<vmem>> -> memref<512xf32, #tpu.memory_space<vmem>>
    %dma_wait3A_280 = arith.constant 0 : i32
    %dma_wait3A_281 = tpu.memref_slice %arg13[%dma_wait3A_280] : memref<512xi32, #tpu.memory_space<vmem>> -> memref<512xi32, #tpu.memory_space<vmem>>
    %dma_wait3A_282 = arith.constant 900000 : i32
    %dma_wait3A_283 = tpu.memref_slice %arg3[%dma_wait3A_282] : memref<1600000xf32, #tpu.memory_space<hbm>> -> memref<100000xf32, #tpu.memory_space<hbm>>
    %dma_wait3A_284 = arith.constant 0 : i32
    %dma_wait3A_285 = tpu.memref_slice %dma_wait3A_283[%dma_wait3A_284] : memref<100000xf32, #tpu.memory_space<hbm>> -> memref<100000xf32, #tpu.memory_space<hbm>>
    tpu.wait_indirect_dma semaphore(%arg18 : memref<!tpu.dma_semaphore, #tpu.memory_space<semaphore_mem>>) src(%dma_wait3A_285 : memref<100000xf32, #tpu.memory_space<hbm>>) dst(%dma_wait3A_279 : memref<512xf32, #tpu.memory_space<vmem>>)
    %dma_wait3A_286 = arith.constant 10 : i32
    %dma_wait3A_287 = arith.constant 0 : i32
    %dma_wait3A_288 = tpu.memref_slice %arg14[%dma_wait3A_286, %dma_wait3A_287] : memref<16x512xf32, #tpu.memory_space<vmem>> -> memref<1x512xf32, #tpu.memory_space<vmem>>
    %dma_wait3A_289 = tpu.memref_squeeze %dma_wait3A_288 : memref<1x512xf32, #tpu.memory_space<vmem>> -> memref<512xf32, #tpu.memory_space<vmem>>
    %dma_wait3A_290 = arith.constant 0 : i32
    %dma_wait3A_291 = tpu.memref_slice %arg13[%dma_wait3A_290] : memref<512xi32, #tpu.memory_space<vmem>> -> memref<512xi32, #tpu.memory_space<vmem>>
    %dma_wait3A_292 = arith.constant 1000000 : i32
    %dma_wait3A_293 = tpu.memref_slice %arg3[%dma_wait3A_292] : memref<1600000xf32, #tpu.memory_space<hbm>> -> memref<100000xf32, #tpu.memory_space<hbm>>
    %dma_wait3A_294 = arith.constant 0 : i32
    %dma_wait3A_295 = tpu.memref_slice %dma_wait3A_293[%dma_wait3A_294] : memref<100000xf32, #tpu.memory_space<hbm>> -> memref<100000xf32, #tpu.memory_space<hbm>>
    tpu.wait_indirect_dma semaphore(%arg18 : memref<!tpu.dma_semaphore, #tpu.memory_space<semaphore_mem>>) src(%dma_wait3A_295 : memref<100000xf32, #tpu.memory_space<hbm>>) dst(%dma_wait3A_289 : memref<512xf32, #tpu.memory_space<vmem>>)
    %dma_wait3A_296 = arith.constant 11 : i32
    %dma_wait3A_297 = arith.constant 0 : i32
    %dma_wait3A_298 = tpu.memref_slice %arg14[%dma_wait3A_296, %dma_wait3A_297] : memref<16x512xf32, #tpu.memory_space<vmem>> -> memref<1x512xf32, #tpu.memory_space<vmem>>
    %dma_wait3A_299 = tpu.memref_squeeze %dma_wait3A_298 : memref<1x512xf32, #tpu.memory_space<vmem>> -> memref<512xf32, #tpu.memory_space<vmem>>
    %dma_wait3A_300 = arith.constant 0 : i32
    %dma_wait3A_301 = tpu.memref_slice %arg13[%dma_wait3A_300] : memref<512xi32, #tpu.memory_space<vmem>> -> memref<512xi32, #tpu.memory_space<vmem>>
    %dma_wait3A_302 = arith.constant 1100000 : i32
    %dma_wait3A_303 = tpu.memref_slice %arg3[%dma_wait3A_302] : memref<1600000xf32, #tpu.memory_space<hbm>> -> memref<100000xf32, #tpu.memory_space<hbm>>
    %dma_wait3A_304 = arith.constant 0 : i32
    %dma_wait3A_305 = tpu.memref_slice %dma_wait3A_303[%dma_wait3A_304] : memref<100000xf32, #tpu.memory_space<hbm>> -> memref<100000xf32, #tpu.memory_space<hbm>>
    tpu.wait_indirect_dma semaphore(%arg18 : memref<!tpu.dma_semaphore, #tpu.memory_space<semaphore_mem>>) src(%dma_wait3A_305 : memref<100000xf32, #tpu.memory_space<hbm>>) dst(%dma_wait3A_299 : memref<512xf32, #tpu.memory_space<vmem>>)
    %dma_wait3A_306 = arith.constant 12 : i32
    %dma_wait3A_307 = arith.constant 0 : i32
    %dma_wait3A_308 = tpu.memref_slice %arg14[%dma_wait3A_306, %dma_wait3A_307] : memref<16x512xf32, #tpu.memory_space<vmem>> -> memref<1x512xf32, #tpu.memory_space<vmem>>
    %dma_wait3A_309 = tpu.memref_squeeze %dma_wait3A_308 : memref<1x512xf32, #tpu.memory_space<vmem>> -> memref<512xf32, #tpu.memory_space<vmem>>
    %dma_wait3A_310 = arith.constant 0 : i32
    %dma_wait3A_311 = tpu.memref_slice %arg13[%dma_wait3A_310] : memref<512xi32, #tpu.memory_space<vmem>> -> memref<512xi32, #tpu.memory_space<vmem>>
    %dma_wait3A_312 = arith.constant 1200000 : i32
    %dma_wait3A_313 = tpu.memref_slice %arg3[%dma_wait3A_312] : memref<1600000xf32, #tpu.memory_space<hbm>> -> memref<100000xf32, #tpu.memory_space<hbm>>
    %dma_wait3A_314 = arith.constant 0 : i32
    %dma_wait3A_315 = tpu.memref_slice %dma_wait3A_313[%dma_wait3A_314] : memref<100000xf32, #tpu.memory_space<hbm>> -> memref<100000xf32, #tpu.memory_space<hbm>>
    tpu.wait_indirect_dma semaphore(%arg18 : memref<!tpu.dma_semaphore, #tpu.memory_space<semaphore_mem>>) src(%dma_wait3A_315 : memref<100000xf32, #tpu.memory_space<hbm>>) dst(%dma_wait3A_309 : memref<512xf32, #tpu.memory_space<vmem>>)
    %dma_wait3A_316 = arith.constant 13 : i32
    %dma_wait3A_317 = arith.constant 0 : i32
    %dma_wait3A_318 = tpu.memref_slice %arg14[%dma_wait3A_316, %dma_wait3A_317] : memref<16x512xf32, #tpu.memory_space<vmem>> -> memref<1x512xf32, #tpu.memory_space<vmem>>
    %dma_wait3A_319 = tpu.memref_squeeze %dma_wait3A_318 : memref<1x512xf32, #tpu.memory_space<vmem>> -> memref<512xf32, #tpu.memory_space<vmem>>
    %dma_wait3A_320 = arith.constant 0 : i32
    %dma_wait3A_321 = tpu.memref_slice %arg13[%dma_wait3A_320] : memref<512xi32, #tpu.memory_space<vmem>> -> memref<512xi32, #tpu.memory_space<vmem>>
    %dma_wait3A_322 = arith.constant 1300000 : i32
    %dma_wait3A_323 = tpu.memref_slice %arg3[%dma_wait3A_322] : memref<1600000xf32, #tpu.memory_space<hbm>> -> memref<100000xf32, #tpu.memory_space<hbm>>
    %dma_wait3A_324 = arith.constant 0 : i32
    %dma_wait3A_325 = tpu.memref_slice %dma_wait3A_323[%dma_wait3A_324] : memref<100000xf32, #tpu.memory_space<hbm>> -> memref<100000xf32, #tpu.memory_space<hbm>>
    tpu.wait_indirect_dma semaphore(%arg18 : memref<!tpu.dma_semaphore, #tpu.memory_space<semaphore_mem>>) src(%dma_wait3A_325 : memref<100000xf32, #tpu.memory_space<hbm>>) dst(%dma_wait3A_319 : memref<512xf32, #tpu.memory_space<vmem>>)
    %dma_wait3A_326 = arith.constant 14 : i32
    %dma_wait3A_327 = arith.constant 0 : i32
    %dma_wait3A_328 = tpu.memref_slice %arg14[%dma_wait3A_326, %dma_wait3A_327] : memref<16x512xf32, #tpu.memory_space<vmem>> -> memref<1x512xf32, #tpu.memory_space<vmem>>
    %dma_wait3A_329 = tpu.memref_squeeze %dma_wait3A_328 : memref<1x512xf32, #tpu.memory_space<vmem>> -> memref<512xf32, #tpu.memory_space<vmem>>
    %dma_wait3A_330 = arith.constant 0 : i32
    %dma_wait3A_331 = tpu.memref_slice %arg13[%dma_wait3A_330] : memref<512xi32, #tpu.memory_space<vmem>> -> memref<512xi32, #tpu.memory_space<vmem>>
    %dma_wait3A_332 = arith.constant 1400000 : i32
    %dma_wait3A_333 = tpu.memref_slice %arg3[%dma_wait3A_332] : memref<1600000xf32, #tpu.memory_space<hbm>> -> memref<100000xf32, #tpu.memory_space<hbm>>
    %dma_wait3A_334 = arith.constant 0 : i32
    %dma_wait3A_335 = tpu.memref_slice %dma_wait3A_333[%dma_wait3A_334] : memref<100000xf32, #tpu.memory_space<hbm>> -> memref<100000xf32, #tpu.memory_space<hbm>>
    tpu.wait_indirect_dma semaphore(%arg18 : memref<!tpu.dma_semaphore, #tpu.memory_space<semaphore_mem>>) src(%dma_wait3A_335 : memref<100000xf32, #tpu.memory_space<hbm>>) dst(%dma_wait3A_329 : memref<512xf32, #tpu.memory_space<vmem>>)
    %dma_wait3A_336 = arith.constant 15 : i32
    %dma_wait3A_337 = arith.constant 0 : i32
    %dma_wait3A_338 = tpu.memref_slice %arg14[%dma_wait3A_336, %dma_wait3A_337] : memref<16x512xf32, #tpu.memory_space<vmem>> -> memref<1x512xf32, #tpu.memory_space<vmem>>
    %dma_wait3A_339 = tpu.memref_squeeze %dma_wait3A_338 : memref<1x512xf32, #tpu.memory_space<vmem>> -> memref<512xf32, #tpu.memory_space<vmem>>
    %dma_wait3A_340 = arith.constant 0 : i32
    %dma_wait3A_341 = tpu.memref_slice %arg13[%dma_wait3A_340] : memref<512xi32, #tpu.memory_space<vmem>> -> memref<512xi32, #tpu.memory_space<vmem>>
    %dma_wait3A_342 = arith.constant 1500000 : i32
    %dma_wait3A_343 = tpu.memref_slice %arg3[%dma_wait3A_342] : memref<1600000xf32, #tpu.memory_space<hbm>> -> memref<100000xf32, #tpu.memory_space<hbm>>
    %dma_wait3A_344 = arith.constant 0 : i32
    %dma_wait3A_345 = tpu.memref_slice %dma_wait3A_343[%dma_wait3A_344] : memref<100000xf32, #tpu.memory_space<hbm>> -> memref<100000xf32, #tpu.memory_space<hbm>>
    tpu.wait_indirect_dma semaphore(%arg18 : memref<!tpu.dma_semaphore, #tpu.memory_space<semaphore_mem>>) src(%dma_wait3A_345 : memref<100000xf32, #tpu.memory_space<hbm>>) dst(%dma_wait3A_339 : memref<512xf32, #tpu.memory_space<vmem>>)
    %scan3A_346 = arith.constant 0 : i32
    %scan3A_347 = arith.constant 0 : i32
    %scan3A_348 = arith.constant 32 : i32
    %scan3A_349 = arith.addi %scan3A_347, %scan3A_348 : i32
    %scan3A_350 = arith.constant 1 : i32
    scf.for %scan3A_352 = %scan3A_347 to %scan3A_349 step %scan3A_350  : i32 {
      %mul3A_353 = arith.constant 16 : i32
      %mul3A_354 = arith.muli %scan3A_352, %mul3A_353 : i32
      %get3A_355 = arith.index_cast %mul3A_354 : i32 to index
      %get3A_356 = tpu.vector_load %arg12[%get3A_355] {strides = array<i32>} : memref<512xi32, #tpu.memory_space<vmem>>, vector<16xi32>,
      %gather3A = tpu.vector_load_idx %arg15[%get3A_356] : memref<1024xf32, #tpu.memory_space<vmem>>[vector<16xi32>], vector<16xf32>,
      %add3A_357 = arith.addf %gather3A, %get3A_186 : vector<16xf32>
      %neg3A = arith.constant 0.000000e+00 : f32
      %neg3A_358 = vector.broadcast %neg3A : f32 to vector<16xf32>
      %neg3A_359 = arith.subf %neg3A_358, %add3A_357 : vector<16xf32>
      %exp3A = math.exp %neg3A_359 : vector<16xf32>
      %add3A_360 = arith.constant 1.000000e+00 : f32
      %add3A_361 = vector.broadcast %add3A_360 : f32 to vector<16xf32>
      %add3A_362 = arith.addf %add3A_361, %exp3A : vector<16xf32>
      %div3A = arith.constant 1.000000e+00 : f32
      %div3A_363 = vector.broadcast %div3A : f32 to vector<16xf32>
      %div3A_364 = arith.divf %div3A_363, %add3A_362 : vector<16xf32>
      %sub3A = arith.constant 1.000000e+00 : f32
      %sub3A_365 = vector.broadcast %sub3A : f32 to vector<16xf32>
      %sub3A_366 = arith.subf %sub3A_365, %div3A_364 : vector<16xf32>
      %mul3A_367 = arith.constant 0.0666666701 : f32
      %mul3A_368 = vector.broadcast %mul3A_367 : f32 to vector<16xf32>
      %mul3A_369 = arith.mulf %sub3A_366, %mul3A_368 : vector<16xf32>
      %sub3A_370 = arith.subf %div3A_364, %mul3A_369 : vector<16xf32>
      %mul3A_371 = arith.constant 16 : i32
      %mul3A_372 = arith.muli %scan3A_352, %mul3A_371 : i32
      %get3A_373 = arith.constant 0 : i32
      %get3A_374 = arith.index_cast %get3A_373 : i32 to index
      %get3A_375 = arith.index_cast %mul3A_372 : i32 to index
      %get3A_376 = tpu.vector_load %arg14[%get3A_374, %get3A_375] {strides = array<i32>} : memref<16x512xf32, #tpu.memory_space<vmem>>, vector<16xf32>,
      %exp3A_377 = math.exp %get3A_376 : vector<16xf32>
      %mul3A_378 = arith.constant 16 : i32
      %mul3A_379 = arith.muli %scan3A_352, %mul3A_378 : i32
      %get3A_380 = arith.constant 1 : i32
      %get3A_381 = arith.index_cast %get3A_380 : i32 to index
      %get3A_382 = arith.index_cast %mul3A_379 : i32 to index
      %get3A_383 = tpu.vector_load %arg14[%get3A_381, %get3A_382] {strides = array<i32>} : memref<16x512xf32, #tpu.memory_space<vmem>>, vector<16xf32>,
      %exp3A_384 = math.exp %get3A_383 : vector<16xf32>
      %mul3A_385 = arith.constant 16 : i32
      %mul3A_386 = arith.muli %scan3A_352, %mul3A_385 : i32
      %get3A_387 = arith.constant 2 : i32
      %get3A_388 = arith.index_cast %get3A_387 : i32 to index
      %get3A_389 = arith.index_cast %mul3A_386 : i32 to index
      %get3A_390 = tpu.vector_load %arg14[%get3A_388, %get3A_389] {strides = array<i32>} : memref<16x512xf32, #tpu.memory_space<vmem>>, vector<16xf32>,
      %exp3A_391 = math.exp %get3A_390 : vector<16xf32>
      %mul3A_392 = arith.constant 16 : i32
      %mul3A_393 = arith.muli %scan3A_352, %mul3A_392 : i32
      %get3A_394 = arith.constant 3 : i32
      %get3A_395 = arith.index_cast %get3A_394 : i32 to index
      %get3A_396 = arith.index_cast %mul3A_393 : i32 to index
      %get3A_397 = tpu.vector_load %arg14[%get3A_395, %get3A_396] {strides = array<i32>} : memref<16x512xf32, #tpu.memory_space<vmem>>, vector<16xf32>,
      %exp3A_398 = math.exp %get3A_397 : vector<16xf32>
      %mul3A_399 = arith.constant 16 : i32
      %mul3A_400 = arith.muli %scan3A_352, %mul3A_399 : i32
      %get3A_401 = arith.constant 4 : i32
      %get3A_402 = arith.index_cast %get3A_401 : i32 to index
      %get3A_403 = arith.index_cast %mul3A_400 : i32 to index
      %get3A_404 = tpu.vector_load %arg14[%get3A_402, %get3A_403] {strides = array<i32>} : memref<16x512xf32, #tpu.memory_space<vmem>>, vector<16xf32>,
      %exp3A_405 = math.exp %get3A_404 : vector<16xf32>
      %mul3A_406 = arith.constant 16 : i32
      %mul3A_407 = arith.muli %scan3A_352, %mul3A_406 : i32
      %get3A_408 = arith.constant 5 : i32
      %get3A_409 = arith.index_cast %get3A_408 : i32 to index
      %get3A_410 = arith.index_cast %mul3A_407 : i32 to index
      %get3A_411 = tpu.vector_load %arg14[%get3A_409, %get3A_410] {strides = array<i32>} : memref<16x512xf32, #tpu.memory_space<vmem>>, vector<16xf32>,
      %exp3A_412 = math.exp %get3A_411 : vector<16xf32>
      %mul3A_413 = arith.constant 16 : i32
      %mul3A_414 = arith.muli %scan3A_352, %mul3A_413 : i32
      %get3A_415 = arith.constant 6 : i32
      %get3A_416 = arith.index_cast %get3A_415 : i32 to index
      %get3A_417 = arith.index_cast %mul3A_414 : i32 to index
      %get3A_418 = tpu.vector_load %arg14[%get3A_416, %get3A_417] {strides = array<i32>} : memref<16x512xf32, #tpu.memory_space<vmem>>, vector<16xf32>,
      %exp3A_419 = math.exp %get3A_418 : vector<16xf32>
      %mul3A_420 = arith.constant 16 : i32
      %mul3A_421 = arith.muli %scan3A_352, %mul3A_420 : i32
      %get3A_422 = arith.constant 7 : i32
      %get3A_423 = arith.index_cast %get3A_422 : i32 to index
      %get3A_424 = arith.index_cast %mul3A_421 : i32 to index
      %get3A_425 = tpu.vector_load %arg14[%get3A_423, %get3A_424] {strides = array<i32>} : memref<16x512xf32, #tpu.memory_space<vmem>>, vector<16xf32>,
      %exp3A_426 = math.exp %get3A_425 : vector<16xf32>
      %mul3A_427 = arith.constant 16 : i32
      %mul3A_428 = arith.muli %scan3A_352, %mul3A_427 : i32
      %get3A_429 = arith.constant 8 : i32
      %get3A_430 = arith.index_cast %get3A_429 : i32 to index
      %get3A_431 = arith.index_cast %mul3A_428 : i32 to index
      %get3A_432 = tpu.vector_load %arg14[%get3A_430, %get3A_431] {strides = array<i32>} : memref<16x512xf32, #tpu.memory_space<vmem>>, vector<16xf32>,
      %exp3A_433 = math.exp %get3A_432 : vector<16xf32>
      %mul3A_434 = arith.constant 16 : i32
      %mul3A_435 = arith.muli %scan3A_352, %mul3A_434 : i32
      %get3A_436 = arith.constant 9 : i32
      %get3A_437 = arith.index_cast %get3A_436 : i32 to index
      %get3A_438 = arith.index_cast %mul3A_435 : i32 to index
      %get3A_439 = tpu.vector_load %arg14[%get3A_437, %get3A_438] {strides = array<i32>} : memref<16x512xf32, #tpu.memory_space<vmem>>, vector<16xf32>,
      %exp3A_440 = math.exp %get3A_439 : vector<16xf32>
      %mul3A_441 = arith.constant 16 : i32
      %mul3A_442 = arith.muli %scan3A_352, %mul3A_441 : i32
      %get3A_443 = arith.constant 10 : i32
      %get3A_444 = arith.index_cast %get3A_443 : i32 to index
      %get3A_445 = arith.index_cast %mul3A_442 : i32 to index
      %get3A_446 = tpu.vector_load %arg14[%get3A_444, %get3A_445] {strides = array<i32>} : memref<16x512xf32, #tpu.memory_space<vmem>>, vector<16xf32>,
      %exp3A_447 = math.exp %get3A_446 : vector<16xf32>
      %mul3A_448 = arith.constant 16 : i32
      %mul3A_449 = arith.muli %scan3A_352, %mul3A_448 : i32
      %get3A_450 = arith.constant 11 : i32
      %get3A_451 = arith.index_cast %get3A_450 : i32 to index
      %get3A_452 = arith.index_cast %mul3A_449 : i32 to index
      %get3A_453 = tpu.vector_load %arg14[%get3A_451, %get3A_452] {strides = array<i32>} : memref<16x512xf32, #tpu.memory_space<vmem>>, vector<16xf32>,
      %exp3A_454 = math.exp %get3A_453 : vector<16xf32>
      %mul3A_455 = arith.constant 16 : i32
      %mul3A_456 = arith.muli %scan3A_352, %mul3A_455 : i32
      %get3A_457 = arith.constant 12 : i32
      %get3A_458 = arith.index_cast %get3A_457 : i32 to index
      %get3A_459 = arith.index_cast %mul3A_456 : i32 to index
      %get3A_460 = tpu.vector_load %arg14[%get3A_458, %get3A_459] {strides = array<i32>} : memref<16x512xf32, #tpu.memory_space<vmem>>, vector<16xf32>,
      %exp3A_461 = math.exp %get3A_460 : vector<16xf32>
      %mul3A_462 = arith.constant 16 : i32
      %mul3A_463 = arith.muli %scan3A_352, %mul3A_462 : i32
      %get3A_464 = arith.constant 13 : i32
      %get3A_465 = arith.index_cast %get3A_464 : i32 to index
      %get3A_466 = arith.index_cast %mul3A_463 : i32 to index
      %get3A_467 = tpu.vector_load %arg14[%get3A_465, %get3A_466] {strides = array<i32>} : memref<16x512xf32, #tpu.memory_space<vmem>>, vector<16xf32>,
      %exp3A_468 = math.exp %get3A_467 : vector<16xf32>
      %mul3A_469 = arith.constant 16 : i32
      %mul3A_470 = arith.muli %scan3A_352, %mul3A_469 : i32
      %get3A_471 = arith.constant 14 : i32
      %get3A_472 = arith.index_cast %get3A_471 : i32 to index
      %get3A_473 = arith.index_cast %mul3A_470 : i32 to index
      %get3A_474 = tpu.vector_load %arg14[%get3A_472, %get3A_473] {strides = array<i32>} : memref<16x512xf32, #tpu.memory_space<vmem>>, vector<16xf32>,
      %exp3A_475 = math.exp %get3A_474 : vector<16xf32>
      %mul3A_476 = arith.constant 16 : i32
      %mul3A_477 = arith.muli %scan3A_352, %mul3A_476 : i32
      %get3A_478 = arith.constant 15 : i32
      %get3A_479 = arith.index_cast %get3A_478 : i32 to index
      %get3A_480 = arith.index_cast %mul3A_477 : i32 to index
      %get3A_481 = tpu.vector_load %arg14[%get3A_479, %get3A_480] {strides = array<i32>} : memref<16x512xf32, #tpu.memory_space<vmem>>, vector<16xf32>,
      %exp3A_482 = math.exp %get3A_481 : vector<16xf32>
      %add3A_483 = arith.addf %exp3A_377, %exp3A_384 : vector<16xf32>
      %add3A_484 = arith.addf %exp3A_391, %exp3A_398 : vector<16xf32>
      %add3A_485 = arith.addf %exp3A_405, %exp3A_412 : vector<16xf32>
      %add3A_486 = arith.addf %exp3A_419, %exp3A_426 : vector<16xf32>
      %add3A_487 = arith.addf %exp3A_433, %exp3A_440 : vector<16xf32>
      %add3A_488 = arith.addf %exp3A_447, %exp3A_454 : vector<16xf32>
      %add3A_489 = arith.addf %exp3A_461, %exp3A_468 : vector<16xf32>
      %add3A_490 = arith.addf %exp3A_475, %exp3A_482 : vector<16xf32>
      %add3A_491 = arith.addf %add3A_483, %add3A_484 : vector<16xf32>
      %add3A_492 = arith.addf %add3A_485, %add3A_486 : vector<16xf32>
      %add3A_493 = arith.addf %add3A_487, %add3A_488 : vector<16xf32>
      %add3A_494 = arith.addf %add3A_489, %add3A_490 : vector<16xf32>
      %add3A_495 = arith.addf %add3A_491, %add3A_492 : vector<16xf32>
      %add3A_496 = arith.addf %add3A_493, %add3A_494 : vector<16xf32>
      %add3A_497 = arith.addf %add3A_495, %add3A_496 : vector<16xf32>
      %div3A_498 = arith.constant 1.000000e+00 : f32
      %div3A_499 = vector.broadcast %div3A_498 : f32 to vector<16xf32>
      %div3A_500 = arith.divf %div3A_499, %add3A_497 : vector<16xf32>
      %mul3A_501 = arith.mulf %exp3A_377, %div3A_500 : vector<16xf32>
      %mul3A_502 = arith.mulf %sub3A_370, %mul3A_501 : vector<16xf32>
      %add3A_503 = arith.addf %mul3A_369, %mul3A_502 : vector<16xf32>
      %mul3A_504 = arith.constant 16 : i32
      %mul3A_505 = arith.muli %scan3A_352, %mul3A_504 : i32
      %swap3A = arith.constant 0 : i32
      %swap3A_506 = arith.index_cast %swap3A : i32 to index
      %swap3A_507 = arith.index_cast %mul3A_505 : i32 to index
      %swap3A_508 = tpu.vector_load %arg14[%swap3A_506, %swap3A_507] {strides = array<i32>} : memref<16x512xf32, #tpu.memory_space<vmem>>, vector<16xf32>,
      tpu.vector_store %arg14[%swap3A_506, %swap3A_507], %add3A_503 {strides = array<i32>} : memref<16x512xf32, #tpu.memory_space<vmem>>, vector<16xf32>,
      %mul3A_509 = arith.mulf %exp3A_384, %div3A_500 : vector<16xf32>
      %mul3A_510 = arith.mulf %sub3A_370, %mul3A_509 : vector<16xf32>
      %add3A_511 = arith.addf %mul3A_369, %mul3A_510 : vector<16xf32>
      %mul3A_512 = arith.constant 16 : i32
      %mul3A_513 = arith.muli %scan3A_352, %mul3A_512 : i32
      %swap3A_514 = arith.constant 1 : i32
      %swap3A_515 = arith.index_cast %swap3A_514 : i32 to index
      %swap3A_516 = arith.index_cast %mul3A_513 : i32 to index
      %swap3A_517 = tpu.vector_load %arg14[%swap3A_515, %swap3A_516] {strides = array<i32>} : memref<16x512xf32, #tpu.memory_space<vmem>>, vector<16xf32>,
      tpu.vector_store %arg14[%swap3A_515, %swap3A_516], %add3A_511 {strides = array<i32>} : memref<16x512xf32, #tpu.memory_space<vmem>>, vector<16xf32>,
      %mul3A_518 = arith.mulf %exp3A_391, %div3A_500 : vector<16xf32>
      %mul3A_519 = arith.mulf %sub3A_370, %mul3A_518 : vector<16xf32>
      %add3A_520 = arith.addf %mul3A_369, %mul3A_519 : vector<16xf32>
      %mul3A_521 = arith.constant 16 : i32
      %mul3A_522 = arith.muli %scan3A_352, %mul3A_521 : i32
      %swap3A_523 = arith.constant 2 : i32
      %swap3A_524 = arith.index_cast %swap3A_523 : i32 to index
      %swap3A_525 = arith.index_cast %mul3A_522 : i32 to index
      %swap3A_526 = tpu.vector_load %arg14[%swap3A_524, %swap3A_525] {strides = array<i32>} : memref<16x512xf32, #tpu.memory_space<vmem>>, vector<16xf32>,
      tpu.vector_store %arg14[%swap3A_524, %swap3A_525], %add3A_520 {strides = array<i32>} : memref<16x512xf32, #tpu.memory_space<vmem>>, vector<16xf32>,
      %mul3A_527 = arith.mulf %exp3A_398, %div3A_500 : vector<16xf32>
      %mul3A_528 = arith.mulf %sub3A_370, %mul3A_527 : vector<16xf32>
      %add3A_529 = arith.addf %mul3A_369, %mul3A_528 : vector<16xf32>
      %mul3A_530 = arith.constant 16 : i32
      %mul3A_531 = arith.muli %scan3A_352, %mul3A_530 : i32
      %swap3A_532 = arith.constant 3 : i32
      %swap3A_533 = arith.index_cast %swap3A_532 : i32 to index
      %swap3A_534 = arith.index_cast %mul3A_531 : i32 to index
      %swap3A_535 = tpu.vector_load %arg14[%swap3A_533, %swap3A_534] {strides = array<i32>} : memref<16x512xf32, #tpu.memory_space<vmem>>, vector<16xf32>,
      tpu.vector_store %arg14[%swap3A_533, %swap3A_534], %add3A_529 {strides = array<i32>} : memref<16x512xf32, #tpu.memory_space<vmem>>, vector<16xf32>,
      %mul3A_536 = arith.mulf %exp3A_405, %div3A_500 : vector<16xf32>
      %mul3A_537 = arith.mulf %sub3A_370, %mul3A_536 : vector<16xf32>
      %add3A_538 = arith.addf %mul3A_369, %mul3A_537 : vector<16xf32>
      %mul3A_539 = arith.constant 16 : i32
      %mul3A_540 = arith.muli %scan3A_352, %mul3A_539 : i32
      %swap3A_541 = arith.constant 4 : i32
      %swap3A_542 = arith.index_cast %swap3A_541 : i32 to index
      %swap3A_543 = arith.index_cast %mul3A_540 : i32 to index
      %swap3A_544 = tpu.vector_load %arg14[%swap3A_542, %swap3A_543] {strides = array<i32>} : memref<16x512xf32, #tpu.memory_space<vmem>>, vector<16xf32>,
      tpu.vector_store %arg14[%swap3A_542, %swap3A_543], %add3A_538 {strides = array<i32>} : memref<16x512xf32, #tpu.memory_space<vmem>>, vector<16xf32>,
      %mul3A_545 = arith.mulf %exp3A_412, %div3A_500 : vector<16xf32>
      %mul3A_546 = arith.mulf %sub3A_370, %mul3A_545 : vector<16xf32>
      %add3A_547 = arith.addf %mul3A_369, %mul3A_546 : vector<16xf32>
      %mul3A_548 = arith.constant 16 : i32
      %mul3A_549 = arith.muli %scan3A_352, %mul3A_548 : i32
      %swap3A_550 = arith.constant 5 : i32
      %swap3A_551 = arith.index_cast %swap3A_550 : i32 to index
      %swap3A_552 = arith.index_cast %mul3A_549 : i32 to index
      %swap3A_553 = tpu.vector_load %arg14[%swap3A_551, %swap3A_552] {strides = array<i32>} : memref<16x512xf32, #tpu.memory_space<vmem>>, vector<16xf32>,
      tpu.vector_store %arg14[%swap3A_551, %swap3A_552], %add3A_547 {strides = array<i32>} : memref<16x512xf32, #tpu.memory_space<vmem>>, vector<16xf32>,
      %mul3A_554 = arith.mulf %exp3A_419, %div3A_500 : vector<16xf32>
      %mul3A_555 = arith.mulf %sub3A_370, %mul3A_554 : vector<16xf32>
      %add3A_556 = arith.addf %mul3A_369, %mul3A_555 : vector<16xf32>
      %mul3A_557 = arith.constant 16 : i32
      %mul3A_558 = arith.muli %scan3A_352, %mul3A_557 : i32
      %swap3A_559 = arith.constant 6 : i32
      %swap3A_560 = arith.index_cast %swap3A_559 : i32 to index
      %swap3A_561 = arith.index_cast %mul3A_558 : i32 to index
      %swap3A_562 = tpu.vector_load %arg14[%swap3A_560, %swap3A_561] {strides = array<i32>} : memref<16x512xf32, #tpu.memory_space<vmem>>, vector<16xf32>,
      tpu.vector_store %arg14[%swap3A_560, %swap3A_561], %add3A_556 {strides = array<i32>} : memref<16x512xf32, #tpu.memory_space<vmem>>, vector<16xf32>,
      %mul3A_563 = arith.mulf %exp3A_426, %div3A_500 : vector<16xf32>
      %mul3A_564 = arith.mulf %sub3A_370, %mul3A_563 : vector<16xf32>
      %add3A_565 = arith.addf %mul3A_369, %mul3A_564 : vector<16xf32>
      %mul3A_566 = arith.constant 16 : i32
      %mul3A_567 = arith.muli %scan3A_352, %mul3A_566 : i32
      %swap3A_568 = arith.constant 7 : i32
      %swap3A_569 = arith.index_cast %swap3A_568 : i32 to index
      %swap3A_570 = arith.index_cast %mul3A_567 : i32 to index
      %swap3A_571 = tpu.vector_load %arg14[%swap3A_569, %swap3A_570] {strides = array<i32>} : memref<16x512xf32, #tpu.memory_space<vmem>>, vector<16xf32>,
      tpu.vector_store %arg14[%swap3A_569, %swap3A_570], %add3A_565 {strides = array<i32>} : memref<16x512xf32, #tpu.memory_space<vmem>>, vector<16xf32>,
      %mul3A_572 = arith.mulf %exp3A_433, %div3A_500 : vector<16xf32>
      %mul3A_573 = arith.mulf %sub3A_370, %mul3A_572 : vector<16xf32>
      %add3A_574 = arith.addf %mul3A_369, %mul3A_573 : vector<16xf32>
      %mul3A_575 = arith.constant 16 : i32
      %mul3A_576 = arith.muli %scan3A_352, %mul3A_575 : i32
      %swap3A_577 = arith.constant 8 : i32
      %swap3A_578 = arith.index_cast %swap3A_577 : i32 to index
      %swap3A_579 = arith.index_cast %mul3A_576 : i32 to index
      %swap3A_580 = tpu.vector_load %arg14[%swap3A_578, %swap3A_579] {strides = array<i32>} : memref<16x512xf32, #tpu.memory_space<vmem>>, vector<16xf32>,
      tpu.vector_store %arg14[%swap3A_578, %swap3A_579], %add3A_574 {strides = array<i32>} : memref<16x512xf32, #tpu.memory_space<vmem>>, vector<16xf32>,
      %mul3A_581 = arith.mulf %exp3A_440, %div3A_500 : vector<16xf32>
      %mul3A_582 = arith.mulf %sub3A_370, %mul3A_581 : vector<16xf32>
      %add3A_583 = arith.addf %mul3A_369, %mul3A_582 : vector<16xf32>
      %mul3A_584 = arith.constant 16 : i32
      %mul3A_585 = arith.muli %scan3A_352, %mul3A_584 : i32
      %swap3A_586 = arith.constant 9 : i32
      %swap3A_587 = arith.index_cast %swap3A_586 : i32 to index
      %swap3A_588 = arith.index_cast %mul3A_585 : i32 to index
      %swap3A_589 = tpu.vector_load %arg14[%swap3A_587, %swap3A_588] {strides = array<i32>} : memref<16x512xf32, #tpu.memory_space<vmem>>, vector<16xf32>,
      tpu.vector_store %arg14[%swap3A_587, %swap3A_588], %add3A_583 {strides = array<i32>} : memref<16x512xf32, #tpu.memory_space<vmem>>, vector<16xf32>,
      %mul3A_590 = arith.mulf %exp3A_447, %div3A_500 : vector<16xf32>
      %mul3A_591 = arith.mulf %sub3A_370, %mul3A_590 : vector<16xf32>
      %add3A_592 = arith.addf %mul3A_369, %mul3A_591 : vector<16xf32>
      %mul3A_593 = arith.constant 16 : i32
      %mul3A_594 = arith.muli %scan3A_352, %mul3A_593 : i32
      %swap3A_595 = arith.constant 10 : i32
      %swap3A_596 = arith.index_cast %swap3A_595 : i32 to index
      %swap3A_597 = arith.index_cast %mul3A_594 : i32 to index
      %swap3A_598 = tpu.vector_load %arg14[%swap3A_596, %swap3A_597] {strides = array<i32>} : memref<16x512xf32, #tpu.memory_space<vmem>>, vector<16xf32>,
      tpu.vector_store %arg14[%swap3A_596, %swap3A_597], %add3A_592 {strides = array<i32>} : memref<16x512xf32, #tpu.memory_space<vmem>>, vector<16xf32>,
      %mul3A_599 = arith.mulf %exp3A_454, %div3A_500 : vector<16xf32>
      %mul3A_600 = arith.mulf %sub3A_370, %mul3A_599 : vector<16xf32>
      %add3A_601 = arith.addf %mul3A_369, %mul3A_600 : vector<16xf32>
      %mul3A_602 = arith.constant 16 : i32
      %mul3A_603 = arith.muli %scan3A_352, %mul3A_602 : i32
      %swap3A_604 = arith.constant 11 : i32
      %swap3A_605 = arith.index_cast %swap3A_604 : i32 to index
      %swap3A_606 = arith.index_cast %mul3A_603 : i32 to index
      %swap3A_607 = tpu.vector_load %arg14[%swap3A_605, %swap3A_606] {strides = array<i32>} : memref<16x512xf32, #tpu.memory_space<vmem>>, vector<16xf32>,
      tpu.vector_store %arg14[%swap3A_605, %swap3A_606], %add3A_601 {strides = array<i32>} : memref<16x512xf32, #tpu.memory_space<vmem>>, vector<16xf32>,
      %mul3A_608 = arith.mulf %exp3A_461, %div3A_500 : vector<16xf32>
      %mul3A_609 = arith.mulf %sub3A_370, %mul3A_608 : vector<16xf32>
      %add3A_610 = arith.addf %mul3A_369, %mul3A_609 : vector<16xf32>
      %mul3A_611 = arith.constant 16 : i32
      %mul3A_612 = arith.muli %scan3A_352, %mul3A_611 : i32
      %swap3A_613 = arith.constant 12 : i32
      %swap3A_614 = arith.index_cast %swap3A_613 : i32 to index
      %swap3A_615 = arith.index_cast %mul3A_612 : i32 to index
      %swap3A_616 = tpu.vector_load %arg14[%swap3A_614, %swap3A_615] {strides = array<i32>} : memref<16x512xf32, #tpu.memory_space<vmem>>, vector<16xf32>,
      tpu.vector_store %arg14[%swap3A_614, %swap3A_615], %add3A_610 {strides = array<i32>} : memref<16x512xf32, #tpu.memory_space<vmem>>, vector<16xf32>,
      %mul3A_617 = arith.mulf %exp3A_468, %div3A_500 : vector<16xf32>
      %mul3A_618 = arith.mulf %sub3A_370, %mul3A_617 : vector<16xf32>
      %add3A_619 = arith.addf %mul3A_369, %mul3A_618 : vector<16xf32>
      %mul3A_620 = arith.constant 16 : i32
      %mul3A_621 = arith.muli %scan3A_352, %mul3A_620 : i32
      %swap3A_622 = arith.constant 13 : i32
      %swap3A_623 = arith.index_cast %swap3A_622 : i32 to index
      %swap3A_624 = arith.index_cast %mul3A_621 : i32 to index
      %swap3A_625 = tpu.vector_load %arg14[%swap3A_623, %swap3A_624] {strides = array<i32>} : memref<16x512xf32, #tpu.memory_space<vmem>>, vector<16xf32>,
      tpu.vector_store %arg14[%swap3A_623, %swap3A_624], %add3A_619 {strides = array<i32>} : memref<16x512xf32, #tpu.memory_space<vmem>>, vector<16xf32>,
      %mul3A_626 = arith.mulf %exp3A_475, %div3A_500 : vector<16xf32>
      %mul3A_627 = arith.mulf %sub3A_370, %mul3A_626 : vector<16xf32>
      %add3A_628 = arith.addf %mul3A_369, %mul3A_627 : vector<16xf32>
      %mul3A_629 = arith.constant 16 : i32
      %mul3A_630 = arith.muli %scan3A_352, %mul3A_629 : i32
      %swap3A_631 = arith.constant 14 : i32
      %swap3A_632 = arith.index_cast %swap3A_631 : i32 to index
      %swap3A_633 = arith.index_cast %mul3A_630 : i32 to index
      %swap3A_634 = tpu.vector_load %arg14[%swap3A_632, %swap3A_633] {strides = array<i32>} : memref<16x512xf32, #tpu.memory_space<vmem>>, vector<16xf32>,
      tpu.vector_store %arg14[%swap3A_632, %swap3A_633], %add3A_628 {strides = array<i32>} : memref<16x512xf32, #tpu.memory_space<vmem>>, vector<16xf32>,
      %mul3A_635 = arith.mulf %exp3A_482, %div3A_500 : vector<16xf32>
      %mul3A_636 = arith.mulf %sub3A_370, %mul3A_635 : vector<16xf32>
      %add3A_637 = arith.addf %mul3A_369, %mul3A_636 : vector<16xf32>
      %mul3A_638 = arith.constant 16 : i32
      %mul3A_639 = arith.muli %scan3A_352, %mul3A_638 : i32
      %swap3A_640 = arith.constant 15 : i32
      %swap3A_641 = arith.index_cast %swap3A_640 : i32 to index
      %swap3A_642 = arith.index_cast %mul3A_639 : i32 to index
      %swap3A_643 = tpu.vector_load %arg14[%swap3A_641, %swap3A_642] {strides = array<i32>} : memref<16x512xf32, #tpu.memory_space<vmem>>, vector<16xf32>,
      tpu.vector_store %arg14[%swap3A_641, %swap3A_642], %add3A_637 {strides = array<i32>} : memref<16x512xf32, #tpu.memory_space<vmem>>, vector<16xf32>,
    }
    %scan3A_351 = arith.constant 32 : i32
    "tpu.region"() ({
      %run_scoped3A = tpu.sem_alloc : memref<!tpu.dma_semaphore, #tpu.memory_space<semaphore_mem>>
      %dma_start3A_352 = arith.constant 0 : i32
      %dma_start3A_353 = tpu.memref_slice %arg8[%dma_start3A_352, %mul3A_2] : memref<16x16384xf32, #tpu.memory_space<hbm>> -> memref<16x512xf32, #tpu.memory_space<hbm>>
      %dma_start3A_354 = arith.constant 0 : i32
      %dma_start3A_355 = tpu.memref_slice %arg8[%dma_start3A_354, %mul3A_2] : memref<16x16384xf32, #tpu.memory_space<hbm>> -> memref<16x512xf32, #tpu.memory_space<hbm>>
      tpu.enqueue_dma source(%arg14 : memref<16x512xf32, #tpu.memory_space<vmem>>) target(%dma_start3A_355 : memref<16x512xf32, #tpu.memory_space<hbm>>) target_semaphore(%run_scoped3A : memref<!tpu.dma_semaphore, #tpu.memory_space<semaphore_mem>>)
      %dma_wait3A_356 = arith.constant 0 : i32
      %dma_wait3A_357 = tpu.memref_slice %arg8[%dma_wait3A_356, %mul3A_2] : memref<16x16384xf32, #tpu.memory_space<hbm>> -> memref<16x512xf32, #tpu.memory_space<hbm>>
      %dma_wait3A_358 = arith.constant 0 : i32
      %dma_wait3A_359 = tpu.memref_slice %arg8[%dma_wait3A_358, %mul3A_2] : memref<16x16384xf32, #tpu.memory_space<hbm>> -> memref<16x512xf32, #tpu.memory_space<hbm>>
      tpu.wait_dma2 semaphore(%run_scoped3A : memref<!tpu.dma_semaphore, #tpu.memory_space<semaphore_mem>>) src(%arg14 : memref<16x512xf32, #tpu.memory_space<vmem>>) dst(%dma_wait3A_359 : memref<16x512xf32, #tpu.memory_space<hbm>>)
      tpu.yield
    }) : () -> ()
    return
  }
}

</mosaic_0001>

<sc_bundles>
// kernel: kernel.3.cloned.1.call-start
scs
__scs_entry_jumppad:
0x0: {  	(pc) =	sbr.rel $0x88, $3  }
0x1: {  	(tag) =	ssettag $0x0;
	lr =	simm.s32 $0x1  }
0x2: {  	[smem:$0x3F9B] =	sst lr;
	_ =	strace $0xD0000000  }
0x3: {  	_ = 	snop  }
0x4: {  	_ = 	snop  }
0x5: {  	_ = 	snop  }
0x6: {  	_ = 	snop  }
0x7: {  	_ = 	snop  }
__scs_overlays_trampoline_lowered:
0x8: {  	[smem:$0x3FAA] =	sst s0  }
0x9: {  	[smem:$0x3FAB] =	sst s1  }
0xa: {  	[smem:$0x3FAC] =	sst s2  }
0xb: {  	[smem:$0x3FAD] =	sst s3  }
0xc: {  	[smem:$0x3FAE] =	sst s4  }
0xd: {  	[smem:$0x3FAF] =	sst s5  }
0xe: {  	[smem:$0x3FB0] =	sst s6  }
0xf: {  	[smem:$0x3FB1] =	sst s7  }
0x10: {  	[smem:$0x3FB2] =	sst s8  }
0x11: {  	[smem:$0x3FB3] =	sst s9;
	s0 =	simm.s32 @!p0 $0x0  }
0x12: {  	s1 =	sld [smem:$0x3F99];
	s0 =	simm.s32 @p0 $0x1  }
0x13: {  	[smem:$0x3FB4] =	sst s0;
	s0 =	simm.s32 @!p1 $0x0  }
0x14: {  	s2 =	sld [smem:$0x3F98];
	s0 =	simm.s32 @p1 $0x1  }
0x15: {  	[smem:$0x3FB5] =	sst s0;
	s0 =	simm.s32 @!p2 $0x0  }
0x16: {  	s3 =	sld [smem:$0x3FDB];
	s0 =	simm.s32 @p2 $0x1  }
0x17: {  	s4 =	simm.s32 $0x1BF5;
	[smem:$0x3FB7] =	sst s0  }
0x18: {  	s0 =	sld [smem:$0x3F9A];
	_ =	swait.ge [sflag:s4], $0x0  }
0x19: {  	s7 =	sld [smem:$0x3F9B]  }
0x1a: {  	s8 =	sadd.s32 $0xFFFFE003, lr  }
0x1b: {  	s9 =	sadd.s32 $0xFFFFFEF7, lr;
	s5 =	simm.s32 $0xFFFFFFFF;
	p2 =	slt.u32 s8, $0xFFFFF086  }
0x1c: {  	p1 =	slt.u32 s9, $0xF7A;
	s5 =	simm.s32 @!p2 $0x0  }
0x1d: {  	s5 =	simm.s32 @p1 $0x1;
	p0 =	seq.s32 s7, s2  }
0x1e: {  	s7 =	smul.u32 @!p0 $0xF7A, s2;
	p2 =	seq.s32 @!p0 s5, $0x0  }
0x1f: {  	s9 =	smul.u32 $0xF7A, s1;
	s8 =	simm.s32 @!p0 $0x1BF5;
	p2 =	por !p2, p0  }
0x20: {  	[sflag:s8] =	ssyncset.s32 @!p0 $0xFFFFF086;
	s6 =	sadd.s32 @!p0 s3, s7;
	s7 =	simm.s32 @!p0 $0x108  }
0x21: {  	s3 =	sadd.s32 s3, s9;
	s6 =	sadd.s32 @!p0 $0x88, s6;
	s7 =	simm.s32 @p2 $0x1082  }
0x22: {  	[simem:s7], [sflag:s8] =	dma.local @!p0 [hbm:s6], $0xF7A  }
0x23: {  	s9 =	sor.u32 $0xD0000000, s2;
	s6 =	simm.s32 $0x108;
	_ =	swait.ge @!p0 [sflag:s8], $0x0  }
0x24: {  	s3 =	sadd.s32 $0x88, s3;
	s6 =	simm.s32 @!p1 $0x1082;
	[sflag:s4] =	ssyncset.s32 $0xFFFFF086  }
0x25: {  	[simem:s6], [sflag:s4] =	dma.local [hbm:s3], $0xF7A  }
0x26: {  	[smem:$0x3F9B] =	sst s1;
	(tag) =	ssettag s2;
	_ =	strace s9  }
0x27: {  	s1 =	sld [smem:$0x3FAB]  }
0x28: {  	s2 =	sld [smem:$0x3FAC]  }
0x29: {  	s4 =	sld [smem:$0x3FAE]  }
0x2a: {  	p0 =	seq.s32 s5, $0x0;
	s5 =	sld [smem:$0x3FAF]  }
0x2b: {  	s6 =	sld [smem:$0x3FB0]  }
0x2c: {  	s7 =	sld [smem:$0x3FB1]  }
0x2d: {  	s3 =	simm.s32 $0x108;
	s8 =	sld [smem:$0x3FB2]  }
0x2e: {  	s3 =	simm.s32 @!p0 $0x1082;
	s9 =	sld [smem:$0x3FB3]  }
0x2f: {  	lr =	sadd.s32 s0, s3;
	s0 =	sld [smem:$0x3FAA]  }
0x30: {  	s3 =	sld [smem:$0x3FAD]  }
0x31: {  	[smem:$0x3FB6] =	sst s10  }
0x32: {  	s10 =	sld [smem:$0x3FB4];
	_ =	sdelay $0x3  }
0x33: {  	p0 =	seq.s32 s10, $0x1;
	s10 =	sld [smem:$0x3FB6];
	_ =	sdelay $0x3  }
0x34: {  	[smem:$0x3FB6] =	sst s10  }
0x35: {  	s10 =	sld [smem:$0x3FB5];
	_ =	sdelay $0x3  }
0x36: {  	p1 =	seq.s32 s10, $0x1;
	s10 =	sld [smem:$0x3FB6];
	_ =	sdelay $0x3  }
0x37: {  	[smem:$0x3FB6] =	sst s10  }
0x38: {  	s10 =	sld [smem:$0x3FB7]  }
0x39: {  	_ = 	snop;
	(pc) =	sbr.ind lr, $3  }
0x3a: {  	_ = 	snop  }
0x3b: {  	_ = 	snop  }
0x3c: {  	p2 =	seq.s32 s10, $0x1;
	s10 =	sld [smem:$0x3FB6]  }
0x3d: {  	_ =	shalt  }
0x3e: {  	_ =	shalt  }
0x3f: {  	_ =	shalt  }
0x40: {  	_ =	shalt  }
0x41: {  	_ =	shalt  }
0x42: {  	_ =	shalt  }
0x43: {  	_ =	shalt  }
0x44: {  	_ =	shalt  }
0x45: {  	_ =	shalt  }
0x46: {  	_ =	shalt  }
0x47: {  	_ =	shalt  }
0x48: {  	_ =	shalt  }
0x49: {  	_ =	shalt  }
0x4a: {  	_ =	shalt  }
0x4b: {  	_ =	shalt  }
0x4c: {  	_ =	shalt  }
0x4d: {  	_ =	shalt  }
0x4e: {  	_ =	shalt  }
0x4f: {  	_ =	shalt  }
0x50: {  	_ =	shalt  }
0x51: {  	_ =	shalt  }
0x52: {  	_ =	shalt  }
0x53: {  	_ =	shalt  }
0x54: {  	_ =	shalt  }
0x55: {  	_ =	shalt  }
0x56: {  	_ =	shalt  }
0x57: {  	_ =	shalt  }
0x58: {  	_ =	shalt  }
0x59: {  	_ =	shalt  }
0x5a: {  	_ =	shalt  }
0x5b: {  	_ =	shalt  }
0x5c: {  	_ =	shalt  }
0x5d: {  	_ =	shalt  }
0x5e: {  	_ =	shalt  }
0x5f: {  	_ =	shalt  }
0x60: {  	_ =	shalt  }
0x61: {  	_ =	shalt  }
0x62: {  	_ =	shalt  }
0x63: {  	_ =	shalt  }
0x64: {  	_ =	shalt  }
0x65: {  	_ =	shalt  }
0x66: {  	_ =	shalt  }
0x67: {  	_ =	shalt  }
0x68: {  	_ =	shalt  }
0x69: {  	_ =	shalt  }
0x6a: {  	_ =	shalt  }
0x6b: {  	_ =	shalt  }
0x6c: {  	_ =	shalt  }
0x6d: {  	_ =	shalt  }
0x6e: {  	_ =	shalt  }
0x6f: {  	_ =	shalt  }
0x70: {  	_ =	shalt  }
0x71: {  	_ =	shalt  }
0x72: {  	_ =	shalt  }
0x73: {  	_ =	shalt  }
0x74: {  	_ =	shalt  }
0x75: {  	_ =	shalt  }
0x76: {  	_ =	shalt  }
0x77: {  	_ =	shalt  }
0x78: {  	_ =	shalt  }
0x79: {  	_ =	shalt  }
0x7a: {  	_ =	shalt  }
0x7b: {  	_ =	shalt  }
0x7c: {  	_ =	shalt  }
0x7d: {  	_ =	shalt  }
0x7e: {  	_ =	shalt  }
0x7f: {  	_ =	shalt  }
0x80: {  	_ =	shalt  }
0x81: {  	_ =	shalt  }
0x82: {  	_ =	shalt  }
0x83: {  	_ =	shalt  }
0x84: {  	_ =	shalt  }
0x85: {  	_ =	shalt  }
0x86: {  	_ =	shalt  }
0x87: {  	_ =	shalt  }
.Lfunc_end0:
.L_simem_size_0:
called_computation_lowered:
.L_overlay_start_0:
0x88: {  	s2 =	sld [smem:$0x3FD9]  }
0x89: {  	s3 =	sld [smem:$0x3FFE];
	_ =	sdelay $0x1  }
0x8a: {  	s1 =	srdreg.scid  }
0x8b: {  	s0 =	sand.u32 $0x1, s1  }
0x8c: {  	s17 =	sshll.u32 s0, $0xA;
	s2 =	sadd.s32 s3, s2  }
0x8d: {  	s2 =	sadd.s32 s2, s17  }
0x8e: {  	[smem:$0x3FC2] =	sst s2  }
0x8f: {  	_ = 	snop  }
0x90: {  	s2 =	sld [smem:$0x3FC9]  }
0x91: {  	s18 =	sld [smem:$0x3FC7]  }
0x92: {  	s4 =	sld [smem:$0x3FC5]  }
0x93: {  	s5 =	sld [smem:$0x3FC4];
	(tm) =	ssettm $0x1  }
0x94: {  	s6 =	sld [smem:$0x3FFB];
	_ =	sdelay $0x3  }
0x95: {  	_ =	strace s6  }
0x96: {  	s6 =	sld [smem:$0x3FFC];
	_ =	sdelay $0x3  }
0x97: {  	_ =	strace s6  }
0x98: {  	s6 =	sld [smem:$0x3FFD];
	_ =	sdelay $0x3  }
0x99: {  	_ =	strace s6  }
0x9a: {  	_ =	strace $0x8FFFFFFF  }
0x9b: {  	s19 =	sld [smem:$0x3FDB];
	_ =	sdelay $0x1  }
0x9c: {  	s7 =	simm.s32 $_scs_section_size  }
0x9d: {  	s8 =	simm.s32 $_size__tile_overlayer_lowered;
	s9 =	simm.s32 $_tile_overlayer_lowered  }
0x9e: {  	s22 =	simm.s32 $0x1BFF;
	s21 =	sshll.u32 s9, $0x1;
	s6 =	sadd.s32 s7, s19  }
0x9f: {  	s10 =	simm.s32 $0x0;
	s20 =	sshll.u32 s8, $0x1;
	s8 =	sadd.s32 s21, s6  }
0xa0: {  	[timem:s10], [sflag:s22] =	dma.local [hbm:s8], s20  }
0xa1: {  	_ =	swait.ge [sflag:s22], s20  }
0xa2: {  	s7 =	ssub.s32 $0x0, s20;
	[sflag:s22] =	ssyncset.done $0x0  }
0xa3: {  	[sflag:s22] =	ssyncadd.s32 s7;
	_ =	sdelay $0x1  }
0xa4: {  	s23 =	simm.s32 $0x1B8B  }
0xa5: {  	_ =	swait.ge [sflag:s23], $0x1  }
0xa6: {  	[sflag:s23] =	ssyncset.done $0x0  }
0xa7: {  	s25 =	simm.s32 $0x1B8E;
	s24 =	sld [smem:$0x3FFE];
	[sflag:s23] =	ssyncadd.s32 $0xFFFFFFFF  }
0xa8: {  	s26 =	simm.s32 $execute0_lowered;
	[smem:$0x3FD2] =	sst s25  }
0xa9: {  	s8 =	sshll.u32 s26, $0x1;
	_ =	strace $0x80000046;
	[dreg:$0x1] =	wrdreg $0xFFFFFFFF  }
0xaa: {  	s28 =	simm.s32 $_size_execute0_lowered;
	s6 =	sadd.s32 s6, s8;
	[dreg:$0x0] =	wrdreg $0x0  }
0xab: {  	s8 =	sshll.u32 s28, $0x1;
	[dreg:$0x2] =	wrdreg s6  }
0xac: {  	[dreg:$0x3] =	wrdreg s8  }
0xad: {  	[dreg:$0x4] =	wrdreg $0xC0  }
0xae: {  	_ =	task [dreg:s10], $0x5FFFF  }
0xaf: {  	[dreg:$0x1] =	wrdreg $0xFFFFFFFF  }
0xb0: {  	[dreg:$0x0] =	wrdreg $0x60  }
0xb1: {  	[dreg:$0x2] =	wrdreg s2  }
0xb2: {  	[dreg:$0x3] =	wrdreg s24  }
0xb3: {  	[dreg:$0x4] =	wrdreg s18  }
0xb4: {  	[dreg:$0x5] =	wrdreg s4  }
0xb5: {  	[dreg:$0x6] =	wrdreg s5  }
0xb6: {  	[dreg:$0x7] =	wrdreg $0x48D00  }
0xb7: {  	[dreg:$0x8] =	wrdreg $0x9  }
0xb8: {  	_ =	task.clear_ibuf [dreg:s10], $0x9FFFF;
	_ =	strace $0x90000046  }
0xb9: {  	s29 =	simm.s32 $0x9;
	_ =	strace $0x80000048  }
0xba: {  	_ =	swait.ge [sflag:s29], $0x1  }
0xbb: {  	[sflag:s29] =	ssyncadd.s32 $0xFFFFFFFF  }
0xbc: {  	_ =	strace $0x90000048  }
0xbd: {  	_ =	sfence  }
0xbe: {  	s30 =	sld [smem:$0x0];
	_ =	sdelay $0x2  }
0xbf: {  	s31 =	sshll.u32 s1, $0xD;
	s1 =	sshrl.u32 s1, $0x2  }
0xc0: {  	s3 =	sand.u32 $0x4000, s31;
	s1 =	sadd.s32 s1, s30  }
0xc1: {  	s0 =	sor.u32 s3, s0;
	s1 =	sshll.u32 s1, $0x11  }
0xc2: {  	s0 =	sor.u32 s1, s0  }
0xc3: {  	s0 =	sadd.s32 $0x8F2B, s0  }
0xc4: {  	[sflag:s0] =	ssyncadd.remote.s32 $0x1  }
0xc5: {  	_ =	sfence.sel $0xFFFF  }
0xc6: {  	[dreg:$0x0] =	wrdreg $0xFFFFFFFF;
	(pc) =	sbr.abs _section_cstart, $3  }
0xc7: {  	[dreg:$0x1] =	wrdreg $0xFFFFFFFF  }
0xc8: {  	_ =	task.clear_ibuf [dreg:s10], $0x2FFFF;
	_ =	strace $0x9FFFFFFF  }
0xc9: {  	(tm) =	ssettm $0x7FFFFFFF  }
tec
execute0_lowered:
.L_overlay_start_1:
0x0: {  	(tag) =	ssettag $0x1  }
0x1: {  	s0 =	rddreg [dreg:$0x0]  }
0x2: {  	s1 =	rddreg [dreg:$0x1]  }
0x3: {  	s2 =	rddreg [dreg:$0x3]  }
0x4: {  	s3 =	rddreg [dreg:$0x4]  }
0x5: {  	s8 =	rddreg [dreg:$0x5];
	s4 =	simm.s32 $0x0;
	s5 =	srdreg.scid;
	v0 =	vimm.s32 $0xEFCDAB89;
	v1 =	vimm.s32 $0x67452301  }
0x6: {  	s15 =	stileid.u32;
	v2 =	vimm.s32 $0xDCFE98BA;
	v3 =	vimm.s32 $0x54761032;
	s30 =	simm.s32 $0x2;
	s31 =	simm.s32 $0x2290  }
0x7: {  	v4 =	vimm.s32 $0xBA98FEDC;
	v5 =	vimm.s32 $0x32107654;
	s29 =	simm.s32 $0x0;
	[smem:$0x7FF] =	sst s4;
	s5 =	sand.u32 $0x1, s5  }
0x8: {  	v6 =	vimm.s32 $0xFEDCBA98;
	v7 =	vimm.s32 $0x76543210;
	s6 =	sshll.u32 s15, $0x7;
	s9 =	sadd.s32 $0x400, s1;
	s22 =	sadd.s32 $0x31200, s1  }
0x9: {  	vm0 =	vmmov $0x1;
	vm1 =	vmmov $0x3;
	vm2 =	vmmov $0x7;
	s10 =	sadd.s32 $0x65A8, s1;
	s11 =	sadd.s32 $0x967C, s1;
	s12 =	sadd.s32 $0xC750, s1  }
0xa: {  	vm3 =	vmmov $0xf;
	vm4 =	vmmov $0x1f;
	vm5 =	vmmov $0x3f;
	s13 =	sadd.s32 $0xF824, s1;
	s14 =	sadd.s32 $0x128F8, s1;
	s24 =	sshll.u32 s15, $0x6  }
0xb: {  	vm6 =	vmmov $0x7f;
	vm7 =	vmmov $0xff;
	vm8 =	vmmov $0x1ff;
	s15 =	sadd.s32 $0x159CC, s1;
	s16 =	sadd.s32 $0x18AA0, s1;
	s17 =	sadd.s32 $0x1BB74, s1  }
0xc: {  	vm9 =	vmmov $0x3ff;
	vm10 =	vmmov $0x7ff;
	vm11 =	vmmov $0xfff;
	s18 =	sadd.s32 $0x1EC48, s1;
	s19 =	sadd.s32 $0x21D1C, s1;
	_ =	strace $0x80000047  }
0xd: {  	vm12 =	vmmov $0x1fff;
	v0 =	vunpack.c.l.s4.s8 v0;
	v1 =	vunpack.c.l.s4.s8 v1;
	s7 =	sshll.u32 s5, $0x6;
	s5 =	ssub.s32 $0x2, s5;
	[dreg:$0x7] =	wrdreg s9  }
0xe: {  	v2 =	vunpack.c.l.s4.s8 v2;
	v3 =	vunpack.c.l.s4.s8 v3;
	v4 =	vunpack.c.l.s4.s8 v4;
	[dreg:$0x8] =	wrdreg s22;
	s9 =	sadd.s32 $0x34D4, s1;
	s6 =	sor.u32 s7, s6  }
0xf: {  	v5 =	vunpack.c.l.s4.s8 v5;
	v6 =	vunpack.c.l.s4.s8 v6;
	v7 =	vunpack.c.l.s4.s8 v7;
	s22 =	sadd.s32 $0x27EC4, s1;
	s21 =	sshrl.u32 s5, $0x1;
	s26 =	sadd.s32 s6, s1  }
0x10: {  	v0 =	vunpack.c.0.s8.s32 v0;
	v1 =	vunpack.c.0.s8.s32 v1;
	v2 =	vunpack.c.0.s8.s32 v2;
	s5 =	ssub.s32 s5, s21;
	s2 =	sadd.s32 s2, s6;
	s23 =	sadd.s32 s3, s6  }
0x11: {  	v3 =	vunpack.c.0.s8.s32 v3;
	v4 =	vunpack.c.0.s8.s32 v4;
	v5 =	vunpack.c.0.s8.s32 v5;
	s21 =	sadd.s32 $0x24DF0, s1;
	s3 =	simm.s32 $0x2490;
	[dreg:$0x9] =	wrdreg s2  }
0x12: {  	vm13 =	vmmov $0x3fff;
	[dreg:$0xa] =	wrdreg s23;
	s2 =	smin.u32 s24, $0x3A8;
	s23 =	sadd.s32 $0x2AF98, s1;
	v0 =	vcombine.low v1, v0;
	v1 =	vunpack.c.0.s8.s32 v6  }
0x13: {  	s24 =	sadd.s32 $0x2E06C, s1;
	s26 =	sadd.s32 $0x31400, s26;
	v2 =	vcombine.low v3, v2;
	v3 =	vcombine.low v5, v4;
	v4 =	vunpack.c.0.s8.s32 v7;
	s25 =	sshll.u32 s2, $0x4  }
0x14: {  	vm14 =	vmmov $0x7fff;
	s28 =	smax.u32 s5, $0x1;
	s1 =	simm.s32 $0x4490;
	s20 =	sadd.s32 s0, s25;
	v0 =	vand.u32 $0xF, v0;
	v5 =	vand.u32 $0xF, v1  }
0x15: {  	s25 =	sadd.s32 s2, s8;
	s0 =	simm.s32 $0x200;
	v1 =	vand.u32 $0xF, v2;
	v2 =	vand.u32 $0xF, v3;
	s2 =	simm.s32 $0x1;
	v3 =	vcombine.low v5, v4  }
.LBB2_1:
0x16: {  	s5 =	rddreg [dreg:$0x9];
	s6 =	simm.s32 $0x2090  }
0x17: {  	[tilespmem:s6], [sflag:$0x2] =	stream.linear.gather [hbm4b:s5+s4], $0x200, $0x38;
	[tilespmem:$0x4910] =	vst v63  }
0x18: {  	_ =	swait.ge [sflag:s30], $0x200  }
0x19: {  	[sflag:s30] =	ssyncset.done $0x0  }
0x1a: {  	s8 =	rddreg [dreg:$0xa];
	[sflag:s30] =	ssyncadd.s32 $0xFFFFFE00  }
0x1b: {  	[tilespmem:s31], [sflag:$0x2] =	stream.linear.gather [hbm4b:s8+s4], $0x200, $0x38;
	[tilespmem:$0x4910] =	vst v63  }
0x1c: {  	_ =	swait.ge [sflag:s30], $0x200  }
0x1d: {  	[sflag:s30] =	ssyncset.done $0x0  }
0x1e: {  	s6 =	rddreg [dreg:$0x7];
	[sflag:s30] =	ssyncadd.s32 $0xFFFFFE00  }
0x1f: {  	[tilespmem:s3], [sflag:$0x1] =	stream.indirect.gather [hbm4b:s6+s0], $0x1, s31, s0, $0xb8;
	[tilespmem:$0x4910] =	vst v63  }
0x20: {  	s7 =	simm.s32 $0x2690  }
0x21: {  	[tilespmem:s7], [sflag:$0x1] =	stream.indirect.gather [hbm4b:s9+s0], $0x1, s31, s0, $0xb8;
	[tilespmem:$0x4910] =	vst v63  }
0x22: {  	s8 =	simm.s32 $0x2890  }
0x23: {  	[tilespmem:s8], [sflag:$0x1] =	stream.indirect.gather [hbm4b:s10+s0], $0x1, s31, s0, $0xb8;
	[tilespmem:$0x4910] =	vst v63  }
0x24: {  	s6 =	simm.s32 $0x2A90  }
0x25: {  	[tilespmem:s6], [sflag:$0x1] =	stream.indirect.gather [hbm4b:s11+s0], $0x1, s31, s0, $0xb8;
	[tilespmem:$0x4910] =	vst v63  }
0x26: {  	s7 =	simm.s32 $0x2C90  }
0x27: {  	[tilespmem:s7], [sflag:$0x1] =	stream.indirect.gather [hbm4b:s12+s0], $0x1, s31, s0, $0xb8;
	[tilespmem:$0x4910] =	vst v63  }
0x28: {  	s8 =	simm.s32 $0x2E90  }
0x29: {  	[tilespmem:s8], [sflag:$0x1] =	stream.indirect.gather [hbm4b:s13+s0], $0x1, s31, s0, $0xb8;
	[tilespmem:$0x4910] =	vst v63  }
0x2a: {  	s6 =	simm.s32 $0x3090  }
0x2b: {  	[tilespmem:s6], [sflag:$0x1] =	stream.indirect.gather [hbm4b:s14+s0], $0x1, s31, s0, $0xb8;
	[tilespmem:$0x4910] =	vst v63  }
0x2c: {  	s7 =	simm.s32 $0x3290  }
0x2d: {  	[tilespmem:s7], [sflag:$0x1] =	stream.indirect.gather [hbm4b:s15+s0], $0x1, s31, s0, $0xb8;
	[tilespmem:$0x4910] =	vst v63  }
0x2e: {  	s8 =	simm.s32 $0x3490  }
0x2f: {  	[tilespmem:s8], [sflag:$0x1] =	stream.indirect.gather [hbm4b:s16+s0], $0x1, s31, s0, $0xb8;
	[tilespmem:$0x4910] =	vst v63  }
0x30: {  	s6 =	simm.s32 $0x3690  }
0x31: {  	[tilespmem:s6], [sflag:$0x1] =	stream.indirect.gather [hbm4b:s17+s0], $0x1, s31, s0, $0xb8;
	[tilespmem:$0x4910] =	vst v63  }
0x32: {  	s7 =	simm.s32 $0x3890  }
0x33: {  	[tilespmem:s7], [sflag:$0x1] =	stream.indirect.gather [hbm4b:s18+s0], $0x1, s31, s0, $0xb8;
	[tilespmem:$0x4910] =	vst v63  }
0x34: {  	s8 =	simm.s32 $0x3A90  }
0x35: {  	[tilespmem:s8], [sflag:$0x1] =	stream.indirect.gather [hbm4b:s19+s0], $0x1, s31, s0, $0xb8;
	[tilespmem:$0x4910] =	vst v63  }
0x36: {  	s6 =	simm.s32 $0x3C90  }
0x37: {  	[tilespmem:s6], [sflag:$0x1] =	stream.indirect.gather [hbm4b:s21+s0], $0x1, s31, s0, $0xb8;
	[tilespmem:$0x4910] =	vst v63  }
0x38: {  	s7 =	simm.s32 $0x3E90  }
0x39: {  	[tilespmem:s7], [sflag:$0x1] =	stream.indirect.gather [hbm4b:s22+s0], $0x1, s31, s0, $0xb8;
	[tilespmem:$0x4910] =	vst v63  }
0x3a: {  	s8 =	simm.s32 $0x4090  }
0x3b: {  	[tilespmem:s8], [sflag:$0x1] =	stream.indirect.gather [hbm4b:s23+s0], $0x1, s31, s0, $0xb8;
	[tilespmem:$0x4910] =	vst v63  }
0x3c: {  	s6 =	simm.s32 $0x4290  }
0x3d: {  	[tilespmem:s6], [sflag:$0x1] =	stream.indirect.gather [hbm4b:s24+s0], $0x1, s31, s0, $0xb8;
	[tilespmem:$0x4910] =	vst v63  }
0x3e: {  	s7 =	rddreg [dreg:$0x2];
	s8 =	simm.s32 $0x2000  }
0x3f: {  	[tilespmem:s8], [sflag:$0x2] =	stream.linear.gather [hbm4b:s7+s4], $0x80, $0x38;
	[tilespmem:$0x4910] =	vst v63  }
0x40: {  	_ =	swait.ge [sflag:s30], $0x80  }
0x41: {  	[sflag:s30] =	ssyncset.done $0x0  }
0x42: {  	s8 =	simm.s32 $0x2080;
	s7 =	rddreg [dreg:$0x8];
	[sflag:s30] =	ssyncadd.s32 $0xFFFFFF80  }
0x43: {  	[tilespmem:s8], [sflag:$0x2] =	stream.linear.gather [hbm4b:s7+s4], $0x10, $0x38;
	[tilespmem:$0x4910] =	vst v63  }
0x44: {  	_ =	swait.ge [sflag:s30], $0x10  }
0x45: {  	[sflag:s30] =	ssyncset.done $0x0  }
0x46: {  	[sflag:s30] =	ssyncadd.s32 $0xFFFFFFF0  }
0x47: {  	[tilespmem:s4], [sflag:$0x2] =	stream.linear.gather [hbm4b:s20+s4], $0x2000, $0x38;
	[tilespmem:$0x4910] =	vst v63  }
0x48: {  	_ =	swait.ge [sflag:s30], $0x2000  }
0x49: {  	[sflag:s30] =	ssyncset.done $0x0  }
0x4a: {  	[sflag:s30] =	ssyncadd.s32 $0xFFFFE000  }
0x4b: {  	v10 =	vld [tilespmem:$0x2000]  }
0x4c: {  	v11 =	vld [tilespmem:$0x2010]  }
0x4d: {  	v9 =	vld [tilespmem:$0x2020]  }
0x4e: {  	v8 =	vld [tilespmem:$0x2030]  }
0x4f: {  	v7 =	vld [tilespmem:$0x2040]  }
0x50: {  	v6 =	vld [tilespmem:$0x2050]  }
0x51: {  	v5 =	vld [tilespmem:$0x2060]  }
0x52: {  	s5 =	simm.s32 $0x400;
	v4 =	vld [tilespmem:$0x2070]  }
0x53: {  	v12 =	vld [tilespmem:s5+$0x3F0]  }
0x54: {  	v13 =	vld [tilespmem:s5+$0x370]  }
0x55: {  	v14 =	vld [tilespmem:s5+$0x3E0]  }
0x56: {  	v15 =	vld [tilespmem:s5+$0x2F0]  }
0x57: {  	v16 =	vld [tilespmem:s5+$0x360]  }
0x58: {  	v17 =	vld [tilespmem:s5+$0x3D0]  }
0x59: {  	v18 =	vld [tilespmem:s5+$0x270]  }
0x5a: {  	v19 =	vld [tilespmem:s5+$0x2E0]  }
0x5b: {  	v20 =	vld [tilespmem:s5+$0x350]  }
0x5c: {  	v21 =	vld [tilespmem:s5+$0x3C0]  }
0x5d: {  	v22 =	vld [tilespmem:s5+$0x1F0]  }
0x5e: {  	v23 =	vld [tilespmem:s5+$0x260]  }
0x5f: {  	v24 =	vld [tilespmem:s5+$0x2D0]  }
0x60: {  	v25 =	vld [tilespmem:s5+$0x340]  }
0x61: {  	v26 =	vld [tilespmem:s5+$0x3B0]  }
0x62: {  	v27 =	vld [tilespmem:s5+$0x170]  }
0x63: {  	v28 =	vld [tilespmem:s5+$0x1E0]  }
0x64: {  	v29 =	vld [tilespmem:s5+$0x250]  }
0x65: {  	v30 =	vld [tilespmem:s5+$0x2C0]  }
0x66: {  	v31 =	vld [tilespmem:s5+$0x330]  }
0x67: {  	v32 =	vld [tilespmem:s5+$0x3A0]  }
0x68: {  	v33 =	vld [tilespmem:s5+$0xF0]  }
0x69: {  	v34 =	vld [tilespmem:s5+$0x160]  }
0x6a: {  	v35 =	vld [tilespmem:s5+$0x1D0]  }
0x6b: {  	v36 =	vld [tilespmem:s5+$0x240]  }
0x6c: {  	v37 =	vld [tilespmem:s5+$0x2B0]  }
0x6d: {  	v39 =	vld [tilespmem:s5+$0x380]  }
0x6e: {  	v40 =	vld [tilespmem:s5+$0x390]  }
0x6f: {  	v38 =	vld [tilespmem:s5+$0x320]  }
0x70: {  	v41 =	vld [tilespmem:s5+$0x70]  }
0x71: {  	v42 =	vld [tilespmem:s5+$0xE0];
	v12 =	vmul.f32 v12, v4;
	v13 =	vmul.f32 v13, v4  }
0x72: {  	v43 =	vld [tilespmem:s5+$0x150];
	v14 =	vmul.f32 v14, v5;
	v39 =	vmul.f32 v39, v10  }
0x73: {  	v47 =	vld [tilespmem:s5+$0x300];
	v40 =	vmul.f32 v40, v11;
	v15 =	vmul.f32 v15, v4  }
0x74: {  	v48 =	vld [tilespmem:s5+$0x310];
	v16 =	vmul.f32 v16, v5;
	v32 =	vmul.f32 v32, v9  }
0x75: {  	v44 =	vld [tilespmem:s5+$0x1C0];
	v17 =	vmul.f32 v17, v6;
	v49 =	vmul.f32 v18, v4  }
0x76: {  	v45 =	vld [tilespmem:s5+$0x230];
	v50 =	vmul.f32 v19, v5;
	v20 =	vmul.f32 v20, v6  }
0x77: {  	v51 =	vld [tilespmem:s5+$0x200];
	v26 =	vmul.f32 v26, v8;
	v21 =	vmul.f32 v21, v7  }
0x78: {  	v58 =	vld [tilespmem:s5+$0x220];
	v23 =	vmul.f32 v23, v5;
	v24 =	vmul.f32 v24, v6  }
0x79: {  	v46 =	vld [tilespmem:s5+$0x2A0];
	v47 =	vmul.f32 v47, v10;
	v48 =	vmul.f32 v48, v11  }
0x7a: {  	v59 =	vld [tilespmem:s5+$0x1B0];
	v25 =	vmul.f32 v25, v7;
	v28 =	vmul.f32 v28, v5  }
0x7b: {  	v63 =	vld [tilespmem:s5+$0x190];
	v38 =	vmul.f32 v38, v9;
	v29 =	vmul.f32 v29, v6  }
0x7c: {  	v19 =	vld [tilespmem:s5+$0x280];
	v31 =	vmul.f32 v31, v8;
	v60 =	vmul.f32 v51, v10;
	v39 =	vadd.f32 v40, v39  }
0x7d: {  	v61 =	vmul.f32 v58, v9;
	v53 =	vmul.f32 v36, v7;
	v36 =	vld [tilespmem:s5+$0x130]  }
0x7e: {  	v30 =	vmul.f32 v30, v7;
	v18 =	vadd.f32 v32, v39;
	v32 =	vmul.f32 v22, v4;
	v22 =	vld [tilespmem:s5+$0x290]  }
0x7f: {  	v52 =	vmul.f32 v45, v8;
	v34 =	vmul.f32 v34, v5;
	v45 =	vld [tilespmem:s5+$0x40]  }
0x80: {  	v47 =	vadd.f32 v48, v47;
	v26 =	vadd.f32 v26, v18;
	v18 =	vmul.f32 v27, v4;
	v27 =	vld [tilespmem:s5+$0x210]  }
0x81: {  	v35 =	vmul.f32 v35, v6;
	v54 =	vmul.f32 v63, v11;
	v63 =	vld [tilespmem:s5+$0x110]  }
0x82: {  	v41 =	vmul.f32 v41, v4;
	v51 =	vld [tilespmem:s5+$0xFFFFFE20];
	v38 =	vadd.f32 v38, v47;
	v21 =	vadd.f32 v21, v26  }
0x83: {  	v40 =	vld [tilespmem:s5+$0xFFFFFFF0];
	v19 =	vmul.f32 v19, v10;
	v22 =	vmul.f32 v22, v11  }
0x84: {  	v43 =	vmul.f32 v43, v6;
	v39 =	vld [tilespmem:s5+$0x60];
	v31 =	vadd.f32 v31, v38;
	v17 =	vadd.f32 v17, v21  }
0x85: {  	v38 =	vld [tilespmem:s5+$0xFFFFFFE0];
	v19 =	vadd.f32 v22, v19;
	v22 =	vmul.f32 v46, v9;
	v27 =	vmul.f32 v27, v11  }
0x86: {  	v36 =	vmul.f32 v36, v8;
	v26 =	vld [tilespmem:s5+$0xD0];
	v25 =	vadd.f32 v25, v31;
	v14 =	vadd.f32 v14, v17  }
0x87: {  	v31 =	vld [tilespmem:s5+$0x180];
	v19 =	vadd.f32 v22, v19;
	v22 =	vmul.f32 v37, v8;
	v27 =	vadd.f32 v27, v60  }
0x88: {  	v48 =	vld [tilespmem:s5+$0xFFFFFEE0];
	v45 =	vmul.f32 v45, v7;
	v20 =	vadd.f32 v20, v25;
	v12 =	vadd.f32 v12, v14  }
0x89: {  	v51 =	vmul.f32 v51, v9;
	v25 =	vld [tilespmem:s5+$0xC0];
	v22 =	vadd.f32 v22, v19;
	v27 =	vadd.f32 v61, v27  }
0x8a: {  	v39 =	vmul.f32 v39, v5;
	v16 =	vadd.f32 v16, v20;
	v37 =	vld [tilespmem:s5+$0xFFFFFFD0];
	v62 =	vperm.xlane v12, v0  }
0x8b: {  	v38 =	vmul.f32 v38, v5;
	v22 =	vadd.f32 v30, v22;
	v30 =	vld [tilespmem:s5+$0x1A0];
	v27 =	vadd.f32 v52, v27  }
0x8c: {  	v21 =	vld [tilespmem:s5+$0x140];
	v31 =	vmul.f32 v31, v10;
	v26 =	vmul.f32 v26, v6;
	v12 =	vadd.f32 v12, v62  }
0x8d: {  	v46 =	vld [tilespmem:s5+$0xFFFFFED0];
	v19 =	vmul.f32 v33, v4;
	v20 =	vadd.f32 v24, v22;
	v22 =	vadd.f32 v53, v27  }
0x8e: {  	v13 =	vadd.f32 v13, v16;
	v25 =	vmul.f32 v25, v7;
	v27 =	vld [tilespmem:s5+$0xFFFFFF60];
	v16 =	vperm.xlane v12, v1  }
0x8f: {  	v17 =	vld [tilespmem:s5+$0xFFFFFF70];
	v37 =	vmul.f32 v37, v6;
	v20 =	vadd.f32 v50, v20;
	v22 =	vadd.f32 v29, v22  }
0x90: {  	v53 =	vld [tilespmem:s5+$0x90];
	v12 =	vadd.f32 v12, v16;
	v16 =	vadd.f32 v54, v31;
	v30 =	vmul.f32 v30, v9  }
0x91: {  	v60 =	vld [tilespmem:s5+$0xA0];
	v29 =	vperm.xlane v13, v0;
	v50 =	vmul.f32 v63, v11;
	v15 =	vadd.f32 v15, v20  }
0x92: {  	v14 =	vld [tilespmem:s5+$0x50];
	v20 =	vadd.f32 v23, v22;
	v22 =	vmul.f32 v59, v8;
	v16 =	vadd.f32 v30, v16  }
0x93: {  	v31 =	vld [tilespmem:s5+$0xB0];
	v13 =	vadd.f32 v13, v29;
	v23 =	vperm.xlane v12, v2;
	v27 =	vmul.f32 v27, v5  }
0x94: {  	v29 =	vld [tilespmem:s5+$0x120];
	v30 =	vperm.xlane v15, v0;
	v16 =	vadd.f32 v22, v16;
	v22 =	vmul.f32 v44, v7  }
0x95: {  	v33 =	vld [tilespmem:s5+$0xFFFFFE70];
	v53 =	vmul.f32 v53, v11;
	v55 =	vadd.f32 v49, v20;
	v56 =	vperm.xlane v13, v1  }
0x96: {  	v61 =	vld [tilespmem:s5+$0x100];
	v49 =	vmul.f32 v60, v9;
	v15 =	vadd.f32 v15, v30;
	v16 =	vadd.f32 v22, v16  }
0x97: {  	v24 =	vld [tilespmem:s5+$0xFFFFFEF0];
	v30 =	vmul.f32 v42, v5;
	v57 =	vperm.xlane v55, v0;
	v13 =	vadd.f32 v13, v56  }
0x98: {  	v52 =	vld [tilespmem:s5+$0xFFFFFE60];
	v31 =	vmul.f32 v31, v8;
	v58 =	vperm.xlane v15, v1;
	v16 =	vadd.f32 v35, v16  }
0x99: {  	v20 =	vld [tilespmem:s5+$0xFFFFFF50];
	v22 =	vmul.f32 v40, v4;
	v29 =	vmul.f32 v29, v9;
	v42 =	vadd.f32 v55, v57  }
0x9a: {  	v59 =	vperm.xlane v13, v2;
	v15 =	vadd.f32 v15, v58;
	v58 =	vld [tilespmem:s5+$0x80];
	v16 =	vadd.f32 v28, v16  }
0x9b: {  	v12 =	vadd.f32 v12, v23;
	v23 =	vld [tilespmem:s5+$0x10];
	v35 =	vmul.f32 v61, v10;
	v62 =	vperm.xlane v42, v1  }
0x9c: {  	v28 =	vperm.xlane v15, v2;
	v32 =	vadd.f32 v32, v16;
	v16 =	vmul.f32 v24, v4;
	v24 =	vld [tilespmem:s5+$0x0]  }
0x9d: {  	v60 =	vld [tilespmem:s5+$0xFFFFFF90];
	v57 =	vmul.f32 v21, v7;
	v21 =	vmul.f32 v17, v4;
	v17 =	vadd.f32 v42, v62  }
0x9e: {  	v35 =	vadd.f32 v50, v35;
	v42 =	vmul.f32 v14, v6;
	v14 =	vadd.f32 v15, v28;
	v28 =	vld [tilespmem:s5+$0x20]  }
0x9f: {  	v44 =	vld [tilespmem:s5+$0xFFFFFFC0];
	v54 =	vperm.xlane v17, v2;
	v47 =	vmul.f32 v58, v10  }
0xa0: {  	v56 =	vld [tilespmem:s5+$0xFFFFFF20];
	v23 =	vmul.f32 v23, v11;
	v29 =	vadd.f32 v29, v35;
	v55 =	vperm.xlane v32, v0  }
0xa1: {  	v15 =	vadd.f32 v17, v54;
	v17 =	vld [tilespmem:s5+$0xFFFFFF80];
	v47 =	vadd.f32 v53, v47;
	v24 =	vmul.f32 v24, v10  }
0xa2: {  	v40 =	vld [tilespmem:s5+$0x30];
	v20 =	vmul.f32 v20, v6;
	v29 =	vadd.f32 v36, v29;
	v32 =	vadd.f32 v32, v55  }
0xa3: {  	v62 =	vld [tilespmem:s5+$0xFFFFFFA0];
	v23 =	vadd.f32 v23, v24;
	v24 =	vmul.f32 v28, v9;
	v28 =	vadd.f32 v49, v47  }
0xa4: {  	v61 =	vld [tilespmem:s5+$0xFFFFFFB0];
	v13 =	vadd.f32 v13, v59;
	v29 =	vadd.f32 v57, v29;
	v59 =	vperm.xlane v32, v1  }
0xa5: {  	v50 =	vld [tilespmem:s5+$0xFFFFFF40];
	v58 =	vmul.f32 v44, v7;
	v54 =	vmul.f32 v60, v11;
	v28 =	vadd.f32 v31, v28  }
0xa6: {  	v55 =	vld [tilespmem:s5+$0xFFFFFF10];
	v29 =	vadd.f32 v43, v29;
	v32 =	vadd.f32 v32, v59;
	v63 =	vmul.f32 v17, v10  }
0xa7: {  	v23 =	vadd.f32 v24, v23;
	v24 =	vmul.f32 v40, v8;
	v31 =	vld [tilespmem:s5+$0xFFFFFF00];
	v25 =	vadd.f32 v25, v28  }
0xa8: {  	v36 =	vld [tilespmem:s5+$0xFFFFFDE0];
	v35 =	vmul.f32 v62, v9;
	v29 =	vadd.f32 v34, v29;
	v40 =	vadd.f32 v54, v63  }
0xa9: {  	v44 =	vld [tilespmem:s5+$0xFFFFFE40];
	v57 =	vmul.f32 v61, v8;
	v23 =	vadd.f32 v24, v23;
	v25 =	vadd.f32 v26, v25  }
0xaa: {  	v17 =	vmul.f32 v33, v4;
	v18 =	vadd.f32 v18, v29;
	v35 =	vadd.f32 v35, v40;
	v26 =	vld [tilespmem:s5+$0xFFFFFF30]  }
0xab: {  	v47 =	vperm.xlane v32, v2;
	v28 =	vld [tilespmem:s5+$0xFFFFFEC0];
	v23 =	vadd.f32 v45, v23;
	v25 =	vadd.f32 v30, v25  }
0xac: {  	v59 =	vadd.f32 v57, v35;
	v57 =	vld [tilespmem:s5+$0xFFFFFE90];
	v30 =	vmul.f32 v31, v10;
	v31 =	vmul.f32 v55, v11  }
0xad: {  	v24 =	vmul.f32 v48, v5;
	v23 =	vadd.f32 v42, v23;
	v42 =	vld [tilespmem:s5+$0xFFFFFDD0];
	v19 =	vadd.f32 v19, v25  }
0xae: {  	v49 =	vld [tilespmem:s5+$0xFFFFFE50];
	v25 =	vperm.xlane v18, v0;
	v30 =	vadd.f32 v31, v30;
	v31 =	vmul.f32 v56, v9  }
0xaf: {  	v34 =	vld [tilespmem:s5+$0xFFFFFC40];
	v33 =	vadd.f32 v58, v59;
	v23 =	vadd.f32 v39, v23;
	v26 =	vmul.f32 v26, v8  }
0xb0: {  	v39 =	vld [tilespmem:s5+$0xFFFFFEB0];
	v60 =	vperm.xlane v19, v0;
	v18 =	vadd.f32 v18, v25;
	v30 =	vadd.f32 v31, v30  }
0xb1: {  	v29 =	vld [tilespmem:s5+$0xFFFFFC70];
	v31 =	vadd.f32 v37, v33;
	v37 =	vmul.f32 v28, v7;
	v53 =	vmul.f32 v57, v11  }
0xb2: {  	v48 =	vld [tilespmem:s5+$0xFFFFFEA0];
	v23 =	vadd.f32 v41, v23;
	v28 =	vmul.f32 v42, v6;
	v62 =	vperm.xlane v18, v1  }
0xb3: {  	v40 =	vld [tilespmem:s5+$0xFFFFFC30];
	v26 =	vadd.f32 v26, v30;
	v30 =	vmul.f32 v50, v7;
	v31 =	vadd.f32 v38, v31  }
0xb4: {  	v45 =	vld [tilespmem:s5+$0xFFFFFC60];
	v61 =	vperm.xlane v23, v0;
	v19 =	vadd.f32 v19, v60;
	v63 =	vadd.f32 v18, v62  }
0xb5: {  	v25 =	vld [tilespmem:s5+$0xFFFFFDC0];
	v54 =	vmul.f32 v39, v8;
	v18 =	vadd.f32 v30, v26;
	v22 =	vadd.f32 v22, v31  }
0xb6: {  	v33 =	vld [tilespmem:s5+$0xFFFFFE30];
	v35 =	vadd.f32 v23, v61;
	v23 =	vperm.xlane v19, v1;
	v31 =	vmul.f32 v46, v6  }
0xb7: {  	v41 =	vld [tilespmem:s5+$0xFFFFFD80];
	v30 =	vmul.f32 v49, v6;
	v18 =	vadd.f32 v20, v18;
	v20 =	vperm.xlane v22, v0  }
0xb8: {  	v26 =	vperm.xlane v35, v1;
	v43 =	vadd.f32 v19, v23;
	v23 =	vmul.f32 v52, v5;
	v52 =	vld [tilespmem:s5+$0xFFFFFE80]  }
0xb9: {  	v42 =	vld [tilespmem:s5+$0xFFFFFD90];
	v19 =	vperm.xlane v63, v2;
	v27 =	vadd.f32 v27, v18;
	v20 =	vadd.f32 v22, v20  }
0xba: {  	v58 =	vadd.f32 v35, v26;
	v59 =	vperm.xlane v43, v2;
	v26 =	vmul.f32 v36, v5;
	v22 =	vld [tilespmem:s5+$0xFFFFFE00]  }
0xbb: {  	v60 =	vadd.f32 v21, v27;
	v21 =	vperm.xlane v20, v1;
	v27 =	vmul.f32 v29, v4;
	v29 =	vld [tilespmem:s5+$0xFFFFFE10]  }
0xbc: {  	v38 =	vld [tilespmem:s5+$0xFFFFFC50];
	v18 =	vadd.f32 v32, v47;
	v19 =	vadd.f32 v63, v19;
	v61 =	vperm.xlane v58, v2  }
0xbd: {  	v50 =	vld [tilespmem:s5+$0xFFFFFDB0];
	v36 =	vmul.f32 v44, v7;
	v52 =	vmul.f32 v52, v10;
	v63 =	vadd.f32 v20, v21  }
0xbe: {  	v39 =	vld [tilespmem:s5+$0xFFFFFD00];
	v62 =	vperm.xlane v60, v0;
	v20 =	vadd.f32 v43, v59;
	v21 =	vadd.f32 v58, v61  }
0xbf: {  	v46 =	vld [tilespmem:s5+$0xFFFFFC80];
	v59 =	vmul.f32 v48, v9;
	v58 =	vadd.f32 v53, v52;
	v61 =	vmul.f32 v22, v10  }
0xc0: {  	v35 =	vld [tilespmem:s5+$0xFFFFFDA0];
	v57 =	vperm.xlane v63, v2;
	v60 =	vadd.f32 v60, v62;
	v62 =	vmul.f32 v29, v11  }
0xc1: {  	v44 =	vld [tilespmem:s5+$0xFFFFFC00];
	v32 =	vmul.f32 v25, v7;
	v48 =	vmul.f32 v33, v8;
	v47 =	vadd.f32 v59, v58  }
0xc2: {  	v43 =	vld [tilespmem:s5+$0xFFFFFC20];
	v22 =	vadd.f32 v63, v57;
	v63 =	vperm.xlane v60, v1;
	v53 =	vadd.f32 v62, v61  }
0xc3: {  	v33 =	vmul.f32 v38, v6;
	v29 =	vmul.f32 v45, v5;
	v45 =	vld [tilespmem:s5+$0xFFFFFC10];
	v49 =	vadd.f32 v54, v47  }
0xc4: {  	s6 =	simm.s32 $0x0;
	s7 =	simm.s32 $0x40;
	v38 =	vmul.f32 v50, v8;
	v47 =	vld [tilespmem:s5+$0xFFFFFC90];
	v25 =	vadd.f32 v60, v63;
	v50 =	vadd.f32 v51, v53  }
.LBB2_2:
0xc5: {  	p0 =	sne.s32 s7, $0xC0;
	v34 =	vmul.f32 v34, v7;
	v51 =	vld [tilespmem:s5+$0xFFFFFD10];
	v35 =	vmul.f32 v35, v9;
	v37 =	vadd.f32 v37, v49  }
0xc6: {  	v40 =	vmul.f32 v40, v8;
	v41 =	vmul.f32 v41, v10;
	v49 =	vld [tilespmem:s5+$0xFFFFFCA0];
	v48 =	vadd.f32 v48, v50  }
0xc7: {  	v43 =	vmul.f32 v43, v9;
	v42 =	vmul.f32 v42, v11;
	v50 =	vld [tilespmem:s5+$0xFFFFFD20];
	v31 =	vadd.f32 v31, v37  }
0xc8: {  	v37 =	vmul.f32 v44, v10;
	v44 =	vmul.f32 v45, v11;
	v45 =	vld [tilespmem:s5+$0xFFFFFCB0];
	v36 =	vadd.f32 v36, v48  }
0xc9: {  	v46 =	vmul.f32 v46, v10;
	v47 =	vmul.f32 v47, v11;
	v48 =	vld [tilespmem:s5+$0xFFFFFD30];
	v24 =	vadd.f32 v24, v31  }
0xca: {  	v39 =	vmul.f32 v39, v10;
	v31 =	vld [tilespmem:s5+$0xFFFFFCC0];
	v51 =	vmul.f32 v51, v11;
	v30 =	vadd.f32 v30, v36  }
0xcb: {  	v36 =	vadd.f32 v44, v37;
	v37 =	vadd.f32 v47, v46;
	v44 =	vmul.f32 v49, v9;
	v46 =	vld [tilespmem:s5+$0xFFFFFD40]  }
0xcc: {  	v41 =	vadd.f32 v42, v41;
	v47 =	vld [tilespmem:s5+$0xFFFFFCD0];
	v39 =	vadd.f32 v51, v39;
	v49 =	vmul.f32 v50, v9  }
0xcd: {  	v36 =	vadd.f32 v43, v36;
	v37 =	vadd.f32 v44, v37;
	v42 =	vmul.f32 v45, v8;
	v43 =	vld [tilespmem:s5+$0xFFFFFD50]  }
0xce: {  	v35 =	vadd.f32 v35, v41;
	v44 =	vld [tilespmem:s5+$0xFFFFFCE0];
	v39 =	vadd.f32 v49, v39;
	v45 =	vmul.f32 v48, v8  }
0xcf: {  	v36 =	vadd.f32 v40, v36;
	v37 =	vadd.f32 v42, v37;
	v31 =	vmul.f32 v31, v7;
	v40 =	vld [tilespmem:s5+$0xFFFFFD60]  }
0xd0: {  	v35 =	vadd.f32 v38, v35;
	v41 =	vld [tilespmem:s5+$0xFFFFFCF0];
	v39 =	vadd.f32 v45, v39;
	v42 =	vmul.f32 v46, v7  }
0xd1: {  	v34 =	vadd.f32 v34, v36;
	v31 =	vadd.f32 v31, v37;
	v36 =	vmul.f32 v47, v6;
	v37 =	vld [tilespmem:s5+$0xFFFFFD70]  }
0xd2: {  	v32 =	vadd.f32 v32, v35;
	v38 =	vadd.f32 v42, v39;
	v39 =	vmul.f32 v43, v6;
	v35 =	vld [tilespmem:s5+$0xFFFFFDF0]  }
0xd3: {  	v33 =	vadd.f32 v33, v34;
	v31 =	vadd.f32 v36, v31;
	v34 =	vmul.f32 v44, v5  }
0xd4: {  	v28 =	vadd.f32 v28, v32;
	v36 =	vadd.f32 v39, v38;
	v38 =	vmul.f32 v40, v5  }
0xd5: {  	v29 =	vadd.f32 v29, v33;
	v31 =	vadd.f32 v34, v31;
	v32 =	vmul.f32 v41, v4  }
0xd6: {  	v26 =	vadd.f32 v26, v28;
	v33 =	vadd.f32 v38, v36;
	v34 =	vmul.f32 v37, v4  }
0xd7: {  	v27 =	vadd.f32 v27, v29;
	v28 =	vadd.f32 v32, v31;
	v29 =	vmul.f32 v35, v4  }
0xd8: {  	v23 =	vadd.f32 v23, v30;
	v30 =	vperm.xlane v25, v2;
	v31 =	vadd.f32 v34, v33  }
0xd9: {  	v32 =	vperm.xlane v27, v0;
	v33 =	vperm.xlane v28, v0;
	v26 =	vadd.f32 v29, v26  }
0xda: {  	v16 =	vadd.f32 v16, v24;
	v17 =	vadd.f32 v17, v23;
	v29 =	vperm.xlane v31, v0  }
0xdb: {  	v23 =	vadd.f32 v27, v32;
	v24 =	vadd.f32 v28, v33;
	v27 =	vperm.xlane v26, v0  }
0xdc: {  	v28 =	vadd.f32 v31, v29;
	v29 =	vperm.xlane v17, v0;
	v31 =	vperm.xlane v16, v0  }
0xdd: {  	v32 =	vperm.xlane v23, v1;
	v33 =	vperm.xlane v24, v1;
	v26 =	vadd.f32 v26, v27  }
0xde: {  	v27 =	vperm.xlane v28, v1;
	v17 =	vadd.f32 v17, v29;
	v16 =	vadd.f32 v16, v31  }
0xdf: {  	v23 =	vadd.f32 v23, v32;
	v24 =	vadd.f32 v24, v33;
	v29 =	vperm.xlane v26, v1  }
0xe0: {  	v27 =	vadd.f32 v28, v27;
	v28 =	vperm.xlane v17, v1;
	v31 =	vperm.xlane v16, v1  }
0xe1: {  	v32 =	vperm.xlane v23, v2;
	v33 =	vperm.xlane v24, v2;
	v26 =	vadd.f32 v26, v29  }
0xe2: {  	v29 =	vperm.xlane v27, v2;
	v17 =	vadd.f32 v17, v28;
	v16 =	vadd.f32 v16, v31  }
0xe3: {  	v23 =	vadd.f32 v23, v32;
	v24 =	vadd.f32 v24, v33;
	v28 =	vperm.xlane v26, v2  }
0xe4: {  	v27 =	vadd.f32 v27, v29;
	v29 =	vperm.xlane v17, v2;
	v31 =	vperm.xlane v16, v2  }
0xe5: {  	v32 =	vperm.xlane v23, v3;
	v33 =	vperm.xlane v24, v3;
	v26 =	vadd.f32 v26, v28  }
0xe6: {  	v28 =	vperm.xlane v27, v3;
	v17 =	vadd.f32 v17, v29;
	v16 =	vadd.f32 v16, v31  }
0xe7: {  	v23 =	vadd.f32 v23, v32;
	v24 =	vadd.f32 v24, v33;
	v29 =	vperm.xlane v26, v3  }
0xe8: {  	v25 =	vadd.f32 v25, v30;
	v27 =	vadd.f32 v27, v28;
	v28 =	vperm.xlane v17, v3  }
0xe9: {  	v23 =	vsel vm0, v23, v24;
	v24 =	vadd.f32 v26, v29;
	v26 =	vperm.xlane v16, v3  }
0xea: {  	v23 =	vsel vm1, v23, v27;
	v17 =	vadd.f32 v17, v28;
	v27 =	vperm.xlane v25, v3  }
0xeb: {  	v23 =	vsel vm2, v23, v24;
	v16 =	vadd.f32 v16, v26;
	v24 =	vperm.xlane v22, v3  }
0xec: {  	v17 =	vsel vm3, v23, v17;
	v23 =	vadd.f32 v25, v27;
	v25 =	vperm.xlane v21, v3  }
0xed: {  	v16 =	vsel vm4, v17, v16;
	v17 =	vadd.f32 v22, v24;
	v22 =	vperm.xlane v20, v3  }
0xee: {  	v16 =	vsel vm5, v16, v23;
	v21 =	vadd.f32 v21, v25;
	v23 =	vperm.xlane v19, v3  }
0xef: {  	v16 =	vsel vm6, v16, v17;
	v17 =	vadd.f32 v20, v22;
	v20 =	vperm.xlane v18, v3  }
0xf0: {  	v16 =	vsel vm7, v16, v21;
	v19 =	vadd.f32 v19, v23;
	v21 =	vperm.xlane v15, v3  }
0xf1: {  	v16 =	vsel vm8, v16, v17;
	v17 =	vadd.f32 v18, v20;
	v18 =	vperm.xlane v14, v3  }
0xf2: {  	v16 =	vsel vm9, v16, v19;
	v15 =	vadd.f32 v15, v21;
	v19 =	vperm.xlane v13, v3  }
0xf3: {  	v16 =	vsel vm10, v16, v17;
	v14 =	vadd.f32 v14, v18;
	v17 =	vperm.xlane v12, v3  }
0xf4: {  	v15 =	vsel vm11, v16, v15;
	v13 =	vadd.f32 v13, v19  }
0xf5: {  	v14 =	vsel vm12, v15, v14;
	v12 =	vadd.f32 v12, v17  }
0xf6: {  	v13 =	vsel vm13, v14, v13  }
0xf7: {  	s8 =	sshra.s32 s6, $0x2;
	s6 =	smov.u32 s7;
	v12 =	vsel vm14, v13, v12  }
0xf8: {  	s5 =	sadd.s32 $0x800, s5;
	[tilespmem:s8+$0x4890] =	vst v12  }
0xf9: {  	v13 =	vld [tilespmem:s5+$0x3F0]  }
0xfa: {  	v17 =	vld [tilespmem:s5+$0x370]  }
0xfb: {  	v18 =	vld [tilespmem:s5+$0x3E0]  }
0xfc: {  	v19 =	vld [tilespmem:s5+$0x2F0]  }
0xfd: {  	v20 =	vld [tilespmem:s5+$0x360]  }
0xfe: {  	v21 =	vld [tilespmem:s5+$0x3D0]  }
0xff: {  	v22 =	vld [tilespmem:s5+$0x270]  }
0x100: {  	v23 =	vld [tilespmem:s5+$0x2E0]  }
0x101: {  	v24 =	vld [tilespmem:s5+$0x350]  }
0x102: {  	v25 =	vld [tilespmem:s5+$0x3C0]  }
0x103: {  	v26 =	vld [tilespmem:s5+$0x1F0]  }
0x104: {  	v27 =	vld [tilespmem:s5+$0x260]  }
0x105: {  	v28 =	vld [tilespmem:s5+$0x2D0]  }
0x106: {  	v29 =	vld [tilespmem:s5+$0x340]  }
0x107: {  	v30 =	vld [tilespmem:s5+$0x3B0]  }
0x108: {  	v31 =	vld [tilespmem:s5+$0x170]  }
0x109: {  	v32 =	vld [tilespmem:s5+$0x1E0]  }
0x10a: {  	v33 =	vld [tilespmem:s5+$0x250]  }
0x10b: {  	v34 =	vld [tilespmem:s5+$0x2C0]  }
0x10c: {  	v35 =	vld [tilespmem:s5+$0x330]  }
0x10d: {  	v36 =	vld [tilespmem:s5+$0x3A0]  }
0x10e: {  	v37 =	vld [tilespmem:s5+$0xF0]  }
0x10f: {  	v38 =	vld [tilespmem:s5+$0x160]  }
0x110: {  	v39 =	vld [tilespmem:s5+$0x1D0]  }
0x111: {  	v40 =	vld [tilespmem:s5+$0x240]  }
0x112: {  	v41 =	vld [tilespmem:s5+$0x2B0]  }
0x113: {  	v42 =	vld [tilespmem:s5+$0x320]  }
0x114: {  	v43 =	vld [tilespmem:s5+$0x380]  }
0x115: {  	v44 =	vld [tilespmem:s5+$0x390]  }
0x116: {  	v15 =	vld [tilespmem:s5+$0x70]  }
0x117: {  	v14 =	vld [tilespmem:s5+$0xE0]  }
0x118: {  	v12 =	vld [tilespmem:s5+$0x150]  }
0x119: {  	v45 =	vmul.f32 v13, v4;
	v16 =	vld [tilespmem:s5+$0x1C0]  }
0x11a: {  	v47 =	vmul.f32 v17, v4;
	v48 =	vmul.f32 v18, v5;
	v46 =	vld [tilespmem:s5+$0x230]  }
0x11b: {  	v13 =	vmul.f32 v43, v10;
	v17 =	vmul.f32 v44, v11;
	v49 =	vld [tilespmem:s5+$0x2A0]  }
0x11c: {  	v20 =	vmul.f32 v20, v5;
	v43 =	vmul.f32 v19, v4;
	v18 =	vld [tilespmem:s5+$0x300]  }
0x11d: {  	v36 =	vmul.f32 v36, v9;
	v44 =	vmul.f32 v21, v6;
	v13 =	vadd.f32 v17, v13;
	v19 =	vld [tilespmem:s5+$0x310]  }
0x11e: {  	v22 =	vmul.f32 v22, v4;
	v50 =	vmul.f32 v23, v5;
	v17 =	vld [tilespmem:s5+$0xFFFFFFF0]  }
0x11f: {  	v24 =	vmul.f32 v24, v6;
	v30 =	vmul.f32 v30, v8;
	v36 =	vadd.f32 v36, v13;
	v23 =	vld [tilespmem:s5+$0x280]  }
0x120: {  	v25 =	vmul.f32 v25, v7;
	v13 =	vmul.f32 v26, v4;
	v26 =	vld [tilespmem:s5+$0x290]  }
0x121: {  	v27 =	vmul.f32 v27, v5;
	v28 =	vmul.f32 v28, v6;
	v30 =	vadd.f32 v30, v36;
	v21 =	vld [tilespmem:s5+$0x60]  }
0x122: {  	v51 =	vmul.f32 v18, v10;
	v36 =	vld [tilespmem:s5+$0x200];
	v19 =	vmul.f32 v19, v11  }
0x123: {  	v29 =	vmul.f32 v29, v7;
	v18 =	vmul.f32 v31, v4;
	v25 =	vadd.f32 v25, v30;
	v31 =	vld [tilespmem:s5+$0x210]  }
0x124: {  	v32 =	vmul.f32 v32, v5;
	v42 =	vmul.f32 v42, v9;
	v30 =	vld [tilespmem:s5+$0xD0];
	v19 =	vadd.f32 v19, v51  }
0x125: {  	v23 =	vmul.f32 v23, v10;
	v25 =	vadd.f32 v44, v25;
	v51 =	vld [tilespmem:s5+$0x220];
	v26 =	vmul.f32 v26, v11  }
0x126: {  	v33 =	vmul.f32 v33, v6;
	v35 =	vmul.f32 v35, v8;
	v44 =	vld [tilespmem:s5+$0x140];
	v19 =	vadd.f32 v42, v19  }
0x127: {  	v25 =	vadd.f32 v48, v25;
	v42 =	vld [tilespmem:s5+$0x1B0];
	v23 =	vadd.f32 v26, v23;
	v26 =	vmul.f32 v49, v9  }
0x128: {  	v36 =	vmul.f32 v36, v10;
	v48 =	vld [tilespmem:s5+$0xFFFFFF70];
	v31 =	vmul.f32 v31, v11;
	v19 =	vadd.f32 v35, v19  }
0x129: {  	v25 =	vadd.f32 v45, v25;
	v35 =	vld [tilespmem:s5+$0xFFFFFFE0];
	v23 =	vadd.f32 v26, v23;
	v26 =	vmul.f32 v41, v8  }
0x12a: {  	v41 =	vld [tilespmem:s5+$0x50];
	v31 =	vadd.f32 v31, v36;
	v36 =	vmul.f32 v51, v9;
	v19 =	vadd.f32 v29, v19  }
0x12b: {  	v29 =	vld [tilespmem:s5+$0x180];
	v23 =	vadd.f32 v26, v23;
	v26 =	vmul.f32 v34, v7;
	v34 =	vperm.xlane v25, v0  }
0x12c: {  	v45 =	vld [tilespmem:s5+$0x190];
	v31 =	vadd.f32 v36, v31;
	v36 =	vmul.f32 v46, v8;
	v24 =	vadd.f32 v24, v19  }
0x12d: {  	v19 =	vmul.f32 v37, v4;
	v46 =	vld [tilespmem:s5+$0xC0];
	v26 =	vadd.f32 v26, v23;
	v25 =	vadd.f32 v25, v34  }
0x12e: {  	v34 =	vld [tilespmem:s5+$0x1A0];
	v31 =	vadd.f32 v36, v31;
	v36 =	vmul.f32 v40, v7;
	v20 =	vadd.f32 v20, v24  }
0x12f: {  	v37 =	vmul.f32 v39, v6;
	v23 =	vmul.f32 v38, v5;
	v24 =	vld [tilespmem:s5+$0x130];
	v26 =	vadd.f32 v28, v26  }
0x130: {  	v28 =	vld [tilespmem:s5+$0xFFFFFEF0];
	v31 =	vadd.f32 v36, v31;
	v20 =	vadd.f32 v47, v20;
	v36 =	vperm.xlane v25, v1  }
0x131: {  	v29 =	vmul.f32 v29, v10;
	v38 =	vld [tilespmem:s5+$0xFFFFFF60];
	v39 =	vmul.f32 v45, v11;
	v26 =	vadd.f32 v50, v26  }
0x132: {  	v40 =	vld [tilespmem:s5+$0xFFFFFFD0];
	v31 =	vadd.f32 v33, v31;
	v33 =	vperm.xlane v20, v0;
	v36 =	vadd.f32 v25, v36  }
0x133: {  	v45 =	vld [tilespmem:s5+$0x40];
	v25 =	vadd.f32 v39, v29;
	v29 =	vmul.f32 v34, v9;
	v26 =	vadd.f32 v43, v26  }
0x134: {  	v34 =	vld [tilespmem:s5+$0xB0];
	v27 =	vadd.f32 v27, v31;
	v31 =	vadd.f32 v20, v33;
	v33 =	vperm.xlane v36, v2  }
0x135: {  	v39 =	vld [tilespmem:s5+$0x120];
	v20 =	vadd.f32 v29, v25;
	v29 =	vmul.f32 v42, v8;
	v42 =	vperm.xlane v26, v0  }
0x136: {  	v25 =	vmul.f32 v15, v4;
	v43 =	vld [tilespmem:s5+$0xFFFFFE70];
	v15 =	vadd.f32 v22, v27;
	v22 =	vperm.xlane v31, v1  }
0x137: {  	v16 =	vmul.f32 v16, v7;
	v47 =	vld [tilespmem:s5+$0xFFFFFEE0];
	v27 =	vadd.f32 v29, v20;
	v26 =	vadd.f32 v26, v42  }
0x138: {  	v42 =	vmul.f32 v14, v5;
	v20 =	vld [tilespmem:s5+$0xFFFFFF50];
	v14 =	vperm.xlane v15, v0;
	v31 =	vadd.f32 v31, v22  }
0x139: {  	v50 =	vmul.f32 v12, v6;
	v49 =	vld [tilespmem:s5+$0xFFFFFFC0];
	v12 =	vadd.f32 v16, v27;
	v16 =	vperm.xlane v26, v1  }
0x13a: {  	v22 =	vmul.f32 v17, v4;
	v17 =	vld [tilespmem:s5+$0x30];
	v14 =	vadd.f32 v15, v14;
	v15 =	vperm.xlane v31, v2  }
0x13b: {  	v51 =	vmul.f32 v21, v5;
	v52 =	vld [tilespmem:s5+$0xA0];
	v12 =	vadd.f32 v37, v12;
	v37 =	vadd.f32 v26, v16  }
0x13c: {  	v30 =	vmul.f32 v30, v6;
	v27 =	vld [tilespmem:s5+$0x100];
	v16 =	vperm.xlane v14, v1  }
0x13d: {  	v44 =	vmul.f32 v44, v7;
	v53 =	vld [tilespmem:s5+$0x110];
	v12 =	vadd.f32 v32, v12;
	v32 =	vperm.xlane v37, v2  }
0x13e: {  	v21 =	vmul.f32 v48, v4;
	v29 =	vmul.f32 v35, v5;
	v26 =	vld [tilespmem:s5+$0xFFFFFE60];
	v35 =	vadd.f32 v14, v16  }
0x13f: {  	v41 =	vmul.f32 v41, v6;
	v46 =	vmul.f32 v46, v7;
	v48 =	vld [tilespmem:s5+$0x80];
	v54 =	vadd.f32 v13, v12  }
0x140: {  	v24 =	vmul.f32 v24, v8;
	v55 =	vld [tilespmem:s5+$0x90];
	v56 =	vperm.xlane v35, v2  }
0x141: {  	v16 =	vmul.f32 v28, v4;
	v12 =	vadd.f32 v36, v33;
	v57 =	vld [tilespmem:s5+$0x0];
	v58 =	vperm.xlane v54, v0  }
0x142: {  	v13 =	vadd.f32 v31, v15;
	v36 =	vmul.f32 v27, v10;
	v33 =	vld [tilespmem:s5+$0x10];
	v53 =	vmul.f32 v53, v11  }
0x143: {  	v31 =	vmul.f32 v40, v6;
	v14 =	vadd.f32 v37, v32;
	v27 =	vmul.f32 v38, v5;
	v28 =	vld [tilespmem:s5+$0xFFFFFED0]  }
0x144: {  	v37 =	vmul.f32 v39, v9;
	v38 =	vadd.f32 v54, v58;
	v32 =	vld [tilespmem:s5+$0x20];
	v36 =	vadd.f32 v53, v36  }
0x145: {  	v15 =	vadd.f32 v35, v56;
	v40 =	vmul.f32 v48, v10;
	v39 =	vld [tilespmem:s5+$0xFFFFFF40];
	v48 =	vmul.f32 v55, v11  }
0x146: {  	v52 =	vmul.f32 v52, v9;
	v35 =	vld [tilespmem:s5+$0xFFFFFF80];
	v36 =	vadd.f32 v37, v36;
	v37 =	vperm.xlane v38, v1  }
0x147: {  	v54 =	vmul.f32 v57, v10;
	v53 =	vld [tilespmem:s5+$0xFFFFFF90];
	v33 =	vmul.f32 v33, v11;
	v40 =	vadd.f32 v48, v40  }
0x148: {  	v34 =	vmul.f32 v34, v8;
	v48 =	vld [tilespmem:s5+$0xFFFFFFB0];
	v24 =	vadd.f32 v24, v36;
	v36 =	vadd.f32 v38, v37  }
0x149: {  	v37 =	vld [tilespmem:s5+$0xFFFFFFA0];
	v33 =	vadd.f32 v33, v54;
	v32 =	vmul.f32 v32, v9;
	v38 =	vadd.f32 v52, v40  }
0x14a: {  	v45 =	vmul.f32 v45, v7;
	v40 =	vld [tilespmem:s5+$0xFFFFFDE0];
	v24 =	vadd.f32 v44, v24;
	v44 =	vperm.xlane v36, v2  }
0x14b: {  	v52 =	vld [tilespmem:s5+$0xFFFFFE50];
	v32 =	vadd.f32 v32, v33;
	v33 =	vmul.f32 v17, v8;
	v34 =	vadd.f32 v34, v38  }
0x14c: {  	v35 =	vmul.f32 v35, v10;
	v38 =	vld [tilespmem:s5+$0xFFFFFF00];
	v53 =	vmul.f32 v53, v11;
	v24 =	vadd.f32 v50, v24  }
0x14d: {  	v17 =	vmul.f32 v43, v4;
	v43 =	vld [tilespmem:s5+$0xFFFFFF10];
	v32 =	vadd.f32 v33, v32;
	v33 =	vadd.f32 v46, v34  }
0x14e: {  	v46 =	vld [tilespmem:s5+$0xFFFFFEC0];
	v34 =	vadd.f32 v53, v35;
	v35 =	vmul.f32 v37, v9;
	v23 =	vadd.f32 v23, v24  }
0x14f: {  	v24 =	vmul.f32 v47, v5;
	v37 =	vld [tilespmem:s5+$0xFFFFFF20];
	v32 =	vadd.f32 v45, v32;
	v30 =	vadd.f32 v30, v33  }
0x150: {  	v33 =	vld [tilespmem:s5+$0xFFFFFF30];
	v34 =	vadd.f32 v35, v34;
	v35 =	vmul.f32 v48, v8;
	v18 =	vadd.f32 v18, v23  }
0x151: {  	v23 =	vmul.f32 v49, v7;
	v45 =	vld [tilespmem:s5+$0xFFFFFC70];
	v32 =	vadd.f32 v41, v32;
	v30 =	vadd.f32 v42, v30  }
0x152: {  	v38 =	vmul.f32 v38, v10;
	v41 =	vld [tilespmem:s5+$0xFFFFFDD0];
	v42 =	vmul.f32 v43, v11;
	v34 =	vadd.f32 v35, v34  }
0x153: {  	v43 =	vld [tilespmem:s5+$0xFFFFFE40];
	v32 =	vadd.f32 v51, v32;
	v19 =	vadd.f32 v19, v30;
	v30 =	vperm.xlane v18, v0  }
0x154: {  	v47 =	vld [tilespmem:s5+$0xFFFFFEB0];
	v35 =	vadd.f32 v42, v38;
	v37 =	vmul.f32 v37, v9;
	v23 =	vadd.f32 v23, v34  }
0x155: {  	v38 =	vld [tilespmem:s5+$0xFFFFFC60];
	v25 =	vadd.f32 v25, v32;
	v32 =	vperm.xlane v19, v0;
	v18 =	vadd.f32 v18, v30  }
0x156: {  	v33 =	vmul.f32 v33, v8;
	v48 =	vld [tilespmem:s5+$0xFFFFFDC0];
	v30 =	vadd.f32 v37, v35;
	v23 =	vadd.f32 v31, v23  }
0x157: {  	v49 =	vld [tilespmem:s5+$0xFFFFFE30];
	v31 =	vperm.xlane v25, v0;
	v19 =	vadd.f32 v19, v32;
	v32 =	vperm.xlane v18, v1  }
0x158: {  	v50 =	vld [tilespmem:s5+$0xFFFFFEA0];
	v30 =	vadd.f32 v33, v30;
	v33 =	vmul.f32 v39, v7;
	v23 =	vadd.f32 v29, v23  }
0x159: {  	v51 =	vld [tilespmem:s5+$0xFFFFFC50];
	v25 =	vadd.f32 v25, v31;
	v29 =	vperm.xlane v19, v1;
	v32 =	vadd.f32 v18, v32  }
0x15a: {  	v20 =	vmul.f32 v20, v6;
	v53 =	vld [tilespmem:s5+$0xFFFFFDB0];
	v18 =	vadd.f32 v33, v30;
	v22 =	vadd.f32 v22, v23  }
0x15b: {  	v33 =	vld [tilespmem:s5+$0xFFFFFE20];
	v30 =	vperm.xlane v25, v1;
	v29 =	vadd.f32 v19, v29;
	v19 =	vperm.xlane v32, v2  }
0x15c: {  	v23 =	vmul.f32 v26, v5;
	v39 =	vld [tilespmem:s5+$0xFFFFFE80];
	v18 =	vadd.f32 v20, v18;
	v20 =	vperm.xlane v22, v0  }
0x15d: {  	v31 =	vmul.f32 v28, v6;
	v42 =	vld [tilespmem:s5+$0xFFFFFE90];
	v25 =	vadd.f32 v25, v30;
	v54 =	vperm.xlane v29, v2  }
0x15e: {  	v26 =	vmul.f32 v40, v5;
	v34 =	vld [tilespmem:s5+$0xFFFFFC40];
	v27 =	vadd.f32 v27, v18;
	v20 =	vadd.f32 v22, v20  }
0x15f: {  	v37 =	vmul.f32 v46, v7;
	v30 =	vmul.f32 v52, v6;
	v18 =	vadd.f32 v36, v44;
	v35 =	vld [tilespmem:s5+$0xFFFFFDA0]  }
0x160: {  	v46 =	vperm.xlane v25, v2;
	v22 =	vld [tilespmem:s5+$0xFFFFFE00];
	v44 =	vadd.f32 v21, v27;
	v21 =	vperm.xlane v20, v1  }
0x161: {  	v28 =	vmul.f32 v41, v6;
	v19 =	vadd.f32 v32, v19;
	v27 =	vmul.f32 v45, v4;
	v45 =	vld [tilespmem:s5+$0xFFFFFE10]  }
0x162: {  	v36 =	vmul.f32 v43, v7;
	v40 =	vld [tilespmem:s5+$0xFFFFFC30];
	v32 =	vperm.xlane v44, v0;
	v52 =	vadd.f32 v20, v21  }
0x163: {  	v39 =	vmul.f32 v39, v10;
	v55 =	vmul.f32 v42, v11;
	v20 =	vadd.f32 v29, v54;
	v41 =	vld [tilespmem:s5+$0xFFFFFD80]  }
0x164: {  	v47 =	vmul.f32 v47, v8;
	v21 =	vadd.f32 v25, v46;
	v42 =	vld [tilespmem:s5+$0xFFFFFD90];
	v29 =	vperm.xlane v52, v2  }
0x165: {  	v46 =	vmul.f32 v50, v9;
	v25 =	vadd.f32 v55, v39;
	v50 =	vadd.f32 v44, v32;
	v43 =	vld [tilespmem:s5+$0xFFFFFC20]  }
.Ltmp0:
0x166: {  	v54 =	vmul.f32 v22, v10;
	v39 =	vld [tilespmem:s5+$0xFFFFFD00];
	v55 =	vmul.f32 v45, v11;
	v22 =	vadd.f32 v52, v29;
	(pc) =	sbr.rel @p0 .LBB2_2-.Ltmp0, $4  }
0x167: {  	v29 =	vmul.f32 v38, v5;
	v25 =	vadd.f32 v46, v25;
	v38 =	vperm.xlane v50, v1;
	v44 =	vld [tilespmem:s5+$0xFFFFFC00]  }
0x168: {  	v32 =	vmul.f32 v48, v7;
	v45 =	vld [tilespmem:s5+$0xFFFFFC10];
	v52 =	vadd.f32 v55, v54;
	v54 =	vmul.f32 v33, v9  }
0x169: {  	v48 =	vmul.f32 v49, v8;
	v49 =	vadd.f32 v47, v25;
	v25 =	vadd.f32 v50, v38;
	v46 =	vld [tilespmem:s5+$0xFFFFFC80]  }
0x16a: {  	s7 =	sadd.s32 $0x40, s7;
	v33 =	vmul.f32 v51, v6;
	v38 =	vmul.f32 v53, v8;
	v47 =	vld [tilespmem:s5+$0xFFFFFC90];
	v50 =	vadd.f32 v54, v52  }
0x16b: {  	v34 =	vmul.f32 v34, v7;
	v35 =	vmul.f32 v35, v9  }
0x16c: {  	v51 =	vld [tilespmem:s5+$0xFFFFFD10];
	v37 =	vadd.f32 v37, v49;
	v40 =	vmul.f32 v40, v8;
	v41 =	vmul.f32 v41, v10  }
0x16d: {  	v52 =	vld [tilespmem:s5+$0xFFFFFCA0];
	v43 =	vmul.f32 v43, v9;
	v42 =	vmul.f32 v42, v11;
	v48 =	vadd.f32 v48, v50  }
0x16e: {  	v53 =	vld [tilespmem:s5+$0xFFFFFD20];
	v54 =	vmul.f32 v44, v10;
	v55 =	vmul.f32 v45, v11  }
0x16f: {  	v56 =	vld [tilespmem:s5+$0xFFFFFCB0];
	v31 =	vadd.f32 v31, v37;
	v36 =	vadd.f32 v36, v48;
	v46 =	vmul.f32 v46, v10  }
0x170: {  	v57 =	vld [tilespmem:s5+$0xFFFFFD30];
	v10 =	vmul.f32 v39, v10;
	v47 =	vmul.f32 v47, v11;
	v59 =	vadd.f32 v55, v54  }
0x171: {  	v58 =	vld [tilespmem:s5+$0xFFFFFCC0];
	v24 =	vadd.f32 v24, v31;
	v11 =	vmul.f32 v51, v11;
	v30 =	vadd.f32 v30, v36  }
0x172: {  	v62 =	vld [tilespmem:s5+$0xFFFFFD40];
	v61 =	vmul.f32 v52, v9;
	v60 =	vadd.f32 v47, v46;
	v36 =	vadd.f32 v43, v59  }
0x173: {  	v63 =	vld [tilespmem:s5+$0xFFFFFCD0];
	v9 =	vmul.f32 v53, v9;
	v10 =	vadd.f32 v11, v10;
	v11 =	vadd.f32 v42, v41  }
0x174: {  	v49 =	vld [tilespmem:s5+$0xFFFFFD50];
	v47 =	vmul.f32 v56, v8;
	v16 =	vadd.f32 v16, v24;
	v37 =	vadd.f32 v61, v60  }
0x175: {  	v50 =	vld [tilespmem:s5+$0xFFFFFCE0];
	v8 =	vmul.f32 v57, v8;
	v9 =	vadd.f32 v9, v10;
	v10 =	vadd.f32 v35, v11  }
0x176: {  	v31 =	vmul.f32 v58, v7;
	v52 =	vld [tilespmem:s5+$0xFFFFFD60];
	v11 =	vadd.f32 v40, v36;
	v51 =	vadd.f32 v47, v37  }
0x177: {  	v53 =	vld [tilespmem:s5+$0xFFFFFCF0];
	v7 =	vmul.f32 v62, v7;
	v8 =	vadd.f32 v8, v9;
	v9 =	vadd.f32 v38, v10  }
0x178: {  	v55 =	vld [tilespmem:s5+$0xFFFFFD70];
	v54 =	vmul.f32 v63, v6;
	v10 =	vadd.f32 v34, v11;
	v11 =	vadd.f32 v31, v51  }
0x179: {  	v6 =	vmul.f32 v49, v6;
	v7 =	vadd.f32 v7, v8;
	v8 =	vadd.f32 v32, v9;
	v9 =	vld [tilespmem:s5+$0xFFFFFDF0]  }
0x17a: {  	v56 =	vmul.f32 v50, v5;
	v10 =	vadd.f32 v33, v10;
	v11 =	vadd.f32 v54, v11  }
0x17b: {  	v5 =	vmul.f32 v52, v5;
	v6 =	vadd.f32 v6, v7;
	v7 =	vadd.f32 v28, v8  }
0x17c: {  	v8 =	vadd.f32 v29, v10;
	v10 =	vadd.f32 v56, v11;
	v11 =	vmul.f32 v53, v4  }
0x17d: {  	v5 =	vadd.f32 v5, v6;
	v6 =	vmul.f32 v55, v4;
	v7 =	vadd.f32 v26, v7  }
0x17e: {  	v8 =	vadd.f32 v27, v8;
	v10 =	vadd.f32 v11, v10;
	v4 =	vmul.f32 v9, v4  }
0x17f: {  	v5 =	vadd.f32 v6, v5;
	v6 =	vadd.f32 v23, v30  }
0x180: {  	v11 =	vperm.xlane v8, v0;
	v23 =	vperm.xlane v10, v0;
	v4 =	vadd.f32 v4, v7  }
0x181: {  	v9 =	vperm.xlane v25, v2;
	v7 =	vperm.xlane v5, v0;
	v6 =	vadd.f32 v17, v6  }
0x182: {  	v8 =	vadd.f32 v8, v11;
	v10 =	vadd.f32 v10, v23;
	v11 =	vperm.xlane v4, v0  }
0x183: {  	v17 =	vperm.xlane v16, v0;
	v5 =	vadd.f32 v5, v7;
	v7 =	vperm.xlane v6, v0  }
0x184: {  	v23 =	vperm.xlane v8, v1;
	v57 =	vperm.xlane v10, v1;
	v4 =	vadd.f32 v4, v11  }
0x185: {  	v11 =	vperm.xlane v5, v1;
	v6 =	vadd.f32 v6, v7;
	v7 =	vadd.f32 v16, v17  }
0x186: {  	v8 =	vadd.f32 v8, v23;
	v10 =	vadd.f32 v10, v57;
	v16 =	vperm.xlane v4, v1  }
0x187: {  	v5 =	vadd.f32 v5, v11;
	v11 =	vperm.xlane v6, v1;
	v17 =	vperm.xlane v7, v1  }
0x188: {  	v23 =	vperm.xlane v8, v2;
	v24 =	vperm.xlane v10, v2;
	v4 =	vadd.f32 v4, v16  }
0x189: {  	v16 =	vperm.xlane v5, v2;
	v6 =	vadd.f32 v6, v11;
	v7 =	vadd.f32 v7, v17  }
0x18a: {  	v8 =	vadd.f32 v8, v23;
	v10 =	vadd.f32 v10, v24;
	v11 =	vperm.xlane v4, v2  }
0x18b: {  	v5 =	vadd.f32 v5, v16;
	v16 =	vperm.xlane v6, v2;
	v17 =	vperm.xlane v7, v2  }
0x18c: {  	v23 =	vperm.xlane v8, v3;
	v24 =	vperm.xlane v10, v3;
	v4 =	vadd.f32 v4, v11  }
0x18d: {  	v11 =	vperm.xlane v5, v3;
	v6 =	vadd.f32 v6, v16;
	v7 =	vadd.f32 v7, v17  }
0x18e: {  	v8 =	vadd.f32 v8, v23;
	v10 =	vadd.f32 v10, v24;
	v16 =	vperm.xlane v4, v3  }
0x18f: {  	v9 =	vadd.f32 v25, v9;
	v5 =	vadd.f32 v5, v11;
	v11 =	vperm.xlane v6, v3  }
0x190: {  	v8 =	vsel vm0, v8, v10;
	v4 =	vadd.f32 v4, v16;
	v10 =	vperm.xlane v7, v3  }
0x191: {  	v5 =	vsel vm1, v8, v5;
	v6 =	vadd.f32 v6, v11;
	v8 =	vperm.xlane v9, v3  }
0x192: {  	v4 =	vsel vm2, v5, v4;
	v5 =	vadd.f32 v7, v10;
	v7 =	vperm.xlane v22, v3  }
0x193: {  	v4 =	vsel vm3, v4, v6;
	v6 =	vadd.f32 v9, v8;
	v8 =	vperm.xlane v21, v3  }
0x194: {  	v4 =	vsel vm4, v4, v5;
	v5 =	vadd.f32 v22, v7;
	v7 =	vperm.xlane v20, v3  }
0x195: {  	v4 =	vsel vm5, v4, v6;
	v6 =	vadd.f32 v21, v8;
	v8 =	vperm.xlane v19, v3  }
0x196: {  	v4 =	vsel vm6, v4, v5;
	v5 =	vadd.f32 v20, v7;
	v7 =	vperm.xlane v18, v3  }
0x197: {  	v4 =	vsel vm7, v4, v6;
	v6 =	vadd.f32 v19, v8;
	v8 =	vperm.xlane v15, v3  }
0x198: {  	v4 =	vsel vm8, v4, v5;
	v5 =	vadd.f32 v18, v7;
	v7 =	vperm.xlane v14, v3  }
0x199: {  	v4 =	vsel vm9, v4, v6;
	v6 =	vadd.f32 v15, v8;
	v8 =	vperm.xlane v13, v3  }
0x19a: {  	v4 =	vsel vm10, v4, v5;
	v5 =	vadd.f32 v14, v7;
	v7 =	vperm.xlane v12, v3  }
0x19b: {  	v4 =	vsel vm11, v4, v6;
	v6 =	vadd.f32 v13, v8  }
0x19c: {  	v4 =	vsel vm12, v4, v5;
	v5 =	vadd.f32 v12, v7  }
0x19d: {  	v4 =	vsel vm13, v4, v6  }
0x19e: {  	s6 =	sshra.s32 s6, $0x2;
	v4 =	vsel vm14, v4, v5  }
0x19f: {  	s7 =	simm.s32 $0x4890;
	[tilespmem:s6+$0x4890] =	vst v4  }
0x1a0: {  	[spmem:s25] =	stream.linear.scatter [tilespmem:s7], [sflag:$0x2], $0x40, $0x38;
	[tilespmem:$0x4910] =	vst v63  }
0x1a1: {  	_ =	swait.ge [sflag:s30], $0x40  }
0x1a2: {  	[sflag:s30] =	ssyncset.done $0x0  }
0x1a3: {  	[sflag:s30] =	ssyncadd.s32 $0xFFFFFFC0  }
0x1a4: {  	[bflag:$0x0] =	sbarrier.arrive $0xFFFF  }
0x1a5: {  	s8 =	rddreg [dreg:$0x5]  }
0x1a6: {  	[tilespmem:s1], [sflag:$0x2] =	stream.linear.gather [spmem:s8], $0x400, $0x38;
	[tilespmem:$0x4910] =	vst v63  }
0x1a7: {  	_ =	swait.ge [sflag:s30], $0x400  }
0x1a8: {  	[sflag:s30] =	ssyncset.done $0x0  }
0x1a9: {  	[sflag:s30] =	ssyncadd.s32 $0xFFFFFC00  }
0x1aa: {  	v4 =	vld [tilespmem:$0x2080];
	_ =	swait.ge [sflag:s2], $0x200  }
0x1ab: {  	[sflag:s2] =	ssyncset.done $0x0  }
0x1ac: {  	[sflag:s2] =	ssyncadd.s32 $0xFFFFFE00  }
0x1ad: {  	_ =	swait.ge [sflag:s2], $0x200  }
0x1ae: {  	[sflag:s2] =	ssyncset.done $0x0  }
0x1af: {  	[sflag:s2] =	ssyncadd.s32 $0xFFFFFE00  }
0x1b0: {  	_ =	swait.ge [sflag:s2], $0x200  }
0x1b1: {  	[sflag:s2] =	ssyncset.done $0x0  }
0x1b2: {  	[sflag:s2] =	ssyncadd.s32 $0xFFFFFE00  }
0x1b3: {  	_ =	swait.ge [sflag:s2], $0x200  }
0x1b4: {  	[sflag:s2] =	ssyncset.done $0x0  }
0x1b5: {  	[sflag:s2] =	ssyncadd.s32 $0xFFFFFE00  }
0x1b6: {  	_ =	swait.ge [sflag:s2], $0x200  }
0x1b7: {  	[sflag:s2] =	ssyncset.done $0x0  }
0x1b8: {  	[sflag:s2] =	ssyncadd.s32 $0xFFFFFE00  }
0x1b9: {  	_ =	swait.ge [sflag:s2], $0x200  }
0x1ba: {  	[sflag:s2] =	ssyncset.done $0x0  }
0x1bb: {  	[sflag:s2] =	ssyncadd.s32 $0xFFFFFE00  }
0x1bc: {  	_ =	swait.ge [sflag:s2], $0x200  }
0x1bd: {  	[sflag:s2] =	ssyncset.done $0x0  }
0x1be: {  	[sflag:s2] =	ssyncadd.s32 $0xFFFFFE00  }
0x1bf: {  	_ =	swait.ge [sflag:s2], $0x200  }
0x1c0: {  	[sflag:s2] =	ssyncset.done $0x0  }
0x1c1: {  	[sflag:s2] =	ssyncadd.s32 $0xFFFFFE00  }
0x1c2: {  	_ =	swait.ge [sflag:s2], $0x200  }
0x1c3: {  	[sflag:s2] =	ssyncset.done $0x0  }
0x1c4: {  	[sflag:s2] =	ssyncadd.s32 $0xFFFFFE00  }
0x1c5: {  	_ =	swait.ge [sflag:s2], $0x200  }
0x1c6: {  	[sflag:s2] =	ssyncset.done $0x0  }
0x1c7: {  	[sflag:s2] =	ssyncadd.s32 $0xFFFFFE00  }
0x1c8: {  	_ =	swait.ge [sflag:s2], $0x200  }
0x1c9: {  	[sflag:s2] =	ssyncset.done $0x0  }
0x1ca: {  	[sflag:s2] =	ssyncadd.s32 $0xFFFFFE00  }
0x1cb: {  	_ =	swait.ge [sflag:s2], $0x200  }
0x1cc: {  	[sflag:s2] =	ssyncset.done $0x0  }
0x1cd: {  	[sflag:s2] =	ssyncadd.s32 $0xFFFFFE00  }
0x1ce: {  	_ =	swait.ge [sflag:s2], $0x200  }
0x1cf: {  	[sflag:s2] =	ssyncset.done $0x0  }
0x1d0: {  	[sflag:s2] =	ssyncadd.s32 $0xFFFFFE00  }
0x1d1: {  	_ =	swait.ge [sflag:s2], $0x200  }
0x1d2: {  	[sflag:s2] =	ssyncset.done $0x0  }
0x1d3: {  	[sflag:s2] =	ssyncadd.s32 $0xFFFFFE00  }
0x1d4: {  	_ =	swait.ge [sflag:s2], $0x200  }
0x1d5: {  	[sflag:s2] =	ssyncset.done $0x0  }
0x1d6: {  	[sflag:s2] =	ssyncadd.s32 $0xFFFFFE00  }
0x1d7: {  	_ =	swait.ge [sflag:s2], $0x200  }
0x1d8: {  	[sflag:s2] =	ssyncset.done $0x0  }
0x1d9: {  	s5 =	simm.s32 $0x0;
	[sflag:s2] =	ssyncadd.s32 $0xFFFFFE00  }
0x1da: {  	v5 =	vld [tilespmem:s5+$0x3090]  }
0x1db: {  	v6 =	vld [tilespmem:s5+$0x2090]  }
0x1dc: {  	v8 =	vld [tilespmem:s5+$0x2690]  }
0x1dd: {  	v7 =	vld [tilespmem:s5+$0x3A90]  }
0x1de: {  	v9 =	vld [tilespmem:s5+$0x3690]  }
0x1df: {  	v10 =	vld [tilespmem:s5+$0x2A90]  }
0x1e0: {  	v12 =	vld [tilespmem:s5+$0x3E90];
	v5 =	vmul.f32 $1.442695020e+00, v5  }
0x1e1: {  	v11 =	vld [tilespmem:s5+$0x3C90];
	v8 =	vmul.f32 $1.442695020e+00, v8  }
0x1e2: {  	v14 =	vld [tilespmem:s5+$0x2C90];
	v7 =	vmul.f32 $1.442695020e+00, v7;
	(erf) = vpow2.f32 v5  }
0x1e3: {  	v9 =	vmul.f32 $1.442695020e+00, v9;
	v5 =	vld [tilespmem:s5+$0x2890];
	(erf) = vpow2.f32 v8  }
0x1e4: {  	v8 =	vmul.f32 $1.442695020e+00, v10;
	v10 =	vld [tilespmem:s5+$0x2E90];
	(erf) = vpow2.f32 v7  }
0x1e5: {  	v13 =	vld [tilespmem:s5+$0x3490];
	v7 =	vmul.f32 $1.442695020e+00, v12;
	(erf) = vpow2.f32 v9  }
0x1e6: {  	v12 =	vld [tilespmem:s5+$0x4290];
	v9 =	vmul.f32 $1.442695020e+00, v11;
	(erf) = vpow2.f32 v8  }
0x1e7: {  	v6 =	vld.idx.msk [tilespmem:v6+s1+$0x0], $0xffff;
	v11 =	vmul.f32 $1.442695020e+00, v14;
	(erf) = vpow2.f32 v7  }
0x1e8: {  	v8 =	vld [tilespmem:s5+$0x2490];
	v5 =	vmul.f32 $1.442695020e+00, v5;
	(erf) = vpow2.f32 v9  }
0x1e9: {  	v7 =	vld [tilespmem:s5+$0x3290];
	v9 =	vmul.f32 $1.442695020e+00, v10;
	(erf) = vpow2.f32 v11  }
0x1ea: {  	v14 =	vmul.f32 $1.442695020e+00, v13;
	v10 =	vld [tilespmem:s5+$0x3890];
	(erf) = vpow2.f32 v5  }
0x1eb: {  	v11 =	vld [tilespmem:s5+$0x4090];
	v5 =	vmul.f32 $1.442695020e+00, v12;
	(erf) = vpow2.f32 v9  }
0x1ec: {  	v12 =	vpop (erf);
	(erf) = vpow2.f32 v14  }
0x1ed: {  	v8 =	vmul.f32 $1.442695020e+00, v8;
	v13 =	vpop (erf);
	(erf) = vpow2.f32 v5;
	v5 =	vadd.f32 v6, v4  }
0x1ee: {  	v7 =	vmul.f32 $1.442695020e+00, v7;
	v16 =	vpop (erf)  }
0x1ef: {  	v6 =	vmul.f32 $1.442695020e+00, v10;
	(erf) = vpow2.f32 v8;
	v14 =	vpop (erf);
	v5 =	vsub.f32 $0.0e+00, v5  }
0x1f0: {  	v8 =	vmul.f32 $1.442695020e+00, v11;
	v15 =	vpop (erf);
	(erf) = vpow2.f32 v7  }
0x1f1: {  	(erf) = vpow2.f32 v6;
	v11 =	vpop (erf);
	v5 =	vmul.f32 $1.442695020e+00, v5  }
0x1f2: {  	v18 =	vpop (erf);
	(erf) = vpow2.f32 v8  }
0x1f3: {  	v10 =	vpop (erf);
	(erf) = vpow2.f32 v5  }
0x1f4: {  	v8 =	vpop (erf)  }
0x1f5: {  	v6 =	vpop (erf)  }
0x1f6: {  	v17 =	vpop (erf)  }
0x1f7: {  	v5 =	vpop (erf)  }
0x1f8: {  	v9 =	vpop (erf)  }
0x1f9: {  	v19 =	vpop (erf)  }
0x1fa: {  	v58 =	vadd.f32 v11, v18;
	v7 =	vpop (erf)  }
0x1fb: {  	v59 =	vadd.f32 v15, v8;
	v21 =	vadd.f32 v6, v10;
	v20 =	vpop (erf)  }
0x1fc: {  	v22 =	vadd.f32 v14, v17;
	v23 =	vadd.f32 v13, v9;
	v63 =	vpop (erf)  }
0x1fd: {  	v60 =	vadd.f32 v19, v12;
	v25 =	vadd.f32 $1.000000000e+00, v63  }
0x1fe: {  	v61 =	vadd.f32 v16, v7;
	v62 =	vadd.f32 v5, v20  }
0x1ff: {  	v23 =	vadd.f32 v59, v23;
	v21 =	vadd.f32 v60, v21;
	(erf) = vrcp.f32 v25  }
0x200: {  	v22 =	vadd.f32 v61, v22;
	v24 =	vadd.f32 v62, v58;
	_ =	sdelay $0x1  }
0x201: {  	v21 =	vadd.f32 v21, v23;
	v22 =	vadd.f32 v24, v22;
	_ =	sdelay $0x1  }
0x202: {  	s6 =	simm.s32 $0x40;
	v21 =	vadd.f32 v22, v21  }
.LBB2_4:
0x203: {  	p0 =	sne.s32 s6, $0x7C0;
	s7 =	smov.u32 s6;
	s6 =	sadd.s32 $0x40, s6  }
0x204: {  	(erf) = vrcp.f32 v21;
	_ =	sdelay $0x1  }
0x205: {  	v21 =	vpop (erf)  }
0x206: {  	v22 =	vsub.f32 $1.000000000e+00, v21;
	_ =	sdelay $0x4  }
0x207: {  	v22 =	vmul.f32 $6.666667010e-02, v22  }
0x208: {  	v23 =	vpop (erf)  }
0x209: {  	v21 =	vsub.f32 v21, v22;
	v15 =	vmul.f32 v23, v15;
	v12 =	vmul.f32 v23, v12  }
0x20a: {  	v13 =	vmul.f32 v23, v13;
	v16 =	vmul.f32 v23, v16  }
0x20b: {  	v19 =	vmul.f32 v23, v19;
	v12 =	vmul.f32 v12, v21  }
0x20c: {  	s7 =	sshra.s32 s7, $0x2;
	v13 =	vmul.f32 v13, v21;
	v16 =	vmul.f32 v16, v21  }
0x20d: {  	v14 =	vmul.f32 v23, v14;
	v15 =	vmul.f32 v15, v21;
	v12 =	vadd.f32 v12, v22  }
0x20e: {  	v18 =	vmul.f32 v23, v18;
	v13 =	vadd.f32 v13, v22;
	v16 =	vadd.f32 v16, v22  }
0x20f: {  	v15 =	vadd.f32 v15, v22;
	[tilespmem:s5+$0x3090] =	vst v12;
	v12 =	vmul.f32 v14, v21;
	v14 =	vmul.f32 v23, v20  }
0x210: {  	v11 =	vmul.f32 v23, v11;
	v18 =	vmul.f32 v18, v21  }
0x211: {  	v20 =	vld [tilespmem:s7+$0x3090];
	[tilespmem:s5+$0x2690] =	vst v13;
	v13 =	vmul.f32 v23, v17;
	v12 =	vadd.f32 v12, v22;
	v14 =	vmul.f32 v14, v21  }
0x212: {  	v10 =	vmul.f32 v23, v10;
	v11 =	vmul.f32 v11, v21;
	v17 =	vld [tilespmem:s7+$0x2090];
	[tilespmem:s5+$0x3A90] =	vst v16;
	v16 =	vadd.f32 v18, v22  }
0x213: {  	v9 =	vmul.f32 v23, v9;
	v13 =	vmul.f32 v13, v21;
	[tilespmem:s5+$0x3690] =	vst v12;
	v12 =	vadd.f32 v14, v22  }
0x214: {  	v8 =	vmul.f32 v23, v8;
	v10 =	vmul.f32 v10, v21;
	v11 =	vadd.f32 v11, v22;
	[tilespmem:s5+$0x3C90] =	vst v16  }
0x215: {  	v6 =	vmul.f32 v23, v6;
	v9 =	vmul.f32 v9, v21;
	v13 =	vadd.f32 v13, v22;
	[tilespmem:s5+$0x4090] =	vst v12  }
0x216: {  	v8 =	vmul.f32 v8, v21;
	v10 =	vadd.f32 v10, v22;
	v12 =	vmul.f32 $1.442695020e+00, v20;
	[tilespmem:s5+$0x3E90] =	vst v11  }
0x217: {  	v7 =	vmul.f32 v23, v7;
	v6 =	vmul.f32 v6, v21;
	v9 =	vadd.f32 v9, v22;
	v11 =	vld [tilespmem:s7+$0x3A90];
	[tilespmem:s5+$0x3490] =	vst v13  }
0x218: {  	v5 =	vmul.f32 v23, v5;
	v8 =	vadd.f32 v8, v22;
	v13 =	vld [tilespmem:s7+$0x3690];
	[tilespmem:s5+$0x2C90] =	vst v10;
	v10 =	vmul.f32 v19, v21  }
0x219: {  	v7 =	vmul.f32 v7, v21;
	v6 =	vadd.f32 v6, v22;
	v14 =	vld [tilespmem:s7+$0x2690];
	[tilespmem:s5+$0x2A90] =	vst v15  }
0x21a: {  	v5 =	vmul.f32 v5, v21;
	v15 =	vld [tilespmem:s7+$0x2A90];
	[tilespmem:s5+$0x2890] =	vst v8;
	v8 =	vadd.f32 v10, v22  }
0x21b: {  	v10 =	vld [tilespmem:s7+$0x3C90];
	[tilespmem:s5+$0x2E90] =	vst v6;
	v6 =	vadd.f32 v7, v22  }
0x21c: {  	v5 =	vadd.f32 v5, v22;
	v7 =	vld [tilespmem:s7+$0x4090];
	[tilespmem:s5+$0x3290] =	vst v8  }
0x21d: {  	v8 =	vld [tilespmem:s7+$0x3E90];
	[tilespmem:s5+$0x3890] =	vst v6  }
0x21e: {  	v6 =	vmul.f32 $1.442695020e+00, v14;
	v14 =	vld [tilespmem:s7+$0x3490];
	[tilespmem:s5+$0x2490] =	vst v9  }
0x21f: {  	v11 =	vmul.f32 $1.442695020e+00, v11;
	v9 =	vld [tilespmem:s7+$0x2C90];
	(erf) = vpow2.f32 v12;
	[tilespmem:s5+$0x4290] =	vst v5;
	s5 =	smov.u32 s7  }
0x220: {  	v12 =	vmul.f32 $1.442695020e+00, v13;
	v5 =	vld [tilespmem:s5+$0x2890];
	(erf) = vpow2.f32 v6  }
0x221: {  	v6 =	vmul.f32 $1.442695020e+00, v15;
	v13 =	vld [tilespmem:s5+$0x2E90];
	(erf) = vpow2.f32 v11  }
0x222: {  	v8 =	vmul.f32 $1.442695020e+00, v8;
	v11 =	vld [tilespmem:s5+$0x4290];
	(erf) = vpow2.f32 v12  }
0x223: {  	v10 =	vmul.f32 $1.442695020e+00, v10;
	v15 =	vld.idx.msk [tilespmem:v17+s1+$0x0], $0xffff;
	(erf) = vpow2.f32 v6  }
0x224: {  	v6 =	vld [tilespmem:s5+$0x2490];
	v9 =	vmul.f32 $1.442695020e+00, v9;
	(erf) = vpow2.f32 v8  }
0x225: {  	v5 =	vmul.f32 $1.442695020e+00, v5;
	v8 =	vld [tilespmem:s5+$0x3290];
	(erf) = vpow2.f32 v10  }
0x226: {  	v10 =	vmul.f32 $1.442695020e+00, v13;
	v17 =	vld [tilespmem:s5+$0x3890];
	(erf) = vpow2.f32 v9  }
0x227: {  	v9 =	vmul.f32 $1.442695020e+00, v14;
	(erf) = vpow2.f32 v5  }
0x228: {  	v5 =	vmul.f32 $1.442695020e+00, v11;
	(erf) = vpow2.f32 v10;
	v12 =	vpop (erf)  }
0x229: {  	v10 =	vadd.f32 v15, v4;
	v6 =	vmul.f32 $1.442695020e+00, v6;
	v13 =	vpop (erf);
	(erf) = vpow2.f32 v9  }
0x22a: {  	v8 =	vmul.f32 $1.442695020e+00, v8;
	v16 =	vpop (erf);
	(erf) = vpow2.f32 v5  }
0x22b: {  	v5 =	vsub.f32 $0.0e+00, v10;
	v9 =	vmul.f32 $1.442695020e+00, v17;
	(erf) = vpow2.f32 v6;
	v14 =	vpop (erf)  }
0x22c: {  	v6 =	vmul.f32 $1.442695020e+00, v7;
	v15 =	vpop (erf);
	(erf) = vpow2.f32 v8  }
0x22d: {  	v5 =	vmul.f32 $1.442695020e+00, v5;
	(erf) = vpow2.f32 v9;
	v11 =	vpop (erf)  }
0x22e: {  	v18 =	vpop (erf);
	(erf) = vpow2.f32 v6  }
0x22f: {  	(erf) = vpow2.f32 v5;
	v10 =	vpop (erf)  }
0x230: {  	v8 =	vpop (erf)  }
0x231: {  	v6 =	vpop (erf)  }
0x232: {  	v17 =	vpop (erf)  }
0x233: {  	v21 =	vadd.f32 v6, v10;
	v5 =	vpop (erf)  }
0x234: {  	v22 =	vadd.f32 v14, v17;
	v9 =	vpop (erf)  }
0x235: {  	v24 =	vadd.f32 v11, v18;
	v23 =	vadd.f32 v13, v9;
	v19 =	vpop (erf)  }
0x236: {  	v28 =	vadd.f32 v15, v8;
	v26 =	vadd.f32 v19, v12;
	v7 =	vpop (erf)  }
0x237: {  	v27 =	vadd.f32 v16, v7;
	v20 =	vpop (erf)  }
0x238: {  	v23 =	vadd.f32 v28, v23;
	v21 =	vadd.f32 v26, v21;
	v25 =	vpop (erf)  }
0x239: {  	v25 =	vadd.f32 $1.000000000e+00, v25;
	v22 =	vadd.f32 v27, v22  }
0x23a: {  	v26 =	vadd.f32 v5, v20  }
0x23b: {  	v21 =	vadd.f32 v21, v23;
	(erf) = vrcp.f32 v25  }
.Ltmp1:
0x23c: {  	v23 =	vadd.f32 v26, v24;
	(pc) =	sbr.rel @p0 .LBB2_4-.Ltmp1, $3  }
0x23d: {  	_ = 	snop  }
0x23e: {  	v22 =	vadd.f32 v23, v22;
	_ =	sdelay $0x1  }
0x23f: {  	v21 =	vadd.f32 v22, v21  }
0x240: {  	_ = 	snop  }
0x241: {  	(erf) = vrcp.f32 v21;
	_ =	sdelay $0x4  }
0x242: {  	v4 =	vpop (erf)  }
0x243: {  	v53 =	vsub.f32 $1.000000000e+00, v4;
	_ =	sdelay $0x1  }
0x244: {  	v21 =	vmul.f32 $6.666667010e-02, v53  }
0x245: {  	v22 =	vpop (erf)  }
0x246: {  	v4 =	vsub.f32 v4, v21;
	v12 =	vmul.f32 v22, v12  }
0x247: {  	v13 =	vmul.f32 v22, v13  }
0x248: {  	v16 =	vmul.f32 v22, v16;
	v12 =	vmul.f32 v12, v4  }
0x249: {  	v14 =	vmul.f32 v22, v14;
	v13 =	vmul.f32 v13, v4  }
0x24a: {  	v20 =	vmul.f32 v22, v20;
	v16 =	vmul.f32 v16, v4;
	v12 =	vadd.f32 v12, v21  }
0x24b: {  	v11 =	vmul.f32 v22, v11;
	v14 =	vmul.f32 v14, v4;
	v13 =	vadd.f32 v13, v21  }
0x24c: {  	v10 =	vmul.f32 v22, v10;
	v56 =	vmul.f32 v20, v4;
	v16 =	vadd.f32 v16, v21;
	[tilespmem:s5+$0x3090] =	vst v12  }
0x24d: {  	v15 =	vmul.f32 v22, v15;
	v11 =	vmul.f32 v11, v4;
	v14 =	vadd.f32 v14, v21;
	[tilespmem:s5+$0x2690] =	vst v13  }
0x24e: {  	v8 =	vmul.f32 v22, v8;
	v10 =	vmul.f32 v10, v4;
	v57 =	vadd.f32 v56, v21;
	[tilespmem:s5+$0x3A90] =	vst v16  }
0x24f: {  	v6 =	vmul.f32 v22, v6;
	v58 =	vmul.f32 v15, v4;
	v11 =	vadd.f32 v11, v21;
	[tilespmem:s5+$0x3690] =	vst v14  }
0x250: {  	v59 =	vmul.f32 v22, v19;
	v8 =	vmul.f32 v8, v4;
	v10 =	vadd.f32 v10, v21;
	[tilespmem:s5+$0x4090] =	vst v57  }
0x251: {  	v9 =	vmul.f32 v22, v9;
	v6 =	vmul.f32 v6, v4;
	v60 =	vadd.f32 v58, v21;
	[tilespmem:s5+$0x3E90] =	vst v11  }
0x252: {  	v18 =	vmul.f32 v22, v18;
	v61 =	vmul.f32 v59, v4;
	v8 =	vadd.f32 v8, v21;
	[tilespmem:s5+$0x2C90] =	vst v10  }
0x253: {  	v7 =	vmul.f32 v22, v7;
	v9 =	vmul.f32 v9, v4;
	v6 =	vadd.f32 v6, v21;
	[tilespmem:s5+$0x2A90] =	vst v60  }
0x254: {  	v55 =	vmul.f32 v22, v17;
	v54 =	vmul.f32 v18, v4;
	v62 =	vadd.f32 v61, v21;
	[tilespmem:s5+$0x2890] =	vst v8  }
0x255: {  	v5 =	vmul.f32 v22, v5;
	v7 =	vmul.f32 v7, v4;
	v63 =	vadd.f32 v9, v21;
	[tilespmem:s5+$0x2E90] =	vst v6  }
0x256: {  	v12 =	vadd.f32 v54, v21;
	v13 =	vmul.f32 v55, v4;
	[tilespmem:s5+$0x3290] =	vst v62  }
0x257: {  	v4 =	vmul.f32 v5, v4;
	v5 =	vadd.f32 v7, v21;
	[tilespmem:s5+$0x2490] =	vst v63  }
0x258: {  	[tilespmem:s5+$0x3C90] =	vst v12;
	v13 =	vadd.f32 v13, v21  }
0x259: {  	s29 =	sadd.s32 $0x1, s29;
	v4 =	vadd.f32 v4, v21;
	[tilespmem:s5+$0x3890] =	vst v5  }
0x25a: {  	p0 =	sne.s32 s29, s28;
	[tilespmem:s5+$0x3490] =	vst v13  }
.Ltmp2:
0x25b: {  	s8 =	simm.s32 $0x4000;
	[tilespmem:s5+$0x4290] =	vst v4;
	(pc) =	sbr.rel @p0 .LBB2_1-.Ltmp2, $4  }
0x25c: {  	[hbm4b:s26+s0] =	stream.strided.scatter [tilespmem:s3], [sflag:$0x2], $0x2000, s8, s0, $0x38;
	[tilespmem:$0x4910] =	vst v63  }
0x25d: {  	_ =	swait.ge [sflag:s30], $0x2000  }
0x25e: {  	[sflag:s30] =	ssyncset.done $0x0  }
0x25f: {  	[sflag:s30] =	ssyncadd.s32 $0xFFFFE000  }
0x260: {  	_ =	sfence.sel $0x180000  }
0x261: {  	[bflag:$0x0] =	sbarrier.arrive $0xFFFF  }
0x262: {  	_ =	strace $0x90000047  }
0x263: {  	s0 =	stileid.u32;
	[bflag:$0x2] =	sbarrier.arrive $0xFFFF  }
0x264: {  	p0 =	sne.s32 s0, $0x0;
	s0 =	rddreg [dreg:$0x6]  }
0x265: {  	s0 =	sadd.s32 @!p0 $0x100000, s0  }
0x266: {  	[sflag:s0] =	ssyncadd.tile.s32 @!p0 $0x1;
	_ =	shalt  }
.Lfunc_end2:
_tile_overlayer_lowered:
.L_overlay_start_2:
0x267: {  	(tag) =	ssettag $0x2  }
0x268: {  	s0 =	rddreg [dreg:$0x0];
	s2 =	stileid.u32  }
0x269: {  	s1 =	rddreg [dreg:$0x1];
	p0 =	sne.s32 s2, $0x0  }
0x26a: {  	s3 =	rddreg [dreg:$0x2];
	[bflag:$0x3] =	sbarrier.arrive $0xFFFF;
	s2 =	simm.s32 @!p0 $0x1C02  }
0x26b: {  	[timem:s3], [sflag:s2] =	dma.local @!p0 [hbm:s0], s1  }
0x26c: {  	s0 =	simm.s32 @!p0 $0x2  }
0x26d: {  	_ =	swait.ge @!p0 [sflag:s0], s1  }
0x26e: {  	s1 =	ssub.s32 @!p0 $0x0, s1;
	[sflag:s0] =	ssyncset.done @!p0 $0x0  }
0x26f: {  	[sflag:s0] =	ssyncadd.s32 @!p0 s1  }
0x270: {  	[bflag:$0x3] =	sbarrier.arrive $0xFFFF  }
0x271: {  	_ =	shalt  }

</sc_bundles>
